<compile_context>
chip_gen: v7x
topology: tpu7x:2x2x1
jax: 0.10.2.dev20260603
libtpu: 0.0.44.dev20260713+nightly
codegen_flags: <defaults>
</compile_context>

<pallas_src>
import functools

import jax
import jax.numpy as jnp
from jax import lax
from jax.experimental import pallas as pl
from jax.experimental.pallas import tpu as pltpu
from jax.experimental.pallas import tpu_sc as plsc

_RADIUS2 = 0.25
_S = 32
_PBLK = 256
_NCHUNK = 2048
_WPW = 16
_NTILES = 32
_RING = 4


def _bq_body(new_ref, xyzt_ref, idx_ref):
    newb = new_ref[0]
    xyzt = xyzt_ref[0]
    n_pts = xyzt.shape[1]
    nchunks = n_pts // _NCHUNK
    nwc = _NCHUNK // _WPW
    nw = n_pts // _WPW

    sq_c = jnp.sum(newb * newb, axis=1, keepdims=True)

    nn = lax.broadcasted_iota(jnp.int32, (_NCHUNK, 2 * nwc), 0)
    cc = lax.broadcasted_iota(jnp.int32, (_NCHUNK, 2 * nwc), 1)
    wsel = jnp.where(cc < nwc, cc, cc - nwc)
    same = (nn // _WPW) == wsel
    pw = jnp.where(cc < nwc, (1 << (nn % _WPW)).astype(jnp.float32), 1.0)
    wmat = jnp.where(same, pw, 0.0).astype(jnp.bfloat16)

    words_cols = []
    cnts_cols = []
    for ci in range(nchunks):
        xc = lax.slice(xyzt, (0, ci * _NCHUNK), (3, (ci + 1) * _NCHUNK))
        cross = jnp.dot(newb, xc, preferred_element_type=jnp.float32)
        sq_x = jnp.sum(xc * xc, axis=0, keepdims=True)
        dist2 = sq_c + sq_x - 2.0 * cross
        m = (dist2 < _RADIUS2).astype(jnp.bfloat16)
        wc = jnp.dot(m, wmat, preferred_element_type=jnp.float32)
        words_cols.append(lax.slice(wc, (0, 0), (_PBLK, nwc)))
        cnts_cols.append(lax.slice(wc, (0, nwc), (_PBLK, 2 * nwc)))
    words = jnp.concatenate(words_cols, axis=1)
    cnts = jnp.concatenate(cnts_cols, axis=1)

    rr = lax.broadcasted_iota(jnp.int32, (nw, nw), 0)
    c2 = lax.broadcasted_iota(jnp.int32, (nw, nw), 1)
    tri = (rr <= c2).astype(jnp.bfloat16)
    cum = jnp.dot(cnts.astype(jnp.bfloat16), tri,
                  preferred_element_type=jnp.float32)
    prev = cum - cnts
    total = lax.slice(cum, (0, nw - 1), (_PBLK, nw))

    wi = lax.broadcasted_iota(jnp.int32, (_PBLK, nw), 1).astype(jnp.float32)
    combo_base = wi * 16384.0 + prev
    combo_cols = []
    word_cols = []
    for s in range(_S):
        sf = float(s)
        mf = jnp.logical_and(prev <= sf, cum > sf).astype(jnp.float32)
        combo_cols.append(jnp.sum(mf * combo_base, axis=1, keepdims=True))
        word_cols.append(jnp.sum(mf * words, axis=1, keepdims=True))
    combo = jnp.concatenate(combo_cols, axis=1)
    wordv = jnp.concatenate(word_cols, axis=1)

    cwi = combo.astype(jnp.int32)
    w_i = cwi >> 14
    base = cwi & 16383
    wv = wordv.astype(jnp.int32)
    si = lax.broadcasted_iota(jnp.int32, (_PBLK, _S), 1)
    j = si - base
    run = jnp.zeros((_PBLK, _S), jnp.int32)
    pos = jnp.zeros((_PBLK, _S), jnp.int32)
    for k in range(_WPW):
        bit = (wv >> k) & 1
        if k > 0:
            hit = jnp.logical_and(bit > 0, run == j)
            pos = pos + jnp.where(hit, k, 0)
        run = run + bit
    n_idx = w_i * _WPW + pos
    valid = si < total.astype(jnp.int32)
    idx = jnp.where(valid, n_idx + 1, 0)
    idx_ref[0] = jnp.transpose(idx, (1, 0))


def _ball_query(new_xyz, xyz_t):
    b, p, _ = new_xyz.shape
    n = xyz_t.shape[2]
    return pl.pallas_call(
        _bq_body,
        grid=(b, p // _PBLK),
        in_specs=[
            pl.BlockSpec((1, _PBLK, 3), lambda bi, ji: (bi, ji, 0)),
            pl.BlockSpec((1, 3, n), lambda bi, ji: (bi, 0, 0)),
        ],
        out_specs=pl.BlockSpec((1, _S, _PBLK), lambda bi, ji: (bi, 0, ji)),
        out_shape=jax.ShapeDtypeStruct((b, _S, p), jnp.int32),
    )(new_xyz, xyz_t)


def _sc_gather(idxt, feats, xyzf, nxpf, b_sz, c_sz, n, p):
    ntb = _NTILES // b_sz
    pchunk = p // ntb
    nvp = pchunk // 16
    out_ch = c_sz + 3

    mesh = plsc.VectorSubcoreMesh(core_axis_name="c", subcore_axis_name="s")

    def body(idx_hbm, feats_hbm, xyzf_hbm, nxp_hbm, out_hbm,
             idx_v, gi_v, mz_v, xyzrow_v, nxp_v,
             row0, row1, row2, row3, oxyz, o0, o1, o2, o3, dump_sh,
             rs0, rs1, rs2, rs3, os0, os1, os2, os3):
        rows = [row0, row1, row2, row3]
        outs = [o0, o1, o2, o3]
        rowsems = [rs0, rs1, rs2, rs3]
        outsems = [os0, os1, os2, os3]
        cid = lax.axis_index("c")
        sid = lax.axis_index("s")
        wid = sid * 2 + cid
        bb = wid // ntb
        pc = wid % ntb
        p0 = pc * pchunk
        pltpu.sync_copy(idx_hbm.at[bb, :, pl.ds(p0, pchunk)], idx_v)
        pltpu.sync_copy(xyzf_hbm.at[pl.ds(bb * 3 * n, 3 * n)],
                        xyzrow_v.at[pl.ds(0, 3 * n)])
        xyzrow_v[pl.ds(3 * n, 16)] = jnp.zeros((16,), jnp.float32)
        for d in range(3):
            pltpu.sync_copy(
                nxp_hbm.at[pl.ds((bb * 3 + d) * p + p0, pchunk)],
                nxp_v.at[pl.ds(d * pchunk, pchunk)])

        @plsc.parallel_loop(0, _S * nvp, 1, unroll=4)
        def _(v):
            s = v >> 4
            off = (v & (nvp - 1)) * 16
            iv = idx_v[s, pl.ds(off, 16)]
            valid = iv > 0
            gi_v[s, pl.ds(off, 16)] = jnp.where(valid, iv - 1, n)
            mz_v[s, pl.ds(off, 16)] = jnp.where(valid, 1.0, 0.0)

        for d in range(3):
            @plsc.parallel_loop(0, _S * nvp, 1, unroll=4)
            def _(v, d=d):
                s = v >> 4
                off = (v & (nvp - 1)) * 16
                g = gi_v[s, pl.ds(off, 16)]
                vals = plsc.load_gather(xyzrow_v, [g * 3 + d])
                nx = nxp_v[pl.ds(d * pchunk + off, 16)]
                m = mz_v[s, pl.ds(off, 16)]
                oxyz[s, pl.ds(off, 16)] = (vals - nx) * m
            pltpu.sync_copy(oxyz, out_hbm.at[bb, d, :, pl.ds(p0, pchunk)])

        for r in range(_RING):
            pltpu.async_copy(
                feats_hbm.at[pl.ds((bb * c_sz + r) * n, n)],
                rows[r].at[pl.ds(0, n)], rowsems[r])
            rows[r][pl.ds(n, 16)] = jnp.zeros((16,), jnp.float32)
            pltpu.async_copy(outs[r], dump_sh, outsems[r])

        def chan_group(k, carry):
            for r in range(_RING):
                c = k * _RING + r
                pltpu.make_async_copy(
                    feats_hbm.at[pl.ds((bb * c_sz) * n, n)],
                    rows[r].at[pl.ds(0, n)], rowsems[r]).wait()
                pltpu.make_async_copy(outs[r], dump_sh, outsems[r]).wait()

                @plsc.parallel_loop(0, _S * nvp, 1, unroll=8)
                def _(v, r=r):
                    s = v >> 4
                    off = (v & (nvp - 1)) * 16
                    g = gi_v[s, pl.ds(off, 16)]
                    vals = plsc.load_gather(rows[r], [g])
                    outs[r][s, pl.ds(off, 16)] = vals

                pltpu.async_copy(
                    outs[r],
                    out_hbm.at[bb, 3 + c, :, pl.ds(p0, pchunk)],
                    outsems[r])
                cnext = jnp.minimum(c + _RING, c_sz - 1)
                pltpu.async_copy(
                    feats_hbm.at[pl.ds((bb * c_sz + cnext) * n, n)],
                    rows[r].at[pl.ds(0, n)], rowsems[r])
            return carry
        lax.fori_loop(0, c_sz // _RING, chan_group, 0)

        for r in range(_RING):
            pltpu.make_async_copy(
                feats_hbm.at[pl.ds((bb * c_sz) * n, n)],
                rows[r].at[pl.ds(0, n)], rowsems[r]).wait()
            pltpu.make_async_copy(outs[r], dump_sh, outsems[r]).wait()

    k = pl.kernel(
        body,
        out_type=jax.ShapeDtypeStruct((b_sz, out_ch, _S, p), jnp.float32),
        mesh=mesh,
        compiler_params=pltpu.CompilerParams(needs_layout_passes=False),
        scratch_types=(
            [
                pltpu.VMEM((_S, pchunk), jnp.int32),
                pltpu.VMEM((_S, pchunk), jnp.int32),
                pltpu.VMEM((_S, pchunk), jnp.float32),
                pltpu.VMEM((3 * n + 16,), jnp.float32),
                pltpu.VMEM((3 * pchunk,), jnp.float32),
            ]
            + [pltpu.VMEM((n + 16,), jnp.float32)] * _RING
            + [pltpu.VMEM((_S, pchunk), jnp.float32)] * (1 + _RING)
            + [pltpu.VMEM_SHARED((_S, pchunk), jnp.float32)]
            + [pltpu.SemaphoreType.DMA] * (2 * _RING)
        ),
    )
    return k(idxt, feats, xyzf, nxpf)


def kernel(xyz, new_xyz, features):
    b, c, n = features.shape
    p = new_xyz.shape[1]
    xyz_t = jnp.transpose(xyz, (0, 2, 1))
    idxt = _ball_query(new_xyz, xyz_t)
    xyzf = xyz.reshape(b * 3 * n)
    nxpf = jnp.transpose(new_xyz, (0, 2, 1)).reshape(b * 3 * p)
    out = _sc_gather(idxt, features.reshape(b * c * n), xyzf, nxpf,
                     b, c, n, p)
    return jnp.transpose(out, (0, 1, 3, 2))

# --- scband reference (transcript-rebuilt; emitter-appended) ---
"""Pipeline reference for scband-query-and-group-shadow-22900765622772 (READ-ONLY COPY).

The authoritative reference and input builder live on the scoring server;
editing this copy changes nothing except your own understanding.
"""

import jax, jax.numpy as jnp
import numpy as np

RADIUS = 0.5
NSAMPLE = 32

def setup_inputs(seed: int = 0) -> dict:
    key = jax.random.key(seed)
    k1, k2, k3 = jax.random.split(key, 3)
    xyz = jax.random.normal(k1, (4, 8192, 3), dtype=jnp.float32)
    new_xyz = jax.random.normal(k2, (4, 2048, 3), dtype=jnp.float32)
    features = jax.random.normal(k3, (4, 128, 8192), dtype=jnp.float32)
    return {"xyz": xyz, "new_xyz": new_xyz, "features": features}

def _ball_query_shifted(radius, nsample, xyz, new_xyz):
    # Returns idx (B, npoint, nsample): indices into [shadow; xyz] (i.e. original index + 1),
    # 0 marks the shadow point (ball had fewer than nsample points inside radius).
    B, N, _ = xyz.shape
    sq_x = jnp.sum(xyz * xyz, axis=-1)           # (B, N)
    sq_c = jnp.sum(new_xyz * new_xyz, axis=-1)   # (B, P)
    cross = jnp.einsum('bpd,bnd->bpn', new_xyz, xyz)  # (B, P, N) dense matmul
    dist2 = sq_c[:, :, None] + sq_x[:, None, :] - 2.0 * cross
    mask = dist2 < (radius * radius)
    keyv = jnp.where(mask, jnp.arange(N, dtype=jnp.int32), jnp.int32(2 * N))
    neg_vals, _ = jax.lax.top_k(-keyv, nsample)  # first nsample in-ball indices, in order
    sel = -neg_vals                               # (B, P, nsample)
    idx = jnp.where(sel < N, sel + 1, 0).astype(jnp.int32)
    return idx

def _group(t, idx):
    # t: (B, C, N+1), idx: (B, P, S) -> (B, C, P, S)
    B, C, _ = t.shape
    P, S = idx.shape[1], idx.shape[2]
    idx_b = jnp.broadcast_to(idx.reshape(B, 1, P * S), (B, C, P * S))
    return jnp.take_along_axis(t, idx_b, axis=2).reshape(B, C, P, S)

def reference(xyz, new_xyz, features):
    B, C, N = features.shape
    idx = _ball_query_shifted(RADIUS, NSAMPLE, xyz, new_xyz)
    shadow = jnp.zeros((B, 1, 3), dtype=xyz.dtype)
    xyz_trans = jnp.transpose(jnp.concatenate([shadow, xyz], axis=1), (0, 2, 1))  # (B,3,N+1)
    grouped_xyz = _group(xyz_trans, idx)                                          # (B,3,P,S)
    grouped_xyz = grouped_xyz - jnp.transpose(new_xyz, (0, 2, 1))[..., None]
    # set_zero: zero out shadow slots after recentring
    zero_mask = (idx == 0)[:, None, :, :]
    grouped_xyz = jnp.where(zero_mask, jnp.zeros((), dtype=grouped_xyz.dtype), grouped_xyz)
    shadow_feat = jnp.zeros((B, C, 1), dtype=features.dtype)
    feat_sh = jnp.concatenate([shadow_feat, features], axis=-1)  # (B, C, N+1)
    grouped_features = _group(feat_sh, idx)                      # (B, C, P, S)
    new_features = jnp.concatenate([grouped_xyz, grouped_features], axis=1)  # (B, 3+C, P, S)
    return new_features

if __name__ == "__main__":
    import jax
    _d = setup_inputs()
    print(jax.jit(kernel)(*tuple(_d.values())))

</pallas_src>

<mosaic_0001>
#map = affine_map<(d0, d1) -> (0, 0, 0)>
#map1 = affine_map<(d0, d1) -> (0)>
#map2 = affine_map<(d0, d1) -> (0, 0, 0, 0)>
module attributes {stable_mosaic.version = 14 : i64} {
  func.func @body(%arg0: i32, %arg1: i32, %arg2: memref<4x32x2048xi32, #tpu.memory_space<hbm>>, %arg3: memref<4194304xf32, #tpu.memory_space<hbm>>, %arg4: memref<98304xf32, #tpu.memory_space<hbm>>, %arg5: memref<24576xf32, #tpu.memory_space<hbm>>, %arg6: memref<4x131x32x2048xf32, #tpu.memory_space<hbm>>, %arg7: memref<32x256xi32, #tpu.memory_space<vmem>>, %arg8: memref<32x256xi32, #tpu.memory_space<vmem>>, %arg9: memref<32x256xf32, #tpu.memory_space<vmem>>, %arg10: memref<24592xf32, #tpu.memory_space<vmem>>, %arg11: memref<768xf32, #tpu.memory_space<vmem>>, %arg12: memref<8208xf32, #tpu.memory_space<vmem>>, %arg13: memref<8208xf32, #tpu.memory_space<vmem>>, %arg14: memref<8208xf32, #tpu.memory_space<vmem>>, %arg15: memref<8208xf32, #tpu.memory_space<vmem>>, %arg16: memref<32x256xf32, #tpu.memory_space<vmem>>, %arg17: memref<32x256xf32, #tpu.memory_space<vmem>>, %arg18: memref<32x256xf32, #tpu.memory_space<vmem>>, %arg19: memref<32x256xf32, #tpu.memory_space<vmem>>, %arg20: memref<32x256xf32, #tpu.memory_space<vmem>>, %arg21: memref<32x256xf32, #tpu.memory_space<vmem_shared>>, %arg22: memref<!tpu.dma_semaphore, #tpu.memory_space<semaphore_mem>>, %arg23: memref<!tpu.dma_semaphore, #tpu.memory_space<semaphore_mem>>, %arg24: memref<!tpu.dma_semaphore, #tpu.memory_space<semaphore_mem>>, %arg25: memref<!tpu.dma_semaphore, #tpu.memory_space<semaphore_mem>>, %arg26: memref<!tpu.dma_semaphore, #tpu.memory_space<semaphore_mem>>, %arg27: memref<!tpu.dma_semaphore, #tpu.memory_space<semaphore_mem>>, %arg28: memref<!tpu.dma_semaphore, #tpu.memory_space<semaphore_mem>>, %arg29: memref<!tpu.dma_semaphore, #tpu.memory_space<semaphore_mem>>) attributes {dimension_semantics = [#tpu.dimension_semantics<core_parallel>, #tpu.dimension_semantics<subcore_parallel>], iteration_bounds = array<i64: 2, 16>, scalar_prefetch = 0 : i64, scratch_operands = 23 : i64, tpu.core_type = #tpu.core_type<sc_vector_subcore>, window_params = [{transform_indices = #map}, {transform_indices = #map1}, {transform_indices = #map1}, {transform_indices = #map1}, {transform_indices = #map2}]} {
    %mul3A = arith.constant 2 : i32
    %mul3A_0 = arith.muli %arg1, %mul3A : i32
    %add3A = arith.addi %mul3A_0, %arg0 : i32
    %jit3A = arith.constant 8 : i32
    %div3A = arith.divsi %add3A, %jit3A : i32
    %sign3A = arith.constant 0 : i32
    %sign3A_1 = arith.cmpi sgt, %add3A, %sign3A : i32
    %sign3A_2 = arith.extui %sign3A_1 : i1 to i32
    %sign3A_3 = arith.constant 0 : i32
    %sign3A_4 = arith.cmpi slt, %add3A, %sign3A_3 : i32
    %sign3A_5 = arith.extui %sign3A_4 : i1 to i32
    %sign3A_6 = arith.subi %sign3A_2, %sign3A_5 : i32
    %sign3A_7 = arith.constant 0 : i32
    %sign3A_8 = arith.cmpi sgt, %jit3A, %sign3A_7 : i32
    %sign3A_9 = arith.extui %sign3A_8 : i1 to i32
    %sign3A_10 = arith.constant 0 : i32
    %sign3A_11 = arith.cmpi slt, %jit3A, %sign3A_10 : i32
    %sign3A_12 = arith.extui %sign3A_11 : i1 to i32
    %sign3A_13 = arith.subi %sign3A_9, %sign3A_12 : i32
    %ne3A = arith.cmpi ne, %sign3A_6, %sign3A_13 : i32
    %rem3A = arith.remsi %add3A, %jit3A : i32
    %ne3A_14 = arith.constant 0 : i32
    %ne3A_15 = arith.cmpi ne, %rem3A, %ne3A_14 : i32
    %and3A = arith.andi %ne3A, %ne3A_15 : i1
    %sub3A = arith.constant 1 : i32
    %sub3A_16 = arith.subi %div3A, %sub3A : i32
    %select_n3A = arith.select %and3A, %sub3A_16, %div3A : i32
    %jit3A_17 = arith.constant 8 : i32
    %eq3A = arith.constant 0 : i32
    %eq3A_18 = arith.cmpi eq, %jit3A_17, %eq3A : i32
    %jit3A_19 = arith.constant 1 : i32
    %select_n3A_20 = arith.select %eq3A_18, %jit3A_19, %jit3A_17 : i32
    %rem3A_21 = arith.remsi %add3A, %select_n3A_20 : i32
    %ne3A_22 = arith.constant 0 : i32
    %ne3A_23 = arith.cmpi ne, %rem3A_21, %ne3A_22 : i32
    %lt3A = arith.constant 0 : i32
    %lt3A_24 = arith.cmpi slt, %rem3A_21, %lt3A : i32
    %lt3A_25 = arith.constant 0 : i32
    %lt3A_26 = arith.cmpi slt, %select_n3A_20, %lt3A_25 : i32
    %ne3A_27 = arith.xori %lt3A_24, %lt3A_26 : i1
    %and3A_28 = arith.andi %ne3A_27, %ne3A_23 : i1
    %add3A_29 = arith.addi %rem3A_21, %select_n3A_20 : i32
    %select_n3A_30 = arith.select %and3A_28, %add3A_29, %rem3A_21 : i32
    %mul3A_31 = arith.constant 256 : i32
    %mul3A_32 = arith.muli %select_n3A_30, %mul3A_31 : i32
    "tpu.region"() ({
      %run_scoped3A_180 = tpu.sem_alloc : memref<!tpu.dma_semaphore, #tpu.memory_space<semaphore_mem>>
      %dma_start3A_181 = arith.constant 0 : i32
      %dma_start3A_182 = tpu.memref_slice %arg2[%select_n3A, %dma_start3A_181, %mul3A_32] : memref<4x32x2048xi32, #tpu.memory_space<hbm>> -> memref<1x32x256xi32, #tpu.memory_space<hbm>>
      %dma_start3A_183 = tpu.memref_squeeze %dma_start3A_182 : memref<1x32x256xi32, #tpu.memory_space<hbm>> -> memref<32x256xi32, #tpu.memory_space<hbm>>
      %dma_start3A_184 = arith.constant 0 : i32
      %dma_start3A_185 = tpu.memref_slice %arg2[%select_n3A, %dma_start3A_184, %mul3A_32] : memref<4x32x2048xi32, #tpu.memory_space<hbm>> -> memref<1x32x256xi32, #tpu.memory_space<hbm>>
      %dma_start3A_186 = tpu.memref_squeeze %dma_start3A_185 : memref<1x32x256xi32, #tpu.memory_space<hbm>> -> memref<32x256xi32, #tpu.memory_space<hbm>>
      tpu.enqueue_dma source(%dma_start3A_186 : memref<32x256xi32, #tpu.memory_space<hbm>>) target(%arg7 : memref<32x256xi32, #tpu.memory_space<vmem>>) target_semaphore(%run_scoped3A_180 : memref<!tpu.dma_semaphore, #tpu.memory_space<semaphore_mem>>)
      %dma_wait3A_187 = arith.constant 0 : i32
      %dma_wait3A_188 = tpu.memref_slice %arg2[%select_n3A, %dma_wait3A_187, %mul3A_32] : memref<4x32x2048xi32, #tpu.memory_space<hbm>> -> memref<1x32x256xi32, #tpu.memory_space<hbm>>
      %dma_wait3A_189 = tpu.memref_squeeze %dma_wait3A_188 : memref<1x32x256xi32, #tpu.memory_space<hbm>> -> memref<32x256xi32, #tpu.memory_space<hbm>>
      %dma_wait3A_190 = arith.constant 0 : i32
      %dma_wait3A_191 = tpu.memref_slice %arg2[%select_n3A, %dma_wait3A_190, %mul3A_32] : memref<4x32x2048xi32, #tpu.memory_space<hbm>> -> memref<1x32x256xi32, #tpu.memory_space<hbm>>
      %dma_wait3A_192 = tpu.memref_squeeze %dma_wait3A_191 : memref<1x32x256xi32, #tpu.memory_space<hbm>> -> memref<32x256xi32, #tpu.memory_space<hbm>>
      tpu.wait_dma2 semaphore(%run_scoped3A_180 : memref<!tpu.dma_semaphore, #tpu.memory_space<semaphore_mem>>) src(%dma_wait3A_192 : memref<32x256xi32, #tpu.memory_space<hbm>>) dst(%arg7 : memref<32x256xi32, #tpu.memory_space<vmem>>)
      tpu.yield
    }) : () -> ()
    %mul3A_33 = arith.constant 3 : i32
    %mul3A_34 = arith.muli %select_n3A, %mul3A_33 : i32
    %mul3A_35 = arith.constant 8192 : i32
    %mul3A_36 = arith.muli %mul3A_34, %mul3A_35 : i32
    "tpu.region"() ({
      %run_scoped3A_180 = tpu.sem_alloc : memref<!tpu.dma_semaphore, #tpu.memory_space<semaphore_mem>>
      %dma_start3A_181 = arith.constant 0 : i32
      %dma_start3A_182 = tpu.memref_slice %arg10[%dma_start3A_181] : memref<24592xf32, #tpu.memory_space<vmem>> -> memref<24576xf32, #tpu.memory_space<vmem>>
      %dma_start3A_183 = tpu.memref_slice %arg4[%mul3A_36] : memref<98304xf32, #tpu.memory_space<hbm>> -> memref<24576xf32, #tpu.memory_space<hbm>>
      %dma_start3A_184 = arith.constant 0 : i32
      %dma_start3A_185 = tpu.memref_slice %arg10[%dma_start3A_184] : memref<24592xf32, #tpu.memory_space<vmem>> -> memref<24576xf32, #tpu.memory_space<vmem>>
      %dma_start3A_186 = tpu.memref_slice %arg4[%mul3A_36] : memref<98304xf32, #tpu.memory_space<hbm>> -> memref<24576xf32, #tpu.memory_space<hbm>>
      tpu.enqueue_dma source(%dma_start3A_186 : memref<24576xf32, #tpu.memory_space<hbm>>) target(%dma_start3A_185 : memref<24576xf32, #tpu.memory_space<vmem>>) target_semaphore(%run_scoped3A_180 : memref<!tpu.dma_semaphore, #tpu.memory_space<semaphore_mem>>)
      %dma_wait3A_187 = arith.constant 0 : i32
      %dma_wait3A_188 = tpu.memref_slice %arg10[%dma_wait3A_187] : memref<24592xf32, #tpu.memory_space<vmem>> -> memref<24576xf32, #tpu.memory_space<vmem>>
      %dma_wait3A_189 = tpu.memref_slice %arg4[%mul3A_36] : memref<98304xf32, #tpu.memory_space<hbm>> -> memref<24576xf32, #tpu.memory_space<hbm>>
      %dma_wait3A_190 = arith.constant 0 : i32
      %dma_wait3A_191 = tpu.memref_slice %arg10[%dma_wait3A_190] : memref<24592xf32, #tpu.memory_space<vmem>> -> memref<24576xf32, #tpu.memory_space<vmem>>
      %dma_wait3A_192 = tpu.memref_slice %arg4[%mul3A_36] : memref<98304xf32, #tpu.memory_space<hbm>> -> memref<24576xf32, #tpu.memory_space<hbm>>
      tpu.wait_dma2 semaphore(%run_scoped3A_180 : memref<!tpu.dma_semaphore, #tpu.memory_space<semaphore_mem>>) src(%dma_wait3A_192 : memref<24576xf32, #tpu.memory_space<hbm>>) dst(%dma_wait3A_191 : memref<24576xf32, #tpu.memory_space<vmem>>)
      tpu.yield
    }) : () -> ()
    %broadcast_in_dim3A = arith.constant 0.000000e+00 : f32
    %broadcast_in_dim3A_37 = vector.broadcast %broadcast_in_dim3A : f32 to vector<16xf32>
    %swap3A = arith.constant 24576 : index
    %swap3A_38 = tpu.vector_load %arg10[%swap3A] {strides = array<i32>} : memref<24592xf32, #tpu.memory_space<vmem>>, vector<16xf32>,
    tpu.vector_store %arg10[%swap3A], %broadcast_in_dim3A_37 {strides = array<i32>} : memref<24592xf32, #tpu.memory_space<vmem>>, vector<16xf32>,
    %mul3A_39 = arith.constant 3 : i32
    %mul3A_40 = arith.muli %select_n3A, %mul3A_39 : i32
    %add3A_41 = arith.constant 0 : i32
    %add3A_42 = arith.addi %mul3A_40, %add3A_41 : i32
    %mul3A_43 = arith.constant 2048 : i32
    %mul3A_44 = arith.muli %add3A_42, %mul3A_43 : i32
    %add3A_45 = arith.addi %mul3A_44, %mul3A_32 : i32
    "tpu.region"() ({
      %run_scoped3A_180 = tpu.sem_alloc : memref<!tpu.dma_semaphore, #tpu.memory_space<semaphore_mem>>
      %dma_start3A_181 = arith.constant 0 : i32
      %dma_start3A_182 = tpu.memref_slice %arg11[%dma_start3A_181] : memref<768xf32, #tpu.memory_space<vmem>> -> memref<256xf32, #tpu.memory_space<vmem>>
      %dma_start3A_183 = tpu.memref_slice %arg5[%add3A_45] : memref<24576xf32, #tpu.memory_space<hbm>> -> memref<256xf32, #tpu.memory_space<hbm>>
      %dma_start3A_184 = arith.constant 0 : i32
      %dma_start3A_185 = tpu.memref_slice %arg11[%dma_start3A_184] : memref<768xf32, #tpu.memory_space<vmem>> -> memref<256xf32, #tpu.memory_space<vmem>>
      %dma_start3A_186 = tpu.memref_slice %arg5[%add3A_45] : memref<24576xf32, #tpu.memory_space<hbm>> -> memref<256xf32, #tpu.memory_space<hbm>>
      tpu.enqueue_dma source(%dma_start3A_186 : memref<256xf32, #tpu.memory_space<hbm>>) target(%dma_start3A_185 : memref<256xf32, #tpu.memory_space<vmem>>) target_semaphore(%run_scoped3A_180 : memref<!tpu.dma_semaphore, #tpu.memory_space<semaphore_mem>>)
      %dma_wait3A_187 = arith.constant 0 : i32
      %dma_wait3A_188 = tpu.memref_slice %arg11[%dma_wait3A_187] : memref<768xf32, #tpu.memory_space<vmem>> -> memref<256xf32, #tpu.memory_space<vmem>>
      %dma_wait3A_189 = tpu.memref_slice %arg5[%add3A_45] : memref<24576xf32, #tpu.memory_space<hbm>> -> memref<256xf32, #tpu.memory_space<hbm>>
      %dma_wait3A_190 = arith.constant 0 : i32
      %dma_wait3A_191 = tpu.memref_slice %arg11[%dma_wait3A_190] : memref<768xf32, #tpu.memory_space<vmem>> -> memref<256xf32, #tpu.memory_space<vmem>>
      %dma_wait3A_192 = tpu.memref_slice %arg5[%add3A_45] : memref<24576xf32, #tpu.memory_space<hbm>> -> memref<256xf32, #tpu.memory_space<hbm>>
      tpu.wait_dma2 semaphore(%run_scoped3A_180 : memref<!tpu.dma_semaphore, #tpu.memory_space<semaphore_mem>>) src(%dma_wait3A_192 : memref<256xf32, #tpu.memory_space<hbm>>) dst(%dma_wait3A_191 : memref<256xf32, #tpu.memory_space<vmem>>)
      tpu.yield
    }) : () -> ()
    %mul3A_46 = arith.constant 3 : i32
    %mul3A_47 = arith.muli %select_n3A, %mul3A_46 : i32
    %add3A_48 = arith.constant 1 : i32
    %add3A_49 = arith.addi %mul3A_47, %add3A_48 : i32
    %mul3A_50 = arith.constant 2048 : i32
    %mul3A_51 = arith.muli %add3A_49, %mul3A_50 : i32
    %add3A_52 = arith.addi %mul3A_51, %mul3A_32 : i32
    "tpu.region"() ({
      %run_scoped3A_180 = tpu.sem_alloc : memref<!tpu.dma_semaphore, #tpu.memory_space<semaphore_mem>>
      %dma_start3A_181 = arith.constant 256 : i32
      %dma_start3A_182 = tpu.memref_slice %arg11[%dma_start3A_181] : memref<768xf32, #tpu.memory_space<vmem>> -> memref<256xf32, #tpu.memory_space<vmem>>
      %dma_start3A_183 = tpu.memref_slice %arg5[%add3A_52] : memref<24576xf32, #tpu.memory_space<hbm>> -> memref<256xf32, #tpu.memory_space<hbm>>
      %dma_start3A_184 = arith.constant 256 : i32
      %dma_start3A_185 = tpu.memref_slice %arg11[%dma_start3A_184] : memref<768xf32, #tpu.memory_space<vmem>> -> memref<256xf32, #tpu.memory_space<vmem>>
      %dma_start3A_186 = tpu.memref_slice %arg5[%add3A_52] : memref<24576xf32, #tpu.memory_space<hbm>> -> memref<256xf32, #tpu.memory_space<hbm>>
      tpu.enqueue_dma source(%dma_start3A_186 : memref<256xf32, #tpu.memory_space<hbm>>) target(%dma_start3A_185 : memref<256xf32, #tpu.memory_space<vmem>>) target_semaphore(%run_scoped3A_180 : memref<!tpu.dma_semaphore, #tpu.memory_space<semaphore_mem>>)
      %dma_wait3A_187 = arith.constant 256 : i32
      %dma_wait3A_188 = tpu.memref_slice %arg11[%dma_wait3A_187] : memref<768xf32, #tpu.memory_space<vmem>> -> memref<256xf32, #tpu.memory_space<vmem>>
      %dma_wait3A_189 = tpu.memref_slice %arg5[%add3A_52] : memref<24576xf32, #tpu.memory_space<hbm>> -> memref<256xf32, #tpu.memory_space<hbm>>
      %dma_wait3A_190 = arith.constant 256 : i32
      %dma_wait3A_191 = tpu.memref_slice %arg11[%dma_wait3A_190] : memref<768xf32, #tpu.memory_space<vmem>> -> memref<256xf32, #tpu.memory_space<vmem>>
      %dma_wait3A_192 = tpu.memref_slice %arg5[%add3A_52] : memref<24576xf32, #tpu.memory_space<hbm>> -> memref<256xf32, #tpu.memory_space<hbm>>
      tpu.wait_dma2 semaphore(%run_scoped3A_180 : memref<!tpu.dma_semaphore, #tpu.memory_space<semaphore_mem>>) src(%dma_wait3A_192 : memref<256xf32, #tpu.memory_space<hbm>>) dst(%dma_wait3A_191 : memref<256xf32, #tpu.memory_space<vmem>>)
      tpu.yield
    }) : () -> ()
    %mul3A_53 = arith.constant 3 : i32
    %mul3A_54 = arith.muli %select_n3A, %mul3A_53 : i32
    %add3A_55 = arith.constant 2 : i32
    %add3A_56 = arith.addi %mul3A_54, %add3A_55 : i32
    %mul3A_57 = arith.constant 2048 : i32
    %mul3A_58 = arith.muli %add3A_56, %mul3A_57 : i32
    %add3A_59 = arith.addi %mul3A_58, %mul3A_32 : i32
    "tpu.region"() ({
      %run_scoped3A_180 = tpu.sem_alloc : memref<!tpu.dma_semaphore, #tpu.memory_space<semaphore_mem>>
      %dma_start3A_181 = arith.constant 512 : i32
      %dma_start3A_182 = tpu.memref_slice %arg11[%dma_start3A_181] : memref<768xf32, #tpu.memory_space<vmem>> -> memref<256xf32, #tpu.memory_space<vmem>>
      %dma_start3A_183 = tpu.memref_slice %arg5[%add3A_59] : memref<24576xf32, #tpu.memory_space<hbm>> -> memref<256xf32, #tpu.memory_space<hbm>>
      %dma_start3A_184 = arith.constant 512 : i32
      %dma_start3A_185 = tpu.memref_slice %arg11[%dma_start3A_184] : memref<768xf32, #tpu.memory_space<vmem>> -> memref<256xf32, #tpu.memory_space<vmem>>
      %dma_start3A_186 = tpu.memref_slice %arg5[%add3A_59] : memref<24576xf32, #tpu.memory_space<hbm>> -> memref<256xf32, #tpu.memory_space<hbm>>
      tpu.enqueue_dma source(%dma_start3A_186 : memref<256xf32, #tpu.memory_space<hbm>>) target(%dma_start3A_185 : memref<256xf32, #tpu.memory_space<vmem>>) target_semaphore(%run_scoped3A_180 : memref<!tpu.dma_semaphore, #tpu.memory_space<semaphore_mem>>)
      %dma_wait3A_187 = arith.constant 512 : i32
      %dma_wait3A_188 = tpu.memref_slice %arg11[%dma_wait3A_187] : memref<768xf32, #tpu.memory_space<vmem>> -> memref<256xf32, #tpu.memory_space<vmem>>
      %dma_wait3A_189 = tpu.memref_slice %arg5[%add3A_59] : memref<24576xf32, #tpu.memory_space<hbm>> -> memref<256xf32, #tpu.memory_space<hbm>>
      %dma_wait3A_190 = arith.constant 512 : i32
      %dma_wait3A_191 = tpu.memref_slice %arg11[%dma_wait3A_190] : memref<768xf32, #tpu.memory_space<vmem>> -> memref<256xf32, #tpu.memory_space<vmem>>
      %dma_wait3A_192 = tpu.memref_slice %arg5[%add3A_59] : memref<24576xf32, #tpu.memory_space<hbm>> -> memref<256xf32, #tpu.memory_space<hbm>>
      tpu.wait_dma2 semaphore(%run_scoped3A_180 : memref<!tpu.dma_semaphore, #tpu.memory_space<semaphore_mem>>) src(%dma_wait3A_192 : memref<256xf32, #tpu.memory_space<hbm>>) dst(%dma_wait3A_191 : memref<256xf32, #tpu.memory_space<vmem>>)
      tpu.yield
    }) : () -> ()
    %parallel_loop3A = arith.constant 0 : i32
    %parallel_loop3A_60 = arith.constant 512 : i32
    %parallel_loop3A_61 = arith.constant 1 : i32
    scf.for %parallel_loop3A_180 = %parallel_loop3A to %parallel_loop3A_60 step %parallel_loop3A_61  : i32 {
      %parallel_loop3A_181 = arith.constant 4 : i32
      %parallel_loop3A_182 = arith.shrsi %parallel_loop3A_180, %parallel_loop3A_181 : i32
      %parallel_loop3A_183 = arith.constant 15 : i32
      %parallel_loop3A_184 = arith.andi %parallel_loop3A_180, %parallel_loop3A_183 : i32
      %parallel_loop3A_185 = arith.constant 16 : i32
      %parallel_loop3A_186 = arith.muli %parallel_loop3A_184, %parallel_loop3A_185 : i32
      %parallel_loop3A_187 = arith.index_cast %parallel_loop3A_182 : i32 to index
      %parallel_loop3A_188 = arith.index_cast %parallel_loop3A_186 : i32 to index
      %parallel_loop3A_189 = tpu.vector_load %arg7[%parallel_loop3A_187, %parallel_loop3A_188] {strides = array<i32>} : memref<32x256xi32, #tpu.memory_space<vmem>>, vector<16xi32>,
      %parallel_loop3A_190 = arith.constant 0 : i32
      %parallel_loop3A_191 = vector.broadcast %parallel_loop3A_190 : i32 to vector<16xi32>
      %parallel_loop3A_192 = arith.cmpi sgt, %parallel_loop3A_189, %parallel_loop3A_191 : vector<16xi32>
      %parallel_loop3A_193 = arith.constant 1 : i32
      %parallel_loop3A_194 = vector.broadcast %parallel_loop3A_193 : i32 to vector<16xi32>
      %parallel_loop3A_195 = arith.subi %parallel_loop3A_189, %parallel_loop3A_194 : vector<16xi32>
      %parallel_loop3A_196 = arith.constant 8192 : i32
      %parallel_loop3A_197 = vector.broadcast %parallel_loop3A_196 : i32 to vector<16xi32>
      %parallel_loop3A_198 = arith.select %parallel_loop3A_192, %parallel_loop3A_195, %parallel_loop3A_197 : vector<16xi1>, vector<16xi32>
      %parallel_loop3A_199 = arith.index_cast %parallel_loop3A_182 : i32 to index
      %parallel_loop3A_200 = arith.index_cast %parallel_loop3A_186 : i32 to index
      %parallel_loop3A_201 = tpu.vector_load %arg8[%parallel_loop3A_199, %parallel_loop3A_200] {strides = array<i32>} : memref<32x256xi32, #tpu.memory_space<vmem>>, vector<16xi32>,
      tpu.vector_store %arg8[%parallel_loop3A_199, %parallel_loop3A_200], %parallel_loop3A_198 {strides = array<i32>} : memref<32x256xi32, #tpu.memory_space<vmem>>, vector<16xi32>,
      %parallel_loop3A_202 = arith.constant 1.000000e+00 : f32
      %parallel_loop3A_203 = arith.constant 0.000000e+00 : f32
      %parallel_loop3A_204 = vector.broadcast %parallel_loop3A_202 : f32 to vector<16xf32>
      %parallel_loop3A_205 = vector.broadcast %parallel_loop3A_203 : f32 to vector<16xf32>
      %parallel_loop3A_206 = arith.select %parallel_loop3A_192, %parallel_loop3A_204, %parallel_loop3A_205 : vector<16xi1>, vector<16xf32>
      %parallel_loop3A_207 = arith.index_cast %parallel_loop3A_182 : i32 to index
      %parallel_loop3A_208 = arith.index_cast %parallel_loop3A_186 : i32 to index
      %parallel_loop3A_209 = tpu.vector_load %arg9[%parallel_loop3A_207, %parallel_loop3A_208] {strides = array<i32>} : memref<32x256xf32, #tpu.memory_space<vmem>>, vector<16xf32>,
      tpu.vector_store %arg9[%parallel_loop3A_207, %parallel_loop3A_208], %parallel_loop3A_206 {strides = array<i32>} : memref<32x256xf32, #tpu.memory_space<vmem>>, vector<16xf32>,
    } {sc.loop_unroll_factor = 4 : i64, sc.parallel_access}
    %parallel_loop3A_62 = arith.constant 0 : i32
    %parallel_loop3A_63 = arith.constant 512 : i32
    %parallel_loop3A_64 = arith.constant 1 : i32
    scf.for %parallel_loop3A_180 = %parallel_loop3A_62 to %parallel_loop3A_63 step %parallel_loop3A_64  : i32 {
      %parallel_loop3A_181 = arith.constant 4 : i32
      %parallel_loop3A_182 = arith.shrsi %parallel_loop3A_180, %parallel_loop3A_181 : i32
      %parallel_loop3A_183 = arith.constant 15 : i32
      %parallel_loop3A_184 = arith.andi %parallel_loop3A_180, %parallel_loop3A_183 : i32
      %parallel_loop3A_185 = arith.constant 16 : i32
      %parallel_loop3A_186 = arith.muli %parallel_loop3A_184, %parallel_loop3A_185 : i32
      %parallel_loop3A_187 = arith.index_cast %parallel_loop3A_182 : i32 to index
      %parallel_loop3A_188 = arith.index_cast %parallel_loop3A_186 : i32 to index
      %parallel_loop3A_189 = tpu.vector_load %arg8[%parallel_loop3A_187, %parallel_loop3A_188] {strides = array<i32>} : memref<32x256xi32, #tpu.memory_space<vmem>>, vector<16xi32>,
      %parallel_loop3A_190 = arith.constant 3 : i32
      %parallel_loop3A_191 = vector.broadcast %parallel_loop3A_190 : i32 to vector<16xi32>
      %parallel_loop3A_192 = arith.muli %parallel_loop3A_189, %parallel_loop3A_191 : vector<16xi32>
      %parallel_loop3A_193 = arith.constant 0 : i32
      %parallel_loop3A_194 = vector.broadcast %parallel_loop3A_193 : i32 to vector<16xi32>
      %parallel_loop3A_195 = arith.addi %parallel_loop3A_192, %parallel_loop3A_194 : vector<16xi32>
      %parallel_loop3A_196 = tpu.vector_load_idx %arg10[%parallel_loop3A_195] : memref<24592xf32, #tpu.memory_space<vmem>>[vector<16xi32>], vector<16xf32>,
      %parallel_loop3A_197 = arith.constant 0 : i32
      %parallel_loop3A_198 = arith.addi %parallel_loop3A_197, %parallel_loop3A_186 : i32
      %parallel_loop3A_199 = arith.index_cast %parallel_loop3A_198 : i32 to index
      %parallel_loop3A_200 = tpu.vector_load %arg11[%parallel_loop3A_199] {strides = array<i32>} : memref<768xf32, #tpu.memory_space<vmem>>, vector<16xf32>,
      %parallel_loop3A_201 = arith.index_cast %parallel_loop3A_182 : i32 to index
      %parallel_loop3A_202 = arith.index_cast %parallel_loop3A_186 : i32 to index
      %parallel_loop3A_203 = tpu.vector_load %arg9[%parallel_loop3A_201, %parallel_loop3A_202] {strides = array<i32>} : memref<32x256xf32, #tpu.memory_space<vmem>>, vector<16xf32>,
      %parallel_loop3A_204 = arith.subf %parallel_loop3A_196, %parallel_loop3A_200 : vector<16xf32>
      %parallel_loop3A_205 = arith.mulf %parallel_loop3A_204, %parallel_loop3A_203 : vector<16xf32>
      %parallel_loop3A_206 = arith.index_cast %parallel_loop3A_182 : i32 to index
      %parallel_loop3A_207 = arith.index_cast %parallel_loop3A_186 : i32 to index
      %parallel_loop3A_208 = tpu.vector_load %arg16[%parallel_loop3A_206, %parallel_loop3A_207] {strides = array<i32>} : memref<32x256xf32, #tpu.memory_space<vmem>>, vector<16xf32>,
      tpu.vector_store %arg16[%parallel_loop3A_206, %parallel_loop3A_207], %parallel_loop3A_205 {strides = array<i32>} : memref<32x256xf32, #tpu.memory_space<vmem>>, vector<16xf32>,
    } {sc.loop_unroll_factor = 4 : i64, sc.parallel_access}
    %run_scoped3A = arith.constant 0 : i32
    "tpu.region"() ({
      %run_scoped3A_180 = tpu.sem_alloc : memref<!tpu.dma_semaphore, #tpu.memory_space<semaphore_mem>>
      %dma_start3A_181 = arith.constant 0 : i32
      %dma_start3A_182 = tpu.memref_slice %arg6[%select_n3A, %run_scoped3A, %dma_start3A_181, %mul3A_32] : memref<4x131x32x2048xf32, #tpu.memory_space<hbm>> -> memref<1x1x32x256xf32, #tpu.memory_space<hbm>>
      %dma_start3A_183 = tpu.memref_squeeze %dma_start3A_182 : memref<1x1x32x256xf32, #tpu.memory_space<hbm>> -> memref<32x256xf32, #tpu.memory_space<hbm>>
      %dma_start3A_184 = arith.constant 0 : i32
      %dma_start3A_185 = tpu.memref_slice %arg6[%select_n3A, %run_scoped3A, %dma_start3A_184, %mul3A_32] : memref<4x131x32x2048xf32, #tpu.memory_space<hbm>> -> memref<1x1x32x256xf32, #tpu.memory_space<hbm>>
      %dma_start3A_186 = tpu.memref_squeeze %dma_start3A_185 : memref<1x1x32x256xf32, #tpu.memory_space<hbm>> -> memref<32x256xf32, #tpu.memory_space<hbm>>
      tpu.enqueue_dma source(%arg16 : memref<32x256xf32, #tpu.memory_space<vmem>>) target(%dma_start3A_186 : memref<32x256xf32, #tpu.memory_space<hbm>>) target_semaphore(%run_scoped3A_180 : memref<!tpu.dma_semaphore, #tpu.memory_space<semaphore_mem>>)
      %dma_wait3A_187 = arith.constant 0 : i32
      %dma_wait3A_188 = tpu.memref_slice %arg6[%select_n3A, %run_scoped3A, %dma_wait3A_187, %mul3A_32] : memref<4x131x32x2048xf32, #tpu.memory_space<hbm>> -> memref<1x1x32x256xf32, #tpu.memory_space<hbm>>
      %dma_wait3A_189 = tpu.memref_squeeze %dma_wait3A_188 : memref<1x1x32x256xf32, #tpu.memory_space<hbm>> -> memref<32x256xf32, #tpu.memory_space<hbm>>
      %dma_wait3A_190 = arith.constant 0 : i32
      %dma_wait3A_191 = tpu.memref_slice %arg6[%select_n3A, %run_scoped3A, %dma_wait3A_190, %mul3A_32] : memref<4x131x32x2048xf32, #tpu.memory_space<hbm>> -> memref<1x1x32x256xf32, #tpu.memory_space<hbm>>
      %dma_wait3A_192 = tpu.memref_squeeze %dma_wait3A_191 : memref<1x1x32x256xf32, #tpu.memory_space<hbm>> -> memref<32x256xf32, #tpu.memory_space<hbm>>
      tpu.wait_dma2 semaphore(%run_scoped3A_180 : memref<!tpu.dma_semaphore, #tpu.memory_space<semaphore_mem>>) src(%arg16 : memref<32x256xf32, #tpu.memory_space<vmem>>) dst(%dma_wait3A_192 : memref<32x256xf32, #tpu.memory_space<hbm>>)
      tpu.yield
    }) : () -> ()
    %parallel_loop3A_65 = arith.constant 0 : i32
    %parallel_loop3A_66 = arith.constant 512 : i32
    %parallel_loop3A_67 = arith.constant 1 : i32
    scf.for %parallel_loop3A_180 = %parallel_loop3A_65 to %parallel_loop3A_66 step %parallel_loop3A_67  : i32 {
      %parallel_loop3A_181 = arith.constant 4 : i32
      %parallel_loop3A_182 = arith.shrsi %parallel_loop3A_180, %parallel_loop3A_181 : i32
      %parallel_loop3A_183 = arith.constant 15 : i32
      %parallel_loop3A_184 = arith.andi %parallel_loop3A_180, %parallel_loop3A_183 : i32
      %parallel_loop3A_185 = arith.constant 16 : i32
      %parallel_loop3A_186 = arith.muli %parallel_loop3A_184, %parallel_loop3A_185 : i32
      %parallel_loop3A_187 = arith.index_cast %parallel_loop3A_182 : i32 to index
      %parallel_loop3A_188 = arith.index_cast %parallel_loop3A_186 : i32 to index
      %parallel_loop3A_189 = tpu.vector_load %arg8[%parallel_loop3A_187, %parallel_loop3A_188] {strides = array<i32>} : memref<32x256xi32, #tpu.memory_space<vmem>>, vector<16xi32>,
      %parallel_loop3A_190 = arith.constant 3 : i32
      %parallel_loop3A_191 = vector.broadcast %parallel_loop3A_190 : i32 to vector<16xi32>
      %parallel_loop3A_192 = arith.muli %parallel_loop3A_189, %parallel_loop3A_191 : vector<16xi32>
      %parallel_loop3A_193 = arith.constant 1 : i32
      %parallel_loop3A_194 = vector.broadcast %parallel_loop3A_193 : i32 to vector<16xi32>
      %parallel_loop3A_195 = arith.addi %parallel_loop3A_192, %parallel_loop3A_194 : vector<16xi32>
      %parallel_loop3A_196 = tpu.vector_load_idx %arg10[%parallel_loop3A_195] : memref<24592xf32, #tpu.memory_space<vmem>>[vector<16xi32>], vector<16xf32>,
      %parallel_loop3A_197 = arith.constant 256 : i32
      %parallel_loop3A_198 = arith.addi %parallel_loop3A_197, %parallel_loop3A_186 : i32
      %parallel_loop3A_199 = arith.index_cast %parallel_loop3A_198 : i32 to index
      %parallel_loop3A_200 = tpu.vector_load %arg11[%parallel_loop3A_199] {strides = array<i32>} : memref<768xf32, #tpu.memory_space<vmem>>, vector<16xf32>,
      %parallel_loop3A_201 = arith.index_cast %parallel_loop3A_182 : i32 to index
      %parallel_loop3A_202 = arith.index_cast %parallel_loop3A_186 : i32 to index
      %parallel_loop3A_203 = tpu.vector_load %arg9[%parallel_loop3A_201, %parallel_loop3A_202] {strides = array<i32>} : memref<32x256xf32, #tpu.memory_space<vmem>>, vector<16xf32>,
      %parallel_loop3A_204 = arith.subf %parallel_loop3A_196, %parallel_loop3A_200 : vector<16xf32>
      %parallel_loop3A_205 = arith.mulf %parallel_loop3A_204, %parallel_loop3A_203 : vector<16xf32>
      %parallel_loop3A_206 = arith.index_cast %parallel_loop3A_182 : i32 to index
      %parallel_loop3A_207 = arith.index_cast %parallel_loop3A_186 : i32 to index
      %parallel_loop3A_208 = tpu.vector_load %arg16[%parallel_loop3A_206, %parallel_loop3A_207] {strides = array<i32>} : memref<32x256xf32, #tpu.memory_space<vmem>>, vector<16xf32>,
      tpu.vector_store %arg16[%parallel_loop3A_206, %parallel_loop3A_207], %parallel_loop3A_205 {strides = array<i32>} : memref<32x256xf32, #tpu.memory_space<vmem>>, vector<16xf32>,
    } {sc.loop_unroll_factor = 4 : i64, sc.parallel_access}
    %run_scoped3A_68 = arith.constant 1 : i32
    "tpu.region"() ({
      %run_scoped3A_180 = tpu.sem_alloc : memref<!tpu.dma_semaphore, #tpu.memory_space<semaphore_mem>>
      %dma_start3A_181 = arith.constant 0 : i32
      %dma_start3A_182 = tpu.memref_slice %arg6[%select_n3A, %run_scoped3A_68, %dma_start3A_181, %mul3A_32] : memref<4x131x32x2048xf32, #tpu.memory_space<hbm>> -> memref<1x1x32x256xf32, #tpu.memory_space<hbm>>
      %dma_start3A_183 = tpu.memref_squeeze %dma_start3A_182 : memref<1x1x32x256xf32, #tpu.memory_space<hbm>> -> memref<32x256xf32, #tpu.memory_space<hbm>>
      %dma_start3A_184 = arith.constant 0 : i32
      %dma_start3A_185 = tpu.memref_slice %arg6[%select_n3A, %run_scoped3A_68, %dma_start3A_184, %mul3A_32] : memref<4x131x32x2048xf32, #tpu.memory_space<hbm>> -> memref<1x1x32x256xf32, #tpu.memory_space<hbm>>
      %dma_start3A_186 = tpu.memref_squeeze %dma_start3A_185 : memref<1x1x32x256xf32, #tpu.memory_space<hbm>> -> memref<32x256xf32, #tpu.memory_space<hbm>>
      tpu.enqueue_dma source(%arg16 : memref<32x256xf32, #tpu.memory_space<vmem>>) target(%dma_start3A_186 : memref<32x256xf32, #tpu.memory_space<hbm>>) target_semaphore(%run_scoped3A_180 : memref<!tpu.dma_semaphore, #tpu.memory_space<semaphore_mem>>)
      %dma_wait3A_187 = arith.constant 0 : i32
      %dma_wait3A_188 = tpu.memref_slice %arg6[%select_n3A, %run_scoped3A_68, %dma_wait3A_187, %mul3A_32] : memref<4x131x32x2048xf32, #tpu.memory_space<hbm>> -> memref<1x1x32x256xf32, #tpu.memory_space<hbm>>
      %dma_wait3A_189 = tpu.memref_squeeze %dma_wait3A_188 : memref<1x1x32x256xf32, #tpu.memory_space<hbm>> -> memref<32x256xf32, #tpu.memory_space<hbm>>
      %dma_wait3A_190 = arith.constant 0 : i32
      %dma_wait3A_191 = tpu.memref_slice %arg6[%select_n3A, %run_scoped3A_68, %dma_wait3A_190, %mul3A_32] : memref<4x131x32x2048xf32, #tpu.memory_space<hbm>> -> memref<1x1x32x256xf32, #tpu.memory_space<hbm>>
      %dma_wait3A_192 = tpu.memref_squeeze %dma_wait3A_191 : memref<1x1x32x256xf32, #tpu.memory_space<hbm>> -> memref<32x256xf32, #tpu.memory_space<hbm>>
      tpu.wait_dma2 semaphore(%run_scoped3A_180 : memref<!tpu.dma_semaphore, #tpu.memory_space<semaphore_mem>>) src(%arg16 : memref<32x256xf32, #tpu.memory_space<vmem>>) dst(%dma_wait3A_192 : memref<32x256xf32, #tpu.memory_space<hbm>>)
      tpu.yield
    }) : () -> ()
    %parallel_loop3A_69 = arith.constant 0 : i32
    %parallel_loop3A_70 = arith.constant 512 : i32
    %parallel_loop3A_71 = arith.constant 1 : i32
    scf.for %parallel_loop3A_180 = %parallel_loop3A_69 to %parallel_loop3A_70 step %parallel_loop3A_71  : i32 {
      %parallel_loop3A_181 = arith.constant 4 : i32
      %parallel_loop3A_182 = arith.shrsi %parallel_loop3A_180, %parallel_loop3A_181 : i32
      %parallel_loop3A_183 = arith.constant 15 : i32
      %parallel_loop3A_184 = arith.andi %parallel_loop3A_180, %parallel_loop3A_183 : i32
      %parallel_loop3A_185 = arith.constant 16 : i32
      %parallel_loop3A_186 = arith.muli %parallel_loop3A_184, %parallel_loop3A_185 : i32
      %parallel_loop3A_187 = arith.index_cast %parallel_loop3A_182 : i32 to index
      %parallel_loop3A_188 = arith.index_cast %parallel_loop3A_186 : i32 to index
      %parallel_loop3A_189 = tpu.vector_load %arg8[%parallel_loop3A_187, %parallel_loop3A_188] {strides = array<i32>} : memref<32x256xi32, #tpu.memory_space<vmem>>, vector<16xi32>,
      %parallel_loop3A_190 = arith.constant 3 : i32
      %parallel_loop3A_191 = vector.broadcast %parallel_loop3A_190 : i32 to vector<16xi32>
      %parallel_loop3A_192 = arith.muli %parallel_loop3A_189, %parallel_loop3A_191 : vector<16xi32>
      %parallel_loop3A_193 = arith.constant 2 : i32
      %parallel_loop3A_194 = vector.broadcast %parallel_loop3A_193 : i32 to vector<16xi32>
      %parallel_loop3A_195 = arith.addi %parallel_loop3A_192, %parallel_loop3A_194 : vector<16xi32>
      %parallel_loop3A_196 = tpu.vector_load_idx %arg10[%parallel_loop3A_195] : memref<24592xf32, #tpu.memory_space<vmem>>[vector<16xi32>], vector<16xf32>,
      %parallel_loop3A_197 = arith.constant 512 : i32
      %parallel_loop3A_198 = arith.addi %parallel_loop3A_197, %parallel_loop3A_186 : i32
      %parallel_loop3A_199 = arith.index_cast %parallel_loop3A_198 : i32 to index
      %parallel_loop3A_200 = tpu.vector_load %arg11[%parallel_loop3A_199] {strides = array<i32>} : memref<768xf32, #tpu.memory_space<vmem>>, vector<16xf32>,
      %parallel_loop3A_201 = arith.index_cast %parallel_loop3A_182 : i32 to index
      %parallel_loop3A_202 = arith.index_cast %parallel_loop3A_186 : i32 to index
      %parallel_loop3A_203 = tpu.vector_load %arg9[%parallel_loop3A_201, %parallel_loop3A_202] {strides = array<i32>} : memref<32x256xf32, #tpu.memory_space<vmem>>, vector<16xf32>,
      %parallel_loop3A_204 = arith.subf %parallel_loop3A_196, %parallel_loop3A_200 : vector<16xf32>
      %parallel_loop3A_205 = arith.mulf %parallel_loop3A_204, %parallel_loop3A_203 : vector<16xf32>
      %parallel_loop3A_206 = arith.index_cast %parallel_loop3A_182 : i32 to index
      %parallel_loop3A_207 = arith.index_cast %parallel_loop3A_186 : i32 to index
      %parallel_loop3A_208 = tpu.vector_load %arg16[%parallel_loop3A_206, %parallel_loop3A_207] {strides = array<i32>} : memref<32x256xf32, #tpu.memory_space<vmem>>, vector<16xf32>,
      tpu.vector_store %arg16[%parallel_loop3A_206, %parallel_loop3A_207], %parallel_loop3A_205 {strides = array<i32>} : memref<32x256xf32, #tpu.memory_space<vmem>>, vector<16xf32>,
    } {sc.loop_unroll_factor = 4 : i64, sc.parallel_access}
    %run_scoped3A_72 = arith.constant 2 : i32
    "tpu.region"() ({
      %run_scoped3A_180 = tpu.sem_alloc : memref<!tpu.dma_semaphore, #tpu.memory_space<semaphore_mem>>
      %dma_start3A_181 = arith.constant 0 : i32
      %dma_start3A_182 = tpu.memref_slice %arg6[%select_n3A, %run_scoped3A_72, %dma_start3A_181, %mul3A_32] : memref<4x131x32x2048xf32, #tpu.memory_space<hbm>> -> memref<1x1x32x256xf32, #tpu.memory_space<hbm>>
      %dma_start3A_183 = tpu.memref_squeeze %dma_start3A_182 : memref<1x1x32x256xf32, #tpu.memory_space<hbm>> -> memref<32x256xf32, #tpu.memory_space<hbm>>
      %dma_start3A_184 = arith.constant 0 : i32
      %dma_start3A_185 = tpu.memref_slice %arg6[%select_n3A, %run_scoped3A_72, %dma_start3A_184, %mul3A_32] : memref<4x131x32x2048xf32, #tpu.memory_space<hbm>> -> memref<1x1x32x256xf32, #tpu.memory_space<hbm>>
      %dma_start3A_186 = tpu.memref_squeeze %dma_start3A_185 : memref<1x1x32x256xf32, #tpu.memory_space<hbm>> -> memref<32x256xf32, #tpu.memory_space<hbm>>
      tpu.enqueue_dma source(%arg16 : memref<32x256xf32, #tpu.memory_space<vmem>>) target(%dma_start3A_186 : memref<32x256xf32, #tpu.memory_space<hbm>>) target_semaphore(%run_scoped3A_180 : memref<!tpu.dma_semaphore, #tpu.memory_space<semaphore_mem>>)
      %dma_wait3A_187 = arith.constant 0 : i32
      %dma_wait3A_188 = tpu.memref_slice %arg6[%select_n3A, %run_scoped3A_72, %dma_wait3A_187, %mul3A_32] : memref<4x131x32x2048xf32, #tpu.memory_space<hbm>> -> memref<1x1x32x256xf32, #tpu.memory_space<hbm>>
      %dma_wait3A_189 = tpu.memref_squeeze %dma_wait3A_188 : memref<1x1x32x256xf32, #tpu.memory_space<hbm>> -> memref<32x256xf32, #tpu.memory_space<hbm>>
      %dma_wait3A_190 = arith.constant 0 : i32
      %dma_wait3A_191 = tpu.memref_slice %arg6[%select_n3A, %run_scoped3A_72, %dma_wait3A_190, %mul3A_32] : memref<4x131x32x2048xf32, #tpu.memory_space<hbm>> -> memref<1x1x32x256xf32, #tpu.memory_space<hbm>>
      %dma_wait3A_192 = tpu.memref_squeeze %dma_wait3A_191 : memref<1x1x32x256xf32, #tpu.memory_space<hbm>> -> memref<32x256xf32, #tpu.memory_space<hbm>>
      tpu.wait_dma2 semaphore(%run_scoped3A_180 : memref<!tpu.dma_semaphore, #tpu.memory_space<semaphore_mem>>) src(%arg16 : memref<32x256xf32, #tpu.memory_space<vmem>>) dst(%dma_wait3A_192 : memref<32x256xf32, #tpu.memory_space<hbm>>)
      tpu.yield
    }) : () -> ()
    %mul3A_73 = arith.constant 128 : i32
    %mul3A_74 = arith.muli %select_n3A, %mul3A_73 : i32
    %add3A_75 = arith.constant 0 : i32
    %add3A_76 = arith.addi %mul3A_74, %add3A_75 : i32
    %mul3A_77 = arith.constant 8192 : i32
    %mul3A_78 = arith.muli %add3A_76, %mul3A_77 : i32
    %dma_start3A = arith.constant 0 : i32
    %dma_start3A_79 = tpu.memref_slice %arg12[%dma_start3A] : memref<8208xf32, #tpu.memory_space<vmem>> -> memref<8192xf32, #tpu.memory_space<vmem>>
    %dma_start3A_80 = tpu.memref_slice %arg3[%mul3A_78] : memref<4194304xf32, #tpu.memory_space<hbm>> -> memref<8192xf32, #tpu.memory_space<hbm>>
    %dma_start3A_81 = arith.constant 0 : i32
    %dma_start3A_82 = tpu.memref_slice %arg12[%dma_start3A_81] : memref<8208xf32, #tpu.memory_space<vmem>> -> memref<8192xf32, #tpu.memory_space<vmem>>
    %dma_start3A_83 = tpu.memref_slice %arg3[%mul3A_78] : memref<4194304xf32, #tpu.memory_space<hbm>> -> memref<8192xf32, #tpu.memory_space<hbm>>
    tpu.enqueue_dma source(%dma_start3A_83 : memref<8192xf32, #tpu.memory_space<hbm>>) target(%dma_start3A_82 : memref<8192xf32, #tpu.memory_space<vmem>>) target_semaphore(%arg22 : memref<!tpu.dma_semaphore, #tpu.memory_space<semaphore_mem>>)
    %broadcast_in_dim3A_84 = arith.constant 0.000000e+00 : f32
    %broadcast_in_dim3A_85 = vector.broadcast %broadcast_in_dim3A_84 : f32 to vector<16xf32>
    %swap3A_86 = arith.constant 8192 : index
    %swap3A_87 = tpu.vector_load %arg12[%swap3A_86] {strides = array<i32>} : memref<8208xf32, #tpu.memory_space<vmem>>, vector<16xf32>,
    tpu.vector_store %arg12[%swap3A_86], %broadcast_in_dim3A_85 {strides = array<i32>} : memref<8208xf32, #tpu.memory_space<vmem>>, vector<16xf32>,
    tpu.enqueue_dma source(%arg17 : memref<32x256xf32, #tpu.memory_space<vmem>>) target(%arg21 : memref<32x256xf32, #tpu.memory_space<vmem_shared>>) target_semaphore(%arg26 : memref<!tpu.dma_semaphore, #tpu.memory_space<semaphore_mem>>)
    %mul3A_88 = arith.constant 128 : i32
    %mul3A_89 = arith.muli %select_n3A, %mul3A_88 : i32
    %add3A_90 = arith.constant 1 : i32
    %add3A_91 = arith.addi %mul3A_89, %add3A_90 : i32
    %mul3A_92 = arith.constant 8192 : i32
    %mul3A_93 = arith.muli %add3A_91, %mul3A_92 : i32
    %dma_start3A_94 = arith.constant 0 : i32
    %dma_start3A_95 = tpu.memref_slice %arg13[%dma_start3A_94] : memref<8208xf32, #tpu.memory_space<vmem>> -> memref<8192xf32, #tpu.memory_space<vmem>>
    %dma_start3A_96 = tpu.memref_slice %arg3[%mul3A_93] : memref<4194304xf32, #tpu.memory_space<hbm>> -> memref<8192xf32, #tpu.memory_space<hbm>>
    %dma_start3A_97 = arith.constant 0 : i32
    %dma_start3A_98 = tpu.memref_slice %arg13[%dma_start3A_97] : memref<8208xf32, #tpu.memory_space<vmem>> -> memref<8192xf32, #tpu.memory_space<vmem>>
    %dma_start3A_99 = tpu.memref_slice %arg3[%mul3A_93] : memref<4194304xf32, #tpu.memory_space<hbm>> -> memref<8192xf32, #tpu.memory_space<hbm>>
    tpu.enqueue_dma source(%dma_start3A_99 : memref<8192xf32, #tpu.memory_space<hbm>>) target(%dma_start3A_98 : memref<8192xf32, #tpu.memory_space<vmem>>) target_semaphore(%arg23 : memref<!tpu.dma_semaphore, #tpu.memory_space<semaphore_mem>>)
    %broadcast_in_dim3A_100 = arith.constant 0.000000e+00 : f32
    %broadcast_in_dim3A_101 = vector.broadcast %broadcast_in_dim3A_100 : f32 to vector<16xf32>
    %swap3A_102 = arith.constant 8192 : index
    %swap3A_103 = tpu.vector_load %arg13[%swap3A_102] {strides = array<i32>} : memref<8208xf32, #tpu.memory_space<vmem>>, vector<16xf32>,
    tpu.vector_store %arg13[%swap3A_102], %broadcast_in_dim3A_101 {strides = array<i32>} : memref<8208xf32, #tpu.memory_space<vmem>>, vector<16xf32>,
    tpu.enqueue_dma source(%arg18 : memref<32x256xf32, #tpu.memory_space<vmem>>) target(%arg21 : memref<32x256xf32, #tpu.memory_space<vmem_shared>>) target_semaphore(%arg27 : memref<!tpu.dma_semaphore, #tpu.memory_space<semaphore_mem>>)
    %mul3A_104 = arith.constant 128 : i32
    %mul3A_105 = arith.muli %select_n3A, %mul3A_104 : i32
    %add3A_106 = arith.constant 2 : i32
    %add3A_107 = arith.addi %mul3A_105, %add3A_106 : i32
    %mul3A_108 = arith.constant 8192 : i32
    %mul3A_109 = arith.muli %add3A_107, %mul3A_108 : i32
    %dma_start3A_110 = arith.constant 0 : i32
    %dma_start3A_111 = tpu.memref_slice %arg14[%dma_start3A_110] : memref<8208xf32, #tpu.memory_space<vmem>> -> memref<8192xf32, #tpu.memory_space<vmem>>
    %dma_start3A_112 = tpu.memref_slice %arg3[%mul3A_109] : memref<4194304xf32, #tpu.memory_space<hbm>> -> memref<8192xf32, #tpu.memory_space<hbm>>
    %dma_start3A_113 = arith.constant 0 : i32
    %dma_start3A_114 = tpu.memref_slice %arg14[%dma_start3A_113] : memref<8208xf32, #tpu.memory_space<vmem>> -> memref<8192xf32, #tpu.memory_space<vmem>>
    %dma_start3A_115 = tpu.memref_slice %arg3[%mul3A_109] : memref<4194304xf32, #tpu.memory_space<hbm>> -> memref<8192xf32, #tpu.memory_space<hbm>>
    tpu.enqueue_dma source(%dma_start3A_115 : memref<8192xf32, #tpu.memory_space<hbm>>) target(%dma_start3A_114 : memref<8192xf32, #tpu.memory_space<vmem>>) target_semaphore(%arg24 : memref<!tpu.dma_semaphore, #tpu.memory_space<semaphore_mem>>)
    %broadcast_in_dim3A_116 = arith.constant 0.000000e+00 : f32
    %broadcast_in_dim3A_117 = vector.broadcast %broadcast_in_dim3A_116 : f32 to vector<16xf32>
    %swap3A_118 = arith.constant 8192 : index
    %swap3A_119 = tpu.vector_load %arg14[%swap3A_118] {strides = array<i32>} : memref<8208xf32, #tpu.memory_space<vmem>>, vector<16xf32>,
    tpu.vector_store %arg14[%swap3A_118], %broadcast_in_dim3A_117 {strides = array<i32>} : memref<8208xf32, #tpu.memory_space<vmem>>, vector<16xf32>,
    tpu.enqueue_dma source(%arg19 : memref<32x256xf32, #tpu.memory_space<vmem>>) target(%arg21 : memref<32x256xf32, #tpu.memory_space<vmem_shared>>) target_semaphore(%arg28 : memref<!tpu.dma_semaphore, #tpu.memory_space<semaphore_mem>>)
    %mul3A_120 = arith.constant 128 : i32
    %mul3A_121 = arith.muli %select_n3A, %mul3A_120 : i32
    %add3A_122 = arith.constant 3 : i32
    %add3A_123 = arith.addi %mul3A_121, %add3A_122 : i32
    %mul3A_124 = arith.constant 8192 : i32
    %mul3A_125 = arith.muli %add3A_123, %mul3A_124 : i32
    %dma_start3A_126 = arith.constant 0 : i32
    %dma_start3A_127 = tpu.memref_slice %arg15[%dma_start3A_126] : memref<8208xf32, #tpu.memory_space<vmem>> -> memref<8192xf32, #tpu.memory_space<vmem>>
    %dma_start3A_128 = tpu.memref_slice %arg3[%mul3A_125] : memref<4194304xf32, #tpu.memory_space<hbm>> -> memref<8192xf32, #tpu.memory_space<hbm>>
    %dma_start3A_129 = arith.constant 0 : i32
    %dma_start3A_130 = tpu.memref_slice %arg15[%dma_start3A_129] : memref<8208xf32, #tpu.memory_space<vmem>> -> memref<8192xf32, #tpu.memory_space<vmem>>
    %dma_start3A_131 = tpu.memref_slice %arg3[%mul3A_125] : memref<4194304xf32, #tpu.memory_space<hbm>> -> memref<8192xf32, #tpu.memory_space<hbm>>
    tpu.enqueue_dma source(%dma_start3A_131 : memref<8192xf32, #tpu.memory_space<hbm>>) target(%dma_start3A_130 : memref<8192xf32, #tpu.memory_space<vmem>>) target_semaphore(%arg25 : memref<!tpu.dma_semaphore, #tpu.memory_space<semaphore_mem>>)
    %broadcast_in_dim3A_132 = arith.constant 0.000000e+00 : f32
    %broadcast_in_dim3A_133 = vector.broadcast %broadcast_in_dim3A_132 : f32 to vector<16xf32>
    %swap3A_134 = arith.constant 8192 : index
    %swap3A_135 = tpu.vector_load %arg15[%swap3A_134] {strides = array<i32>} : memref<8208xf32, #tpu.memory_space<vmem>>, vector<16xf32>,
    tpu.vector_store %arg15[%swap3A_134], %broadcast_in_dim3A_133 {strides = array<i32>} : memref<8208xf32, #tpu.memory_space<vmem>>, vector<16xf32>,
    tpu.enqueue_dma source(%arg20 : memref<32x256xf32, #tpu.memory_space<vmem>>) target(%arg21 : memref<32x256xf32, #tpu.memory_space<vmem_shared>>) target_semaphore(%arg29 : memref<!tpu.dma_semaphore, #tpu.memory_space<semaphore_mem>>)
    %scan3A = arith.constant 0 : i32
    %scan3A_136 = arith.constant 0 : i32
    %scan3A_137 = arith.constant 32 : i32
    %scan3A_138 = arith.addi %scan3A_136, %scan3A_137 : i32
    %scan3A_139 = arith.constant 1 : i32
    scf.for %scan3A_180 = %scan3A_136 to %scan3A_138 step %scan3A_139  : i32 {
      %mul3A_181 = arith.constant 4 : i32
      %mul3A_182 = arith.muli %scan3A_180, %mul3A_181 : i32
      %add3A_183 = arith.constant 0 : i32
      %add3A_184 = arith.addi %mul3A_182, %add3A_183 : i32
      %mul3A_185 = arith.constant 128 : i32
      %mul3A_186 = arith.muli %select_n3A, %mul3A_185 : i32
      %mul3A_187 = arith.constant 8192 : i32
      %mul3A_188 = arith.muli %mul3A_186, %mul3A_187 : i32
      %dma_wait3A_189 = arith.constant 0 : i32
      %dma_wait3A_190 = tpu.memref_slice %arg12[%dma_wait3A_189] : memref<8208xf32, #tpu.memory_space<vmem>> -> memref<8192xf32, #tpu.memory_space<vmem>>
      %dma_wait3A_191 = tpu.memref_slice %arg3[%mul3A_188] : memref<4194304xf32, #tpu.memory_space<hbm>> -> memref<8192xf32, #tpu.memory_space<hbm>>
      %dma_wait3A_192 = arith.constant 0 : i32
      %dma_wait3A_193 = tpu.memref_slice %arg12[%dma_wait3A_192] : memref<8208xf32, #tpu.memory_space<vmem>> -> memref<8192xf32, #tpu.memory_space<vmem>>
      %dma_wait3A_194 = tpu.memref_slice %arg3[%mul3A_188] : memref<4194304xf32, #tpu.memory_space<hbm>> -> memref<8192xf32, #tpu.memory_space<hbm>>
      tpu.wait_dma2 semaphore(%arg22 : memref<!tpu.dma_semaphore, #tpu.memory_space<semaphore_mem>>) src(%dma_wait3A_194 : memref<8192xf32, #tpu.memory_space<hbm>>) dst(%dma_wait3A_193 : memref<8192xf32, #tpu.memory_space<vmem>>)
      tpu.wait_dma2 semaphore(%arg26 : memref<!tpu.dma_semaphore, #tpu.memory_space<semaphore_mem>>) src(%arg17 : memref<32x256xf32, #tpu.memory_space<vmem>>) dst(%arg21 : memref<32x256xf32, #tpu.memory_space<vmem_shared>>)
      %parallel_loop3A_195 = arith.constant 0 : i32
      %parallel_loop3A_196 = arith.constant 512 : i32
      %parallel_loop3A_197 = arith.constant 1 : i32
      scf.for %parallel_loop3A_340 = %parallel_loop3A_195 to %parallel_loop3A_196 step %parallel_loop3A_197  : i32 {
        %parallel_loop3A_341 = arith.constant 4 : i32
        %parallel_loop3A_342 = arith.shrsi %parallel_loop3A_340, %parallel_loop3A_341 : i32
        %parallel_loop3A_343 = arith.constant 15 : i32
        %parallel_loop3A_344 = arith.andi %parallel_loop3A_340, %parallel_loop3A_343 : i32
        %parallel_loop3A_345 = arith.constant 16 : i32
        %parallel_loop3A_346 = arith.muli %parallel_loop3A_344, %parallel_loop3A_345 : i32
        %parallel_loop3A_347 = arith.index_cast %parallel_loop3A_342 : i32 to index
        %parallel_loop3A_348 = arith.index_cast %parallel_loop3A_346 : i32 to index
        %parallel_loop3A_349 = tpu.vector_load %arg8[%parallel_loop3A_347, %parallel_loop3A_348] {strides = array<i32>} : memref<32x256xi32, #tpu.memory_space<vmem>>, vector<16xi32>,
        %parallel_loop3A_350 = tpu.vector_load_idx %arg12[%parallel_loop3A_349] : memref<8208xf32, #tpu.memory_space<vmem>>[vector<16xi32>], vector<16xf32>,
        %parallel_loop3A_351 = arith.index_cast %parallel_loop3A_342 : i32 to index
        %parallel_loop3A_352 = arith.index_cast %parallel_loop3A_346 : i32 to index
        %parallel_loop3A_353 = tpu.vector_load %arg17[%parallel_loop3A_351, %parallel_loop3A_352] {strides = array<i32>} : memref<32x256xf32, #tpu.memory_space<vmem>>, vector<16xf32>,
        tpu.vector_store %arg17[%parallel_loop3A_351, %parallel_loop3A_352], %parallel_loop3A_350 {strides = array<i32>} : memref<32x256xf32, #tpu.memory_space<vmem>>, vector<16xf32>,
      } {sc.loop_unroll_factor = 8 : i64, sc.parallel_access}
      %add3A_198 = arith.constant 3 : i32
      %add3A_199 = arith.addi %add3A_198, %add3A_184 : i32
      %dma_start3A_200 = arith.constant 0 : i32
      %dma_start3A_201 = tpu.memref_slice %arg6[%select_n3A, %add3A_199, %dma_start3A_200, %mul3A_32] : memref<4x131x32x2048xf32, #tpu.memory_space<hbm>> -> memref<1x1x32x256xf32, #tpu.memory_space<hbm>>
      %dma_start3A_202 = tpu.memref_squeeze %dma_start3A_201 : memref<1x1x32x256xf32, #tpu.memory_space<hbm>> -> memref<32x256xf32, #tpu.memory_space<hbm>>
      %dma_start3A_203 = arith.constant 0 : i32
      %dma_start3A_204 = tpu.memref_slice %arg6[%select_n3A, %add3A_199, %dma_start3A_203, %mul3A_32] : memref<4x131x32x2048xf32, #tpu.memory_space<hbm>> -> memref<1x1x32x256xf32, #tpu.memory_space<hbm>>
      %dma_start3A_205 = tpu.memref_squeeze %dma_start3A_204 : memref<1x1x32x256xf32, #tpu.memory_space<hbm>> -> memref<32x256xf32, #tpu.memory_space<hbm>>
      tpu.enqueue_dma source(%arg17 : memref<32x256xf32, #tpu.memory_space<vmem>>) target(%dma_start3A_205 : memref<32x256xf32, #tpu.memory_space<hbm>>) target_semaphore(%arg26 : memref<!tpu.dma_semaphore, #tpu.memory_space<semaphore_mem>>)
      %add3A_206 = arith.constant 4 : i32
      %add3A_207 = arith.addi %add3A_184, %add3A_206 : i32
      %min3A = arith.constant 127 : i32
      %min3A_208 = arith.minsi %add3A_207, %min3A : i32
      %mul3A_209 = arith.constant 128 : i32
      %mul3A_210 = arith.muli %select_n3A, %mul3A_209 : i32
      %add3A_211 = arith.addi %mul3A_210, %min3A_208 : i32
      %mul3A_212 = arith.constant 8192 : i32
      %mul3A_213 = arith.muli %add3A_211, %mul3A_212 : i32
      %dma_start3A_214 = arith.constant 0 : i32
      %dma_start3A_215 = tpu.memref_slice %arg12[%dma_start3A_214] : memref<8208xf32, #tpu.memory_space<vmem>> -> memref<8192xf32, #tpu.memory_space<vmem>>
      %dma_start3A_216 = tpu.memref_slice %arg3[%mul3A_213] : memref<4194304xf32, #tpu.memory_space<hbm>> -> memref<8192xf32, #tpu.memory_space<hbm>>
      %dma_start3A_217 = arith.constant 0 : i32
      %dma_start3A_218 = tpu.memref_slice %arg12[%dma_start3A_217] : memref<8208xf32, #tpu.memory_space<vmem>> -> memref<8192xf32, #tpu.memory_space<vmem>>
      %dma_start3A_219 = tpu.memref_slice %arg3[%mul3A_213] : memref<4194304xf32, #tpu.memory_space<hbm>> -> memref<8192xf32, #tpu.memory_space<hbm>>
      tpu.enqueue_dma source(%dma_start3A_219 : memref<8192xf32, #tpu.memory_space<hbm>>) target(%dma_start3A_218 : memref<8192xf32, #tpu.memory_space<vmem>>) target_semaphore(%arg22 : memref<!tpu.dma_semaphore, #tpu.memory_space<semaphore_mem>>)
      %mul3A_220 = arith.constant 4 : i32
      %mul3A_221 = arith.muli %scan3A_180, %mul3A_220 : i32
      %add3A_222 = arith.constant 1 : i32
      %add3A_223 = arith.addi %mul3A_221, %add3A_222 : i32
      %mul3A_224 = arith.constant 128 : i32
      %mul3A_225 = arith.muli %select_n3A, %mul3A_224 : i32
      %mul3A_226 = arith.constant 8192 : i32
      %mul3A_227 = arith.muli %mul3A_225, %mul3A_226 : i32
      %dma_wait3A_228 = arith.constant 0 : i32
      %dma_wait3A_229 = tpu.memref_slice %arg13[%dma_wait3A_228] : memref<8208xf32, #tpu.memory_space<vmem>> -> memref<8192xf32, #tpu.memory_space<vmem>>
      %dma_wait3A_230 = tpu.memref_slice %arg3[%mul3A_227] : memref<4194304xf32, #tpu.memory_space<hbm>> -> memref<8192xf32, #tpu.memory_space<hbm>>
      %dma_wait3A_231 = arith.constant 0 : i32
      %dma_wait3A_232 = tpu.memref_slice %arg13[%dma_wait3A_231] : memref<8208xf32, #tpu.memory_space<vmem>> -> memref<8192xf32, #tpu.memory_space<vmem>>
      %dma_wait3A_233 = tpu.memref_slice %arg3[%mul3A_227] : memref<4194304xf32, #tpu.memory_space<hbm>> -> memref<8192xf32, #tpu.memory_space<hbm>>
      tpu.wait_dma2 semaphore(%arg23 : memref<!tpu.dma_semaphore, #tpu.memory_space<semaphore_mem>>) src(%dma_wait3A_233 : memref<8192xf32, #tpu.memory_space<hbm>>) dst(%dma_wait3A_232 : memref<8192xf32, #tpu.memory_space<vmem>>)
      tpu.wait_dma2 semaphore(%arg27 : memref<!tpu.dma_semaphore, #tpu.memory_space<semaphore_mem>>) src(%arg18 : memref<32x256xf32, #tpu.memory_space<vmem>>) dst(%arg21 : memref<32x256xf32, #tpu.memory_space<vmem_shared>>)
      %parallel_loop3A_234 = arith.constant 0 : i32
      %parallel_loop3A_235 = arith.constant 512 : i32
      %parallel_loop3A_236 = arith.constant 1 : i32
      scf.for %parallel_loop3A_340 = %parallel_loop3A_234 to %parallel_loop3A_235 step %parallel_loop3A_236  : i32 {
        %parallel_loop3A_341 = arith.constant 4 : i32
        %parallel_loop3A_342 = arith.shrsi %parallel_loop3A_340, %parallel_loop3A_341 : i32
        %parallel_loop3A_343 = arith.constant 15 : i32
        %parallel_loop3A_344 = arith.andi %parallel_loop3A_340, %parallel_loop3A_343 : i32
        %parallel_loop3A_345 = arith.constant 16 : i32
        %parallel_loop3A_346 = arith.muli %parallel_loop3A_344, %parallel_loop3A_345 : i32
        %parallel_loop3A_347 = arith.index_cast %parallel_loop3A_342 : i32 to index
        %parallel_loop3A_348 = arith.index_cast %parallel_loop3A_346 : i32 to index
        %parallel_loop3A_349 = tpu.vector_load %arg8[%parallel_loop3A_347, %parallel_loop3A_348] {strides = array<i32>} : memref<32x256xi32, #tpu.memory_space<vmem>>, vector<16xi32>,
        %parallel_loop3A_350 = tpu.vector_load_idx %arg13[%parallel_loop3A_349] : memref<8208xf32, #tpu.memory_space<vmem>>[vector<16xi32>], vector<16xf32>,
        %parallel_loop3A_351 = arith.index_cast %parallel_loop3A_342 : i32 to index
        %parallel_loop3A_352 = arith.index_cast %parallel_loop3A_346 : i32 to index
        %parallel_loop3A_353 = tpu.vector_load %arg18[%parallel_loop3A_351, %parallel_loop3A_352] {strides = array<i32>} : memref<32x256xf32, #tpu.memory_space<vmem>>, vector<16xf32>,
        tpu.vector_store %arg18[%parallel_loop3A_351, %parallel_loop3A_352], %parallel_loop3A_350 {strides = array<i32>} : memref<32x256xf32, #tpu.memory_space<vmem>>, vector<16xf32>,
      } {sc.loop_unroll_factor = 8 : i64, sc.parallel_access}
      %add3A_237 = arith.constant 3 : i32
      %add3A_238 = arith.addi %add3A_237, %add3A_223 : i32
      %dma_start3A_239 = arith.constant 0 : i32
      %dma_start3A_240 = tpu.memref_slice %arg6[%select_n3A, %add3A_238, %dma_start3A_239, %mul3A_32] : memref<4x131x32x2048xf32, #tpu.memory_space<hbm>> -> memref<1x1x32x256xf32, #tpu.memory_space<hbm>>
      %dma_start3A_241 = tpu.memref_squeeze %dma_start3A_240 : memref<1x1x32x256xf32, #tpu.memory_space<hbm>> -> memref<32x256xf32, #tpu.memory_space<hbm>>
      %dma_start3A_242 = arith.constant 0 : i32
      %dma_start3A_243 = tpu.memref_slice %arg6[%select_n3A, %add3A_238, %dma_start3A_242, %mul3A_32] : memref<4x131x32x2048xf32, #tpu.memory_space<hbm>> -> memref<1x1x32x256xf32, #tpu.memory_space<hbm>>
      %dma_start3A_244 = tpu.memref_squeeze %dma_start3A_243 : memref<1x1x32x256xf32, #tpu.memory_space<hbm>> -> memref<32x256xf32, #tpu.memory_space<hbm>>
      tpu.enqueue_dma source(%arg18 : memref<32x256xf32, #tpu.memory_space<vmem>>) target(%dma_start3A_244 : memref<32x256xf32, #tpu.memory_space<hbm>>) target_semaphore(%arg27 : memref<!tpu.dma_semaphore, #tpu.memory_space<semaphore_mem>>)
      %add3A_245 = arith.constant 4 : i32
      %add3A_246 = arith.addi %add3A_223, %add3A_245 : i32
      %min3A_247 = arith.constant 127 : i32
      %min3A_248 = arith.minsi %add3A_246, %min3A_247 : i32
      %mul3A_249 = arith.constant 128 : i32
      %mul3A_250 = arith.muli %select_n3A, %mul3A_249 : i32
      %add3A_251 = arith.addi %mul3A_250, %min3A_248 : i32
      %mul3A_252 = arith.constant 8192 : i32
      %mul3A_253 = arith.muli %add3A_251, %mul3A_252 : i32
      %dma_start3A_254 = arith.constant 0 : i32
      %dma_start3A_255 = tpu.memref_slice %arg13[%dma_start3A_254] : memref<8208xf32, #tpu.memory_space<vmem>> -> memref<8192xf32, #tpu.memory_space<vmem>>
      %dma_start3A_256 = tpu.memref_slice %arg3[%mul3A_253] : memref<4194304xf32, #tpu.memory_space<hbm>> -> memref<8192xf32, #tpu.memory_space<hbm>>
      %dma_start3A_257 = arith.constant 0 : i32
      %dma_start3A_258 = tpu.memref_slice %arg13[%dma_start3A_257] : memref<8208xf32, #tpu.memory_space<vmem>> -> memref<8192xf32, #tpu.memory_space<vmem>>
      %dma_start3A_259 = tpu.memref_slice %arg3[%mul3A_253] : memref<4194304xf32, #tpu.memory_space<hbm>> -> memref<8192xf32, #tpu.memory_space<hbm>>
      tpu.enqueue_dma source(%dma_start3A_259 : memref<8192xf32, #tpu.memory_space<hbm>>) target(%dma_start3A_258 : memref<8192xf32, #tpu.memory_space<vmem>>) target_semaphore(%arg23 : memref<!tpu.dma_semaphore, #tpu.memory_space<semaphore_mem>>)
      %mul3A_260 = arith.constant 4 : i32
      %mul3A_261 = arith.muli %scan3A_180, %mul3A_260 : i32
      %add3A_262 = arith.constant 2 : i32
      %add3A_263 = arith.addi %mul3A_261, %add3A_262 : i32
      %mul3A_264 = arith.constant 128 : i32
      %mul3A_265 = arith.muli %select_n3A, %mul3A_264 : i32
      %mul3A_266 = arith.constant 8192 : i32
      %mul3A_267 = arith.muli %mul3A_265, %mul3A_266 : i32
      %dma_wait3A_268 = arith.constant 0 : i32
      %dma_wait3A_269 = tpu.memref_slice %arg14[%dma_wait3A_268] : memref<8208xf32, #tpu.memory_space<vmem>> -> memref<8192xf32, #tpu.memory_space<vmem>>
      %dma_wait3A_270 = tpu.memref_slice %arg3[%mul3A_267] : memref<4194304xf32, #tpu.memory_space<hbm>> -> memref<8192xf32, #tpu.memory_space<hbm>>
      %dma_wait3A_271 = arith.constant 0 : i32
      %dma_wait3A_272 = tpu.memref_slice %arg14[%dma_wait3A_271] : memref<8208xf32, #tpu.memory_space<vmem>> -> memref<8192xf32, #tpu.memory_space<vmem>>
      %dma_wait3A_273 = tpu.memref_slice %arg3[%mul3A_267] : memref<4194304xf32, #tpu.memory_space<hbm>> -> memref<8192xf32, #tpu.memory_space<hbm>>
      tpu.wait_dma2 semaphore(%arg24 : memref<!tpu.dma_semaphore, #tpu.memory_space<semaphore_mem>>) src(%dma_wait3A_273 : memref<8192xf32, #tpu.memory_space<hbm>>) dst(%dma_wait3A_272 : memref<8192xf32, #tpu.memory_space<vmem>>)
      tpu.wait_dma2 semaphore(%arg28 : memref<!tpu.dma_semaphore, #tpu.memory_space<semaphore_mem>>) src(%arg19 : memref<32x256xf32, #tpu.memory_space<vmem>>) dst(%arg21 : memref<32x256xf32, #tpu.memory_space<vmem_shared>>)
      %parallel_loop3A_274 = arith.constant 0 : i32
      %parallel_loop3A_275 = arith.constant 512 : i32
      %parallel_loop3A_276 = arith.constant 1 : i32
      scf.for %parallel_loop3A_340 = %parallel_loop3A_274 to %parallel_loop3A_275 step %parallel_loop3A_276  : i32 {
        %parallel_loop3A_341 = arith.constant 4 : i32
        %parallel_loop3A_342 = arith.shrsi %parallel_loop3A_340, %parallel_loop3A_341 : i32
        %parallel_loop3A_343 = arith.constant 15 : i32
        %parallel_loop3A_344 = arith.andi %parallel_loop3A_340, %parallel_loop3A_343 : i32
        %parallel_loop3A_345 = arith.constant 16 : i32
        %parallel_loop3A_346 = arith.muli %parallel_loop3A_344, %parallel_loop3A_345 : i32
        %parallel_loop3A_347 = arith.index_cast %parallel_loop3A_342 : i32 to index
        %parallel_loop3A_348 = arith.index_cast %parallel_loop3A_346 : i32 to index
        %parallel_loop3A_349 = tpu.vector_load %arg8[%parallel_loop3A_347, %parallel_loop3A_348] {strides = array<i32>} : memref<32x256xi32, #tpu.memory_space<vmem>>, vector<16xi32>,
        %parallel_loop3A_350 = tpu.vector_load_idx %arg14[%parallel_loop3A_349] : memref<8208xf32, #tpu.memory_space<vmem>>[vector<16xi32>], vector<16xf32>,
        %parallel_loop3A_351 = arith.index_cast %parallel_loop3A_342 : i32 to index
        %parallel_loop3A_352 = arith.index_cast %parallel_loop3A_346 : i32 to index
        %parallel_loop3A_353 = tpu.vector_load %arg19[%parallel_loop3A_351, %parallel_loop3A_352] {strides = array<i32>} : memref<32x256xf32, #tpu.memory_space<vmem>>, vector<16xf32>,
        tpu.vector_store %arg19[%parallel_loop3A_351, %parallel_loop3A_352], %parallel_loop3A_350 {strides = array<i32>} : memref<32x256xf32, #tpu.memory_space<vmem>>, vector<16xf32>,
      } {sc.loop_unroll_factor = 8 : i64, sc.parallel_access}
      %add3A_277 = arith.constant 3 : i32
      %add3A_278 = arith.addi %add3A_277, %add3A_263 : i32
      %dma_start3A_279 = arith.constant 0 : i32
      %dma_start3A_280 = tpu.memref_slice %arg6[%select_n3A, %add3A_278, %dma_start3A_279, %mul3A_32] : memref<4x131x32x2048xf32, #tpu.memory_space<hbm>> -> memref<1x1x32x256xf32, #tpu.memory_space<hbm>>
      %dma_start3A_281 = tpu.memref_squeeze %dma_start3A_280 : memref<1x1x32x256xf32, #tpu.memory_space<hbm>> -> memref<32x256xf32, #tpu.memory_space<hbm>>
      %dma_start3A_282 = arith.constant 0 : i32
      %dma_start3A_283 = tpu.memref_slice %arg6[%select_n3A, %add3A_278, %dma_start3A_282, %mul3A_32] : memref<4x131x32x2048xf32, #tpu.memory_space<hbm>> -> memref<1x1x32x256xf32, #tpu.memory_space<hbm>>
      %dma_start3A_284 = tpu.memref_squeeze %dma_start3A_283 : memref<1x1x32x256xf32, #tpu.memory_space<hbm>> -> memref<32x256xf32, #tpu.memory_space<hbm>>
      tpu.enqueue_dma source(%arg19 : memref<32x256xf32, #tpu.memory_space<vmem>>) target(%dma_start3A_284 : memref<32x256xf32, #tpu.memory_space<hbm>>) target_semaphore(%arg28 : memref<!tpu.dma_semaphore, #tpu.memory_space<semaphore_mem>>)
      %add3A_285 = arith.constant 4 : i32
      %add3A_286 = arith.addi %add3A_263, %add3A_285 : i32
      %min3A_287 = arith.constant 127 : i32
      %min3A_288 = arith.minsi %add3A_286, %min3A_287 : i32
      %mul3A_289 = arith.constant 128 : i32
      %mul3A_290 = arith.muli %select_n3A, %mul3A_289 : i32
      %add3A_291 = arith.addi %mul3A_290, %min3A_288 : i32
      %mul3A_292 = arith.constant 8192 : i32
      %mul3A_293 = arith.muli %add3A_291, %mul3A_292 : i32
      %dma_start3A_294 = arith.constant 0 : i32
      %dma_start3A_295 = tpu.memref_slice %arg14[%dma_start3A_294] : memref<8208xf32, #tpu.memory_space<vmem>> -> memref<8192xf32, #tpu.memory_space<vmem>>
      %dma_start3A_296 = tpu.memref_slice %arg3[%mul3A_293] : memref<4194304xf32, #tpu.memory_space<hbm>> -> memref<8192xf32, #tpu.memory_space<hbm>>
      %dma_start3A_297 = arith.constant 0 : i32
      %dma_start3A_298 = tpu.memref_slice %arg14[%dma_start3A_297] : memref<8208xf32, #tpu.memory_space<vmem>> -> memref<8192xf32, #tpu.memory_space<vmem>>
      %dma_start3A_299 = tpu.memref_slice %arg3[%mul3A_293] : memref<4194304xf32, #tpu.memory_space<hbm>> -> memref<8192xf32, #tpu.memory_space<hbm>>
      tpu.enqueue_dma source(%dma_start3A_299 : memref<8192xf32, #tpu.memory_space<hbm>>) target(%dma_start3A_298 : memref<8192xf32, #tpu.memory_space<vmem>>) target_semaphore(%arg24 : memref<!tpu.dma_semaphore, #tpu.memory_space<semaphore_mem>>)
      %mul3A_300 = arith.constant 4 : i32
      %mul3A_301 = arith.muli %scan3A_180, %mul3A_300 : i32
      %add3A_302 = arith.constant 3 : i32
      %add3A_303 = arith.addi %mul3A_301, %add3A_302 : i32
      %mul3A_304 = arith.constant 128 : i32
      %mul3A_305 = arith.muli %select_n3A, %mul3A_304 : i32
      %mul3A_306 = arith.constant 8192 : i32
      %mul3A_307 = arith.muli %mul3A_305, %mul3A_306 : i32
      %dma_wait3A_308 = arith.constant 0 : i32
      %dma_wait3A_309 = tpu.memref_slice %arg15[%dma_wait3A_308] : memref<8208xf32, #tpu.memory_space<vmem>> -> memref<8192xf32, #tpu.memory_space<vmem>>
      %dma_wait3A_310 = tpu.memref_slice %arg3[%mul3A_307] : memref<4194304xf32, #tpu.memory_space<hbm>> -> memref<8192xf32, #tpu.memory_space<hbm>>
      %dma_wait3A_311 = arith.constant 0 : i32
      %dma_wait3A_312 = tpu.memref_slice %arg15[%dma_wait3A_311] : memref<8208xf32, #tpu.memory_space<vmem>> -> memref<8192xf32, #tpu.memory_space<vmem>>
      %dma_wait3A_313 = tpu.memref_slice %arg3[%mul3A_307] : memref<4194304xf32, #tpu.memory_space<hbm>> -> memref<8192xf32, #tpu.memory_space<hbm>>
      tpu.wait_dma2 semaphore(%arg25 : memref<!tpu.dma_semaphore, #tpu.memory_space<semaphore_mem>>) src(%dma_wait3A_313 : memref<8192xf32, #tpu.memory_space<hbm>>) dst(%dma_wait3A_312 : memref<8192xf32, #tpu.memory_space<vmem>>)
      tpu.wait_dma2 semaphore(%arg29 : memref<!tpu.dma_semaphore, #tpu.memory_space<semaphore_mem>>) src(%arg20 : memref<32x256xf32, #tpu.memory_space<vmem>>) dst(%arg21 : memref<32x256xf32, #tpu.memory_space<vmem_shared>>)
      %parallel_loop3A_314 = arith.constant 0 : i32
      %parallel_loop3A_315 = arith.constant 512 : i32
      %parallel_loop3A_316 = arith.constant 1 : i32
      scf.for %parallel_loop3A_340 = %parallel_loop3A_314 to %parallel_loop3A_315 step %parallel_loop3A_316  : i32 {
        %parallel_loop3A_341 = arith.constant 4 : i32
        %parallel_loop3A_342 = arith.shrsi %parallel_loop3A_340, %parallel_loop3A_341 : i32
        %parallel_loop3A_343 = arith.constant 15 : i32
        %parallel_loop3A_344 = arith.andi %parallel_loop3A_340, %parallel_loop3A_343 : i32
        %parallel_loop3A_345 = arith.constant 16 : i32
        %parallel_loop3A_346 = arith.muli %parallel_loop3A_344, %parallel_loop3A_345 : i32
        %parallel_loop3A_347 = arith.index_cast %parallel_loop3A_342 : i32 to index
        %parallel_loop3A_348 = arith.index_cast %parallel_loop3A_346 : i32 to index
        %parallel_loop3A_349 = tpu.vector_load %arg8[%parallel_loop3A_347, %parallel_loop3A_348] {strides = array<i32>} : memref<32x256xi32, #tpu.memory_space<vmem>>, vector<16xi32>,
        %parallel_loop3A_350 = tpu.vector_load_idx %arg15[%parallel_loop3A_349] : memref<8208xf32, #tpu.memory_space<vmem>>[vector<16xi32>], vector<16xf32>,
        %parallel_loop3A_351 = arith.index_cast %parallel_loop3A_342 : i32 to index
        %parallel_loop3A_352 = arith.index_cast %parallel_loop3A_346 : i32 to index
        %parallel_loop3A_353 = tpu.vector_load %arg20[%parallel_loop3A_351, %parallel_loop3A_352] {strides = array<i32>} : memref<32x256xf32, #tpu.memory_space<vmem>>, vector<16xf32>,
        tpu.vector_store %arg20[%parallel_loop3A_351, %parallel_loop3A_352], %parallel_loop3A_350 {strides = array<i32>} : memref<32x256xf32, #tpu.memory_space<vmem>>, vector<16xf32>,
      } {sc.loop_unroll_factor = 8 : i64, sc.parallel_access}
      %add3A_317 = arith.constant 3 : i32
      %add3A_318 = arith.addi %add3A_317, %add3A_303 : i32
      %dma_start3A_319 = arith.constant 0 : i32
      %dma_start3A_320 = tpu.memref_slice %arg6[%select_n3A, %add3A_318, %dma_start3A_319, %mul3A_32] : memref<4x131x32x2048xf32, #tpu.memory_space<hbm>> -> memref<1x1x32x256xf32, #tpu.memory_space<hbm>>
      %dma_start3A_321 = tpu.memref_squeeze %dma_start3A_320 : memref<1x1x32x256xf32, #tpu.memory_space<hbm>> -> memref<32x256xf32, #tpu.memory_space<hbm>>
      %dma_start3A_322 = arith.constant 0 : i32
      %dma_start3A_323 = tpu.memref_slice %arg6[%select_n3A, %add3A_318, %dma_start3A_322, %mul3A_32] : memref<4x131x32x2048xf32, #tpu.memory_space<hbm>> -> memref<1x1x32x256xf32, #tpu.memory_space<hbm>>
      %dma_start3A_324 = tpu.memref_squeeze %dma_start3A_323 : memref<1x1x32x256xf32, #tpu.memory_space<hbm>> -> memref<32x256xf32, #tpu.memory_space<hbm>>
      tpu.enqueue_dma source(%arg20 : memref<32x256xf32, #tpu.memory_space<vmem>>) target(%dma_start3A_324 : memref<32x256xf32, #tpu.memory_space<hbm>>) target_semaphore(%arg29 : memref<!tpu.dma_semaphore, #tpu.memory_space<semaphore_mem>>)
      %add3A_325 = arith.constant 4 : i32
      %add3A_326 = arith.addi %add3A_303, %add3A_325 : i32
      %min3A_327 = arith.constant 127 : i32
      %min3A_328 = arith.minsi %add3A_326, %min3A_327 : i32
      %mul3A_329 = arith.constant 128 : i32
      %mul3A_330 = arith.muli %select_n3A, %mul3A_329 : i32
      %add3A_331 = arith.addi %mul3A_330, %min3A_328 : i32
      %mul3A_332 = arith.constant 8192 : i32
      %mul3A_333 = arith.muli %add3A_331, %mul3A_332 : i32
      %dma_start3A_334 = arith.constant 0 : i32
      %dma_start3A_335 = tpu.memref_slice %arg15[%dma_start3A_334] : memref<8208xf32, #tpu.memory_space<vmem>> -> memref<8192xf32, #tpu.memory_space<vmem>>
      %dma_start3A_336 = tpu.memref_slice %arg3[%mul3A_333] : memref<4194304xf32, #tpu.memory_space<hbm>> -> memref<8192xf32, #tpu.memory_space<hbm>>
      %dma_start3A_337 = arith.constant 0 : i32
      %dma_start3A_338 = tpu.memref_slice %arg15[%dma_start3A_337] : memref<8208xf32, #tpu.memory_space<vmem>> -> memref<8192xf32, #tpu.memory_space<vmem>>
      %dma_start3A_339 = tpu.memref_slice %arg3[%mul3A_333] : memref<4194304xf32, #tpu.memory_space<hbm>> -> memref<8192xf32, #tpu.memory_space<hbm>>
      tpu.enqueue_dma source(%dma_start3A_339 : memref<8192xf32, #tpu.memory_space<hbm>>) target(%dma_start3A_338 : memref<8192xf32, #tpu.memory_space<vmem>>) target_semaphore(%arg25 : memref<!tpu.dma_semaphore, #tpu.memory_space<semaphore_mem>>)
    }
    %scan3A_140 = arith.constant 32 : i32
    %mul3A_141 = arith.constant 128 : i32
    %mul3A_142 = arith.muli %select_n3A, %mul3A_141 : i32
    %mul3A_143 = arith.constant 8192 : i32
    %mul3A_144 = arith.muli %mul3A_142, %mul3A_143 : i32
    %dma_wait3A = arith.constant 0 : i32
    %dma_wait3A_145 = tpu.memref_slice %arg12[%dma_wait3A] : memref<8208xf32, #tpu.memory_space<vmem>> -> memref<8192xf32, #tpu.memory_space<vmem>>
    %dma_wait3A_146 = tpu.memref_slice %arg3[%mul3A_144] : memref<4194304xf32, #tpu.memory_space<hbm>> -> memref<8192xf32, #tpu.memory_space<hbm>>
    %dma_wait3A_147 = arith.constant 0 : i32
    %dma_wait3A_148 = tpu.memref_slice %arg12[%dma_wait3A_147] : memref<8208xf32, #tpu.memory_space<vmem>> -> memref<8192xf32, #tpu.memory_space<vmem>>
    %dma_wait3A_149 = tpu.memref_slice %arg3[%mul3A_144] : memref<4194304xf32, #tpu.memory_space<hbm>> -> memref<8192xf32, #tpu.memory_space<hbm>>
    tpu.wait_dma2 semaphore(%arg22 : memref<!tpu.dma_semaphore, #tpu.memory_space<semaphore_mem>>) src(%dma_wait3A_149 : memref<8192xf32, #tpu.memory_space<hbm>>) dst(%dma_wait3A_148 : memref<8192xf32, #tpu.memory_space<vmem>>)
    tpu.wait_dma2 semaphore(%arg26 : memref<!tpu.dma_semaphore, #tpu.memory_space<semaphore_mem>>) src(%arg17 : memref<32x256xf32, #tpu.memory_space<vmem>>) dst(%arg21 : memref<32x256xf32, #tpu.memory_space<vmem_shared>>)
    %mul3A_150 = arith.constant 128 : i32
    %mul3A_151 = arith.muli %select_n3A, %mul3A_150 : i32
    %mul3A_152 = arith.constant 8192 : i32
    %mul3A_153 = arith.muli %mul3A_151, %mul3A_152 : i32
    %dma_wait3A_154 = arith.constant 0 : i32
    %dma_wait3A_155 = tpu.memref_slice %arg13[%dma_wait3A_154] : memref<8208xf32, #tpu.memory_space<vmem>> -> memref<8192xf32, #tpu.memory_space<vmem>>
    %dma_wait3A_156 = tpu.memref_slice %arg3[%mul3A_153] : memref<4194304xf32, #tpu.memory_space<hbm>> -> memref<8192xf32, #tpu.memory_space<hbm>>
    %dma_wait3A_157 = arith.constant 0 : i32
    %dma_wait3A_158 = tpu.memref_slice %arg13[%dma_wait3A_157] : memref<8208xf32, #tpu.memory_space<vmem>> -> memref<8192xf32, #tpu.memory_space<vmem>>
    %dma_wait3A_159 = tpu.memref_slice %arg3[%mul3A_153] : memref<4194304xf32, #tpu.memory_space<hbm>> -> memref<8192xf32, #tpu.memory_space<hbm>>
    tpu.wait_dma2 semaphore(%arg23 : memref<!tpu.dma_semaphore, #tpu.memory_space<semaphore_mem>>) src(%dma_wait3A_159 : memref<8192xf32, #tpu.memory_space<hbm>>) dst(%dma_wait3A_158 : memref<8192xf32, #tpu.memory_space<vmem>>)
    tpu.wait_dma2 semaphore(%arg27 : memref<!tpu.dma_semaphore, #tpu.memory_space<semaphore_mem>>) src(%arg18 : memref<32x256xf32, #tpu.memory_space<vmem>>) dst(%arg21 : memref<32x256xf32, #tpu.memory_space<vmem_shared>>)
    %mul3A_160 = arith.constant 128 : i32
    %mul3A_161 = arith.muli %select_n3A, %mul3A_160 : i32
    %mul3A_162 = arith.constant 8192 : i32
    %mul3A_163 = arith.muli %mul3A_161, %mul3A_162 : i32
    %dma_wait3A_164 = arith.constant 0 : i32
    %dma_wait3A_165 = tpu.memref_slice %arg14[%dma_wait3A_164] : memref<8208xf32, #tpu.memory_space<vmem>> -> memref<8192xf32, #tpu.memory_space<vmem>>
    %dma_wait3A_166 = tpu.memref_slice %arg3[%mul3A_163] : memref<4194304xf32, #tpu.memory_space<hbm>> -> memref<8192xf32, #tpu.memory_space<hbm>>
    %dma_wait3A_167 = arith.constant 0 : i32
    %dma_wait3A_168 = tpu.memref_slice %arg14[%dma_wait3A_167] : memref<8208xf32, #tpu.memory_space<vmem>> -> memref<8192xf32, #tpu.memory_space<vmem>>
    %dma_wait3A_169 = tpu.memref_slice %arg3[%mul3A_163] : memref<4194304xf32, #tpu.memory_space<hbm>> -> memref<8192xf32, #tpu.memory_space<hbm>>
    tpu.wait_dma2 semaphore(%arg24 : memref<!tpu.dma_semaphore, #tpu.memory_space<semaphore_mem>>) src(%dma_wait3A_169 : memref<8192xf32, #tpu.memory_space<hbm>>) dst(%dma_wait3A_168 : memref<8192xf32, #tpu.memory_space<vmem>>)
    tpu.wait_dma2 semaphore(%arg28 : memref<!tpu.dma_semaphore, #tpu.memory_space<semaphore_mem>>) src(%arg19 : memref<32x256xf32, #tpu.memory_space<vmem>>) dst(%arg21 : memref<32x256xf32, #tpu.memory_space<vmem_shared>>)
    %mul3A_170 = arith.constant 128 : i32
    %mul3A_171 = arith.muli %select_n3A, %mul3A_170 : i32
    %mul3A_172 = arith.constant 8192 : i32
    %mul3A_173 = arith.muli %mul3A_171, %mul3A_172 : i32
    %dma_wait3A_174 = arith.constant 0 : i32
    %dma_wait3A_175 = tpu.memref_slice %arg15[%dma_wait3A_174] : memref<8208xf32, #tpu.memory_space<vmem>> -> memref<8192xf32, #tpu.memory_space<vmem>>
    %dma_wait3A_176 = tpu.memref_slice %arg3[%mul3A_173] : memref<4194304xf32, #tpu.memory_space<hbm>> -> memref<8192xf32, #tpu.memory_space<hbm>>
    %dma_wait3A_177 = arith.constant 0 : i32
    %dma_wait3A_178 = tpu.memref_slice %arg15[%dma_wait3A_177] : memref<8208xf32, #tpu.memory_space<vmem>> -> memref<8192xf32, #tpu.memory_space<vmem>>
    %dma_wait3A_179 = tpu.memref_slice %arg3[%mul3A_173] : memref<4194304xf32, #tpu.memory_space<hbm>> -> memref<8192xf32, #tpu.memory_space<hbm>>
    tpu.wait_dma2 semaphore(%arg25 : memref<!tpu.dma_semaphore, #tpu.memory_space<semaphore_mem>>) src(%dma_wait3A_179 : memref<8192xf32, #tpu.memory_space<hbm>>) dst(%dma_wait3A_178 : memref<8192xf32, #tpu.memory_space<vmem>>)
    tpu.wait_dma2 semaphore(%arg29 : memref<!tpu.dma_semaphore, #tpu.memory_space<semaphore_mem>>) src(%arg20 : memref<32x256xf32, #tpu.memory_space<vmem>>) dst(%arg21 : memref<32x256xf32, #tpu.memory_space<vmem_shared>>)
    return
  }
}

module attributes {stable_mosaic.version = 14 : i64} {
  func.func @_bq_body(%arg0: i32, %arg1: i32, %arg2: memref<1x256x3xf32, #tpu.memory_space<vmem>>, %arg3: memref<1x3x8192xf32, #tpu.memory_space<vmem>>, %arg4: memref<1x32x256xi32, #tpu.memory_space<vmem>>) attributes {dimension_semantics = [#tpu.dimension_semantics<arbitrary>, #tpu.dimension_semantics<arbitrary>], iteration_bounds = array<i64: 4, 8>, scalar_prefetch = 0 : i64, scratch_operands = 0 : i64, tpu.core_type = #tpu.core_type<tc>, window_params = [{transform_indices = @transform_0, window_bounds = array<i64: 1, 256, 3>}, {transform_indices = @transform_1, window_bounds = array<i64: 1, 3, 8192>}, {transform_indices = @transform_2, window_bounds = array<i64: 1, 32, 256>}]} {
    %get3A = arith.constant 0 : index
    %get3A_0 = arith.constant 0 : index
    %get3A_1 = arith.constant 0 : index
    %get3A_2 = vector.load %arg2[%get3A, %get3A_0, %get3A_1] : memref<1x256x3xf32, #tpu.memory_space<vmem>>, vector<1x256x3xf32>
    %get3A_3 = vector.shape_cast %get3A_2 : vector<1x256x3xf32> to vector<256x3xf32>
    %get3A_4 = arith.constant 0 : index
    %get3A_5 = arith.constant 0 : index
    %get3A_6 = arith.constant 0 : index
    %get3A_7 = vector.load %arg3[%get3A_4, %get3A_5, %get3A_6] : memref<1x3x8192xf32, #tpu.memory_space<vmem>>, vector<1x3x8192xf32>
    %get3A_8 = vector.shape_cast %get3A_7 : vector<1x3x8192xf32> to vector<3x8192xf32>
    %mul3A = arith.mulf %get3A_3, %get3A_3 : vector<256x3xf32>
    %reduce_sum3A = arith.constant dense<0.000000e+00> : vector<256xf32>
    %reduce_sum3A_9 = vector.multi_reduction <add>, %mul3A, %reduce_sum3A [1] : vector<256x3xf32> to vector<256xf32>
    %broadcast_in_dim3A = vector.shape_cast %reduce_sum3A_9 : vector<256xf32> to vector<256x1xf32>
    %iota3A = tpu.iota {dimensions = array<i32: 0>} : vector<2048x256xi32>
    %iota3A_10 = tpu.iota {dimensions = array<i32: 1>} : vector<2048x256xi32>
    %lt3A = arith.constant 128 : i32
    %lt3A_11 = vector.broadcast %lt3A : i32 to vector<2048x256xi32>
    %lt3A_12 = arith.cmpi slt, %iota3A_10, %lt3A_11 : vector<2048x256xi32>
    %sub3A = arith.constant 128 : i32
    %sub3A_13 = vector.broadcast %sub3A : i32 to vector<2048x256xi32>
    %sub3A_14 = arith.subi %iota3A_10, %sub3A_13 : vector<2048x256xi32>
    %select_n3A = arith.select %lt3A_12, %iota3A_10, %sub3A_14 : vector<2048x256xi1>, vector<2048x256xi32>
    %jit3A = arith.constant 16 : i32
    %div3A = vector.broadcast %jit3A : i32 to vector<2048x256xi32>
    %div3A_15 = arith.divsi %iota3A, %div3A : vector<2048x256xi32>
    %sign3A = arith.constant 0 : i32
    %sign3A_16 = vector.broadcast %sign3A : i32 to vector<2048x256xi32>
    %sign3A_17 = arith.cmpi sgt, %iota3A, %sign3A_16 : vector<2048x256xi32>
    %sign3A_18 = arith.extui %sign3A_17 : vector<2048x256xi1> to vector<2048x256xi32>
    %sign3A_19 = arith.constant 0 : i32
    %sign3A_20 = vector.broadcast %sign3A_19 : i32 to vector<2048x256xi32>
    %sign3A_21 = arith.cmpi slt, %iota3A, %sign3A_20 : vector<2048x256xi32>
    %sign3A_22 = arith.extui %sign3A_21 : vector<2048x256xi1> to vector<2048x256xi32>
    %sign3A_23 = arith.subi %sign3A_18, %sign3A_22 : vector<2048x256xi32>
    %sign3A_24 = arith.constant 0 : i32
    %sign3A_25 = arith.cmpi sgt, %jit3A, %sign3A_24 : i32
    %sign3A_26 = arith.extui %sign3A_25 : i1 to i32
    %sign3A_27 = arith.constant 0 : i32
    %sign3A_28 = arith.cmpi slt, %jit3A, %sign3A_27 : i32
    %sign3A_29 = arith.extui %sign3A_28 : i1 to i32
    %sign3A_30 = arith.subi %sign3A_26, %sign3A_29 : i32
    %ne3A = vector.broadcast %sign3A_30 : i32 to vector<2048x256xi32>
    %ne3A_31 = arith.cmpi ne, %sign3A_23, %ne3A : vector<2048x256xi32>
    %rem3A = vector.broadcast %jit3A : i32 to vector<2048x256xi32>
    %rem3A_32 = arith.remsi %iota3A, %rem3A : vector<2048x256xi32>
    %ne3A_33 = arith.constant 0 : i32
    %ne3A_34 = vector.broadcast %ne3A_33 : i32 to vector<2048x256xi32>
    %ne3A_35 = arith.cmpi ne, %rem3A_32, %ne3A_34 : vector<2048x256xi32>
    %and3A = arith.andi %ne3A_31, %ne3A_35 : vector<2048x256xi1>
    %sub3A_36 = arith.constant 1 : i32
    %sub3A_37 = vector.broadcast %sub3A_36 : i32 to vector<2048x256xi32>
    %sub3A_38 = arith.subi %div3A_15, %sub3A_37 : vector<2048x256xi32>
    %select_n3A_39 = arith.select %and3A, %sub3A_38, %div3A_15 : vector<2048x256xi1>, vector<2048x256xi32>
    %eq3A = arith.cmpi eq, %select_n3A_39, %select_n3A : vector<2048x256xi32>
    %lt3A_40 = arith.constant 128 : i32
    %lt3A_41 = vector.broadcast %lt3A_40 : i32 to vector<2048x256xi32>
    %lt3A_42 = arith.cmpi slt, %iota3A_10, %lt3A_41 : vector<2048x256xi32>
    %jit3A_43 = arith.constant 16 : i32
    %eq3A_44 = arith.constant 0 : i32
    %eq3A_45 = arith.cmpi eq, %jit3A_43, %eq3A_44 : i32
    %jit3A_46 = arith.constant 1 : i32
    %select_n3A_47 = arith.select %eq3A_45, %jit3A_46, %jit3A_43 : i32
    %rem3A_48 = vector.broadcast %select_n3A_47 : i32 to vector<2048x256xi32>
    %rem3A_49 = arith.remsi %iota3A, %rem3A_48 : vector<2048x256xi32>
    %ne3A_50 = arith.constant 0 : i32
    %ne3A_51 = vector.broadcast %ne3A_50 : i32 to vector<2048x256xi32>
    %ne3A_52 = arith.cmpi ne, %rem3A_49, %ne3A_51 : vector<2048x256xi32>
    %lt3A_53 = arith.constant 0 : i32
    %lt3A_54 = vector.broadcast %lt3A_53 : i32 to vector<2048x256xi32>
    %lt3A_55 = arith.cmpi slt, %rem3A_49, %lt3A_54 : vector<2048x256xi32>
    %lt3A_56 = arith.constant 0 : i32
    %lt3A_57 = arith.cmpi slt, %select_n3A_47, %lt3A_56 : i32
    %ne3A_58 = vector.broadcast %lt3A_57 : i1 to vector<2048x256xi1>
    %ne3A_59 = vector.broadcast %ne3A_58 : vector<2048x256xi1> to vector<2048x256xi1>
    %ne3A_60 = arith.xori %lt3A_55, %ne3A_59 : vector<2048x256xi1>
    %and3A_61 = arith.andi %ne3A_60, %ne3A_52 : vector<2048x256xi1>
    %add3A = vector.broadcast %select_n3A_47 : i32 to vector<2048x256xi32>
    %add3A_62 = arith.addi %rem3A_49, %add3A : vector<2048x256xi32>
    %select_n3A_63 = arith.select %and3A_61, %add3A_62, %rem3A_49 : vector<2048x256xi1>, vector<2048x256xi32>
    %shift_left3A = arith.constant 1 : i32
    %shift_left3A_64 = vector.broadcast %shift_left3A : i32 to vector<2048x256xi32>
    %shift_left3A_65 = arith.shli %shift_left3A_64, %select_n3A_63 : vector<2048x256xi32>
    %convert_element_type3A = arith.sitofp %shift_left3A_65 : vector<2048x256xi32> to vector<2048x256xf32>
    %jit3A_66 = arith.constant 1.000000e+00 : f32
    %broadcast_in_dim3A_67 = vector.broadcast %jit3A_66 : f32 to vector<2048x256xf32>
    %select_n3A_68 = arith.select %lt3A_42, %convert_element_type3A, %broadcast_in_dim3A_67 : vector<2048x256xi1>, vector<2048x256xf32>
    %jit3A_69 = arith.constant 0.000000e+00 : f32
    %broadcast_in_dim3A_70 = vector.broadcast %jit3A_69 : f32 to vector<2048x256xf32>
    %select_n3A_71 = arith.select %eq3A, %select_n3A_68, %broadcast_in_dim3A_70 : vector<2048x256xi1>, vector<2048x256xf32>
    %convert_element_type3A_72 = arith.truncf %select_n3A_71 : vector<2048x256xf32> to vector<2048x256xbf16>
    %slice3A = vector.extract_strided_slice %get3A_8 {offsets = [0, 0], sizes = [3, 2048], strides = [1, 1]} : vector<3x8192xf32> to vector<3x2048xf32>
    %dot_general3A = arith.constant dense<0.000000e+00> : vector<256x2048xf32>
    %dot_general3A_73 = tpu.matmul %get3A_3, %slice3A, %dot_general3A {dimension_numbers = #tpu.dot_dimension_numbers<[1], [0], [0], [1], [0, 0, 1, 1], [], []>, transpose_lhs_hint = false} : vector<256x3xf32>, vector<3x2048xf32>, vector<256x2048xf32> -> vector<256x2048xf32>
    %mul3A_74 = arith.mulf %slice3A, %slice3A : vector<3x2048xf32>
    %reduce_sum3A_75 = arith.constant dense<0.000000e+00> : vector<2048xf32>
    %reduce_sum3A_76 = vector.multi_reduction <add>, %mul3A_74, %reduce_sum3A_75 [0] : vector<3x2048xf32> to vector<2048xf32>
    %broadcast_in_dim3A_77 = vector.shape_cast %reduce_sum3A_76 : vector<2048xf32> to vector<1x2048xf32>
    %add3A_78 = vector.broadcast %broadcast_in_dim3A : vector<256x1xf32> to vector<256x2048xf32>
    %add3A_79 = vector.broadcast %broadcast_in_dim3A_77 : vector<1x2048xf32> to vector<256x2048xf32>
    %add3A_80 = arith.addf %add3A_78, %add3A_79 : vector<256x2048xf32>
    %mul3A_81 = arith.constant 2.000000e+00 : f32
    %mul3A_82 = vector.broadcast %mul3A_81 : f32 to vector<256x2048xf32>
    %mul3A_83 = arith.mulf %mul3A_82, %dot_general3A_73 : vector<256x2048xf32>
    %sub3A_84 = arith.subf %add3A_80, %mul3A_83 : vector<256x2048xf32>
    %lt3A_85 = arith.constant 2.500000e-01 : f32
    %lt3A_86 = vector.broadcast %lt3A_85 : f32 to vector<256x2048xf32>
    %lt3A_87 = arith.cmpf olt, %sub3A_84, %lt3A_86 : vector<256x2048xf32>
    %convert_element_type3A_88 = arith.extui %lt3A_87 : vector<256x2048xi1> to vector<256x2048xi32>
    %convert_element_type3A_89 = arith.sitofp %convert_element_type3A_88 : vector<256x2048xi32> to vector<256x2048xf32>
    %convert_element_type3A_90 = arith.truncf %convert_element_type3A_89 : vector<256x2048xf32> to vector<256x2048xbf16>
    %dot_general3A_91 = arith.constant dense<0.000000e+00> : vector<256x256xf32>
    %dot_general3A_92 = tpu.matmul %convert_element_type3A_90, %convert_element_type3A_72, %dot_general3A_91 {dimension_numbers = #tpu.dot_dimension_numbers<[1], [0], [0], [1], [0, 0, 1, 1], [], []>, transpose_lhs_hint = false} : vector<256x2048xbf16>, vector<2048x256xbf16>, vector<256x256xf32> -> vector<256x256xf32>
    %slice3A_93 = vector.extract_strided_slice %dot_general3A_92 {offsets = [0, 0], sizes = [256, 128], strides = [1, 1]} : vector<256x256xf32> to vector<256x128xf32>
    %slice3A_94 = vector.extract_strided_slice %dot_general3A_92 {offsets = [0, 128], sizes = [256, 128], strides = [1, 1]} : vector<256x256xf32> to vector<256x128xf32>
    %slice3A_95 = vector.extract_strided_slice %get3A_8 {offsets = [0, 2048], sizes = [3, 2048], strides = [1, 1]} : vector<3x8192xf32> to vector<3x2048xf32>
    %dot_general3A_96 = arith.constant dense<0.000000e+00> : vector<256x2048xf32>
    %dot_general3A_97 = tpu.matmul %get3A_3, %slice3A_95, %dot_general3A_96 {dimension_numbers = #tpu.dot_dimension_numbers<[1], [0], [0], [1], [0, 0, 1, 1], [], []>, transpose_lhs_hint = false} : vector<256x3xf32>, vector<3x2048xf32>, vector<256x2048xf32> -> vector<256x2048xf32>
    %mul3A_98 = arith.mulf %slice3A_95, %slice3A_95 : vector<3x2048xf32>
    %reduce_sum3A_99 = arith.constant dense<0.000000e+00> : vector<2048xf32>
    %reduce_sum3A_100 = vector.multi_reduction <add>, %mul3A_98, %reduce_sum3A_99 [0] : vector<3x2048xf32> to vector<2048xf32>
    %broadcast_in_dim3A_101 = vector.shape_cast %reduce_sum3A_100 : vector<2048xf32> to vector<1x2048xf32>
    %add3A_102 = vector.broadcast %broadcast_in_dim3A : vector<256x1xf32> to vector<256x2048xf32>
    %add3A_103 = vector.broadcast %broadcast_in_dim3A_101 : vector<1x2048xf32> to vector<256x2048xf32>
    %add3A_104 = arith.addf %add3A_102, %add3A_103 : vector<256x2048xf32>
    %mul3A_105 = arith.constant 2.000000e+00 : f32
    %mul3A_106 = vector.broadcast %mul3A_105 : f32 to vector<256x2048xf32>
    %mul3A_107 = arith.mulf %mul3A_106, %dot_general3A_97 : vector<256x2048xf32>
    %sub3A_108 = arith.subf %add3A_104, %mul3A_107 : vector<256x2048xf32>
    %lt3A_109 = arith.constant 2.500000e-01 : f32
    %lt3A_110 = vector.broadcast %lt3A_109 : f32 to vector<256x2048xf32>
    %lt3A_111 = arith.cmpf olt, %sub3A_108, %lt3A_110 : vector<256x2048xf32>
    %convert_element_type3A_112 = arith.extui %lt3A_111 : vector<256x2048xi1> to vector<256x2048xi32>
    %convert_element_type3A_113 = arith.sitofp %convert_element_type3A_112 : vector<256x2048xi32> to vector<256x2048xf32>
    %convert_element_type3A_114 = arith.truncf %convert_element_type3A_113 : vector<256x2048xf32> to vector<256x2048xbf16>
    %dot_general3A_115 = arith.constant dense<0.000000e+00> : vector<256x256xf32>
    %dot_general3A_116 = tpu.matmul %convert_element_type3A_114, %convert_element_type3A_72, %dot_general3A_115 {dimension_numbers = #tpu.dot_dimension_numbers<[1], [0], [0], [1], [0, 0, 1, 1], [], []>, transpose_lhs_hint = false} : vector<256x2048xbf16>, vector<2048x256xbf16>, vector<256x256xf32> -> vector<256x256xf32>
    %slice3A_117 = vector.extract_strided_slice %dot_general3A_116 {offsets = [0, 0], sizes = [256, 128], strides = [1, 1]} : vector<256x256xf32> to vector<256x128xf32>
    %slice3A_118 = vector.extract_strided_slice %dot_general3A_116 {offsets = [0, 128], sizes = [256, 128], strides = [1, 1]} : vector<256x256xf32> to vector<256x128xf32>
    %slice3A_119 = vector.extract_strided_slice %get3A_8 {offsets = [0, 4096], sizes = [3, 2048], strides = [1, 1]} : vector<3x8192xf32> to vector<3x2048xf32>
    %dot_general3A_120 = arith.constant dense<0.000000e+00> : vector<256x2048xf32>
    %dot_general3A_121 = tpu.matmul %get3A_3, %slice3A_119, %dot_general3A_120 {dimension_numbers = #tpu.dot_dimension_numbers<[1], [0], [0], [1], [0, 0, 1, 1], [], []>, transpose_lhs_hint = false} : vector<256x3xf32>, vector<3x2048xf32>, vector<256x2048xf32> -> vector<256x2048xf32>
    %mul3A_122 = arith.mulf %slice3A_119, %slice3A_119 : vector<3x2048xf32>
    %reduce_sum3A_123 = arith.constant dense<0.000000e+00> : vector<2048xf32>
    %reduce_sum3A_124 = vector.multi_reduction <add>, %mul3A_122, %reduce_sum3A_123 [0] : vector<3x2048xf32> to vector<2048xf32>
    %broadcast_in_dim3A_125 = vector.shape_cast %reduce_sum3A_124 : vector<2048xf32> to vector<1x2048xf32>
    %add3A_126 = vector.broadcast %broadcast_in_dim3A : vector<256x1xf32> to vector<256x2048xf32>
    %add3A_127 = vector.broadcast %broadcast_in_dim3A_125 : vector<1x2048xf32> to vector<256x2048xf32>
    %add3A_128 = arith.addf %add3A_126, %add3A_127 : vector<256x2048xf32>
    %mul3A_129 = arith.constant 2.000000e+00 : f32
    %mul3A_130 = vector.broadcast %mul3A_129 : f32 to vector<256x2048xf32>
    %mul3A_131 = arith.mulf %mul3A_130, %dot_general3A_121 : vector<256x2048xf32>
    %sub3A_132 = arith.subf %add3A_128, %mul3A_131 : vector<256x2048xf32>
    %lt3A_133 = arith.constant 2.500000e-01 : f32
    %lt3A_134 = vector.broadcast %lt3A_133 : f32 to vector<256x2048xf32>
    %lt3A_135 = arith.cmpf olt, %sub3A_132, %lt3A_134 : vector<256x2048xf32>
    %convert_element_type3A_136 = arith.extui %lt3A_135 : vector<256x2048xi1> to vector<256x2048xi32>
    %convert_element_type3A_137 = arith.sitofp %convert_element_type3A_136 : vector<256x2048xi32> to vector<256x2048xf32>
    %convert_element_type3A_138 = arith.truncf %convert_element_type3A_137 : vector<256x2048xf32> to vector<256x2048xbf16>
    %dot_general3A_139 = arith.constant dense<0.000000e+00> : vector<256x256xf32>
    %dot_general3A_140 = tpu.matmul %convert_element_type3A_138, %convert_element_type3A_72, %dot_general3A_139 {dimension_numbers = #tpu.dot_dimension_numbers<[1], [0], [0], [1], [0, 0, 1, 1], [], []>, transpose_lhs_hint = false} : vector<256x2048xbf16>, vector<2048x256xbf16>, vector<256x256xf32> -> vector<256x256xf32>
    %slice3A_141 = vector.extract_strided_slice %dot_general3A_140 {offsets = [0, 0], sizes = [256, 128], strides = [1, 1]} : vector<256x256xf32> to vector<256x128xf32>
    %slice3A_142 = vector.extract_strided_slice %dot_general3A_140 {offsets = [0, 128], sizes = [256, 128], strides = [1, 1]} : vector<256x256xf32> to vector<256x128xf32>
    %slice3A_143 = vector.extract_strided_slice %get3A_8 {offsets = [0, 6144], sizes = [3, 2048], strides = [1, 1]} : vector<3x8192xf32> to vector<3x2048xf32>
    %dot_general3A_144 = arith.constant dense<0.000000e+00> : vector<256x2048xf32>
    %dot_general3A_145 = tpu.matmul %get3A_3, %slice3A_143, %dot_general3A_144 {dimension_numbers = #tpu.dot_dimension_numbers<[1], [0], [0], [1], [0, 0, 1, 1], [], []>, transpose_lhs_hint = false} : vector<256x3xf32>, vector<3x2048xf32>, vector<256x2048xf32> -> vector<256x2048xf32>
    %mul3A_146 = arith.mulf %slice3A_143, %slice3A_143 : vector<3x2048xf32>
    %reduce_sum3A_147 = arith.constant dense<0.000000e+00> : vector<2048xf32>
    %reduce_sum3A_148 = vector.multi_reduction <add>, %mul3A_146, %reduce_sum3A_147 [0] : vector<3x2048xf32> to vector<2048xf32>
    %broadcast_in_dim3A_149 = vector.shape_cast %reduce_sum3A_148 : vector<2048xf32> to vector<1x2048xf32>
    %add3A_150 = vector.broadcast %broadcast_in_dim3A : vector<256x1xf32> to vector<256x2048xf32>
    %add3A_151 = vector.broadcast %broadcast_in_dim3A_149 : vector<1x2048xf32> to vector<256x2048xf32>
    %add3A_152 = arith.addf %add3A_150, %add3A_151 : vector<256x2048xf32>
    %mul3A_153 = arith.constant 2.000000e+00 : f32
    %mul3A_154 = vector.broadcast %mul3A_153 : f32 to vector<256x2048xf32>
    %mul3A_155 = arith.mulf %mul3A_154, %dot_general3A_145 : vector<256x2048xf32>
    %sub3A_156 = arith.subf %add3A_152, %mul3A_155 : vector<256x2048xf32>
    %lt3A_157 = arith.constant 2.500000e-01 : f32
    %lt3A_158 = vector.broadcast %lt3A_157 : f32 to vector<256x2048xf32>
    %lt3A_159 = arith.cmpf olt, %sub3A_156, %lt3A_158 : vector<256x2048xf32>
    %convert_element_type3A_160 = arith.extui %lt3A_159 : vector<256x2048xi1> to vector<256x2048xi32>
    %convert_element_type3A_161 = arith.sitofp %convert_element_type3A_160 : vector<256x2048xi32> to vector<256x2048xf32>
    %convert_element_type3A_162 = arith.truncf %convert_element_type3A_161 : vector<256x2048xf32> to vector<256x2048xbf16>
    %dot_general3A_163 = arith.constant dense<0.000000e+00> : vector<256x256xf32>
    %dot_general3A_164 = tpu.matmul %convert_element_type3A_162, %convert_element_type3A_72, %dot_general3A_163 {dimension_numbers = #tpu.dot_dimension_numbers<[1], [0], [0], [1], [0, 0, 1, 1], [], []>, transpose_lhs_hint = false} : vector<256x2048xbf16>, vector<2048x256xbf16>, vector<256x256xf32> -> vector<256x256xf32>
    %slice3A_165 = vector.extract_strided_slice %dot_general3A_164 {offsets = [0, 0], sizes = [256, 128], strides = [1, 1]} : vector<256x256xf32> to vector<256x128xf32>
    %slice3A_166 = vector.extract_strided_slice %dot_general3A_164 {offsets = [0, 128], sizes = [256, 128], strides = [1, 1]} : vector<256x256xf32> to vector<256x128xf32>
    %concatenate3A = tpu.concatenate %slice3A_93, %slice3A_117, %slice3A_141, %slice3A_165 in 1 : vector<256x128xf32>, vector<256x128xf32>, vector<256x128xf32>, vector<256x128xf32> -> vector<256x512xf32>
    %concatenate3A_167 = tpu.concatenate %slice3A_94, %slice3A_118, %slice3A_142, %slice3A_166 in 1 : vector<256x128xf32>, vector<256x128xf32>, vector<256x128xf32>, vector<256x128xf32> -> vector<256x512xf32>
    %iota3A_168 = tpu.iota {dimensions = array<i32: 0>} : vector<512x512xi32>
    %iota3A_169 = tpu.iota {dimensions = array<i32: 1>} : vector<512x512xi32>
    %le3A = arith.cmpi sle, %iota3A_168, %iota3A_169 : vector<512x512xi32>
    %convert_element_type3A_170 = arith.extui %le3A : vector<512x512xi1> to vector<512x512xi32>
    %convert_element_type3A_171 = arith.sitofp %convert_element_type3A_170 : vector<512x512xi32> to vector<512x512xf32>
    %convert_element_type3A_172 = arith.truncf %convert_element_type3A_171 : vector<512x512xf32> to vector<512x512xbf16>
    %convert_element_type3A_173 = arith.truncf %concatenate3A_167 : vector<256x512xf32> to vector<256x512xbf16>
    %dot_general3A_174 = arith.constant dense<0.000000e+00> : vector<256x512xf32>
    %dot_general3A_175 = tpu.matmul %convert_element_type3A_173, %convert_element_type3A_172, %dot_general3A_174 {dimension_numbers = #tpu.dot_dimension_numbers<[1], [0], [0], [1], [0, 0, 1, 1], [], []>, transpose_lhs_hint = false} : vector<256x512xbf16>, vector<512x512xbf16>, vector<256x512xf32> -> vector<256x512xf32>
    %sub3A_176 = arith.subf %dot_general3A_175, %concatenate3A_167 : vector<256x512xf32>
    %slice3A_177 = vector.extract_strided_slice %dot_general3A_175 {offsets = [0, 511], sizes = [256, 1], strides = [1, 1]} : vector<256x512xf32> to vector<256x1xf32>
    %iota3A_178 = tpu.iota {dimensions = array<i32: 1>} : vector<256x512xi32>
    %convert_element_type3A_179 = arith.sitofp %iota3A_178 : vector<256x512xi32> to vector<256x512xf32>
    %mul3A_180 = arith.constant 1.638400e+04 : f32
    %mul3A_181 = vector.broadcast %mul3A_180 : f32 to vector<256x512xf32>
    %mul3A_182 = arith.mulf %convert_element_type3A_179, %mul3A_181 : vector<256x512xf32>
    %add3A_183 = arith.addf %mul3A_182, %sub3A_176 : vector<256x512xf32>
    %le3A_184 = arith.constant 0.000000e+00 : f32
    %le3A_185 = vector.broadcast %le3A_184 : f32 to vector<256x512xf32>
    %le3A_186 = arith.cmpf ole, %sub3A_176, %le3A_185 : vector<256x512xf32>
    %gt3A = arith.constant 0.000000e+00 : f32
    %gt3A_187 = vector.broadcast %gt3A : f32 to vector<256x512xf32>
    %gt3A_188 = arith.cmpf ogt, %dot_general3A_175, %gt3A_187 : vector<256x512xf32>
    %and3A_189 = arith.andi %le3A_186, %gt3A_188 : vector<256x512xi1>
    %convert_element_type3A_190 = arith.extui %and3A_189 : vector<256x512xi1> to vector<256x512xi32>
    %convert_element_type3A_191 = arith.sitofp %convert_element_type3A_190 : vector<256x512xi32> to vector<256x512xf32>
    %mul3A_192 = arith.mulf %convert_element_type3A_191, %add3A_183 : vector<256x512xf32>
    %reduce_sum3A_193 = arith.constant dense<0.000000e+00> : vector<256xf32>
    %reduce_sum3A_194 = vector.multi_reduction <add>, %mul3A_192, %reduce_sum3A_193 [1] : vector<256x512xf32> to vector<256xf32>
    %broadcast_in_dim3A_195 = vector.shape_cast %reduce_sum3A_194 : vector<256xf32> to vector<256x1xf32>
    %mul3A_196 = arith.mulf %convert_element_type3A_191, %concatenate3A : vector<256x512xf32>
    %reduce_sum3A_197 = arith.constant dense<0.000000e+00> : vector<256xf32>
    %reduce_sum3A_198 = vector.multi_reduction <add>, %mul3A_196, %reduce_sum3A_197 [1] : vector<256x512xf32> to vector<256xf32>
    %broadcast_in_dim3A_199 = vector.shape_cast %reduce_sum3A_198 : vector<256xf32> to vector<256x1xf32>
    %le3A_200 = arith.constant 1.000000e+00 : f32
    %le3A_201 = vector.broadcast %le3A_200 : f32 to vector<256x512xf32>
    %le3A_202 = arith.cmpf ole, %sub3A_176, %le3A_201 : vector<256x512xf32>
    %gt3A_203 = arith.constant 1.000000e+00 : f32
    %gt3A_204 = vector.broadcast %gt3A_203 : f32 to vector<256x512xf32>
    %gt3A_205 = arith.cmpf ogt, %dot_general3A_175, %gt3A_204 : vector<256x512xf32>
    %and3A_206 = arith.andi %le3A_202, %gt3A_205 : vector<256x512xi1>
    %convert_element_type3A_207 = arith.extui %and3A_206 : vector<256x512xi1> to vector<256x512xi32>
    %convert_element_type3A_208 = arith.sitofp %convert_element_type3A_207 : vector<256x512xi32> to vector<256x512xf32>
    %mul3A_209 = arith.mulf %convert_element_type3A_208, %add3A_183 : vector<256x512xf32>
    %reduce_sum3A_210 = arith.constant dense<0.000000e+00> : vector<256xf32>
    %reduce_sum3A_211 = vector.multi_reduction <add>, %mul3A_209, %reduce_sum3A_210 [1] : vector<256x512xf32> to vector<256xf32>
    %broadcast_in_dim3A_212 = vector.shape_cast %reduce_sum3A_211 : vector<256xf32> to vector<256x1xf32>
    %mul3A_213 = arith.mulf %convert_element_type3A_208, %concatenate3A : vector<256x512xf32>
    %reduce_sum3A_214 = arith.constant dense<0.000000e+00> : vector<256xf32>
    %reduce_sum3A_215 = vector.multi_reduction <add>, %mul3A_213, %reduce_sum3A_214 [1] : vector<256x512xf32> to vector<256xf32>
    %broadcast_in_dim3A_216 = vector.shape_cast %reduce_sum3A_215 : vector<256xf32> to vector<256x1xf32>
    %le3A_217 = arith.constant 2.000000e+00 : f32
    %le3A_218 = vector.broadcast %le3A_217 : f32 to vector<256x512xf32>
    %le3A_219 = arith.cmpf ole, %sub3A_176, %le3A_218 : vector<256x512xf32>
    %gt3A_220 = arith.constant 2.000000e+00 : f32
    %gt3A_221 = vector.broadcast %gt3A_220 : f32 to vector<256x512xf32>
    %gt3A_222 = arith.cmpf ogt, %dot_general3A_175, %gt3A_221 : vector<256x512xf32>
    %and3A_223 = arith.andi %le3A_219, %gt3A_222 : vector<256x512xi1>
    %convert_element_type3A_224 = arith.extui %and3A_223 : vector<256x512xi1> to vector<256x512xi32>
    %convert_element_type3A_225 = arith.sitofp %convert_element_type3A_224 : vector<256x512xi32> to vector<256x512xf32>
    %mul3A_226 = arith.mulf %convert_element_type3A_225, %add3A_183 : vector<256x512xf32>
    %reduce_sum3A_227 = arith.constant dense<0.000000e+00> : vector<256xf32>
    %reduce_sum3A_228 = vector.multi_reduction <add>, %mul3A_226, %reduce_sum3A_227 [1] : vector<256x512xf32> to vector<256xf32>
    %broadcast_in_dim3A_229 = vector.shape_cast %reduce_sum3A_228 : vector<256xf32> to vector<256x1xf32>
    %mul3A_230 = arith.mulf %convert_element_type3A_225, %concatenate3A : vector<256x512xf32>
    %reduce_sum3A_231 = arith.constant dense<0.000000e+00> : vector<256xf32>
    %reduce_sum3A_232 = vector.multi_reduction <add>, %mul3A_230, %reduce_sum3A_231 [1] : vector<256x512xf32> to vector<256xf32>
    %broadcast_in_dim3A_233 = vector.shape_cast %reduce_sum3A_232 : vector<256xf32> to vector<256x1xf32>
    %le3A_234 = arith.constant 3.000000e+00 : f32
    %le3A_235 = vector.broadcast %le3A_234 : f32 to vector<256x512xf32>
    %le3A_236 = arith.cmpf ole, %sub3A_176, %le3A_235 : vector<256x512xf32>
    %gt3A_237 = arith.constant 3.000000e+00 : f32
    %gt3A_238 = vector.broadcast %gt3A_237 : f32 to vector<256x512xf32>
    %gt3A_239 = arith.cmpf ogt, %dot_general3A_175, %gt3A_238 : vector<256x512xf32>
    %and3A_240 = arith.andi %le3A_236, %gt3A_239 : vector<256x512xi1>
    %convert_element_type3A_241 = arith.extui %and3A_240 : vector<256x512xi1> to vector<256x512xi32>
    %convert_element_type3A_242 = arith.sitofp %convert_element_type3A_241 : vector<256x512xi32> to vector<256x512xf32>
    %mul3A_243 = arith.mulf %convert_element_type3A_242, %add3A_183 : vector<256x512xf32>
    %reduce_sum3A_244 = arith.constant dense<0.000000e+00> : vector<256xf32>
    %reduce_sum3A_245 = vector.multi_reduction <add>, %mul3A_243, %reduce_sum3A_244 [1] : vector<256x512xf32> to vector<256xf32>
    %broadcast_in_dim3A_246 = vector.shape_cast %reduce_sum3A_245 : vector<256xf32> to vector<256x1xf32>
    %mul3A_247 = arith.mulf %convert_element_type3A_242, %concatenate3A : vector<256x512xf32>
    %reduce_sum3A_248 = arith.constant dense<0.000000e+00> : vector<256xf32>
    %reduce_sum3A_249 = vector.multi_reduction <add>, %mul3A_247, %reduce_sum3A_248 [1] : vector<256x512xf32> to vector<256xf32>
    %broadcast_in_dim3A_250 = vector.shape_cast %reduce_sum3A_249 : vector<256xf32> to vector<256x1xf32>
    %le3A_251 = arith.constant 4.000000e+00 : f32
    %le3A_252 = vector.broadcast %le3A_251 : f32 to vector<256x512xf32>
    %le3A_253 = arith.cmpf ole, %sub3A_176, %le3A_252 : vector<256x512xf32>
    %gt3A_254 = arith.constant 4.000000e+00 : f32
    %gt3A_255 = vector.broadcast %gt3A_254 : f32 to vector<256x512xf32>
    %gt3A_256 = arith.cmpf ogt, %dot_general3A_175, %gt3A_255 : vector<256x512xf32>
    %and3A_257 = arith.andi %le3A_253, %gt3A_256 : vector<256x512xi1>
    %convert_element_type3A_258 = arith.extui %and3A_257 : vector<256x512xi1> to vector<256x512xi32>
    %convert_element_type3A_259 = arith.sitofp %convert_element_type3A_258 : vector<256x512xi32> to vector<256x512xf32>
    %mul3A_260 = arith.mulf %convert_element_type3A_259, %add3A_183 : vector<256x512xf32>
    %reduce_sum3A_261 = arith.constant dense<0.000000e+00> : vector<256xf32>
    %reduce_sum3A_262 = vector.multi_reduction <add>, %mul3A_260, %reduce_sum3A_261 [1] : vector<256x512xf32> to vector<256xf32>
    %broadcast_in_dim3A_263 = vector.shape_cast %reduce_sum3A_262 : vector<256xf32> to vector<256x1xf32>
    %mul3A_264 = arith.mulf %convert_element_type3A_259, %concatenate3A : vector<256x512xf32>
    %reduce_sum3A_265 = arith.constant dense<0.000000e+00> : vector<256xf32>
    %reduce_sum3A_266 = vector.multi_reduction <add>, %mul3A_264, %reduce_sum3A_265 [1] : vector<256x512xf32> to vector<256xf32>
    %broadcast_in_dim3A_267 = vector.shape_cast %reduce_sum3A_266 : vector<256xf32> to vector<256x1xf32>
    %le3A_268 = arith.constant 5.000000e+00 : f32
    %le3A_269 = vector.broadcast %le3A_268 : f32 to vector<256x512xf32>
    %le3A_270 = arith.cmpf ole, %sub3A_176, %le3A_269 : vector<256x512xf32>
    %gt3A_271 = arith.constant 5.000000e+00 : f32
    %gt3A_272 = vector.broadcast %gt3A_271 : f32 to vector<256x512xf32>
    %gt3A_273 = arith.cmpf ogt, %dot_general3A_175, %gt3A_272 : vector<256x512xf32>
    %and3A_274 = arith.andi %le3A_270, %gt3A_273 : vector<256x512xi1>
    %convert_element_type3A_275 = arith.extui %and3A_274 : vector<256x512xi1> to vector<256x512xi32>
    %convert_element_type3A_276 = arith.sitofp %convert_element_type3A_275 : vector<256x512xi32> to vector<256x512xf32>
    %mul3A_277 = arith.mulf %convert_element_type3A_276, %add3A_183 : vector<256x512xf32>
    %reduce_sum3A_278 = arith.constant dense<0.000000e+00> : vector<256xf32>
    %reduce_sum3A_279 = vector.multi_reduction <add>, %mul3A_277, %reduce_sum3A_278 [1] : vector<256x512xf32> to vector<256xf32>
    %broadcast_in_dim3A_280 = vector.shape_cast %reduce_sum3A_279 : vector<256xf32> to vector<256x1xf32>
    %mul3A_281 = arith.mulf %convert_element_type3A_276, %concatenate3A : vector<256x512xf32>
    %reduce_sum3A_282 = arith.constant dense<0.000000e+00> : vector<256xf32>
    %reduce_sum3A_283 = vector.multi_reduction <add>, %mul3A_281, %reduce_sum3A_282 [1] : vector<256x512xf32> to vector<256xf32>
    %broadcast_in_dim3A_284 = vector.shape_cast %reduce_sum3A_283 : vector<256xf32> to vector<256x1xf32>
    %le3A_285 = arith.constant 6.000000e+00 : f32
    %le3A_286 = vector.broadcast %le3A_285 : f32 to vector<256x512xf32>
    %le3A_287 = arith.cmpf ole, %sub3A_176, %le3A_286 : vector<256x512xf32>
    %gt3A_288 = arith.constant 6.000000e+00 : f32
    %gt3A_289 = vector.broadcast %gt3A_288 : f32 to vector<256x512xf32>
    %gt3A_290 = arith.cmpf ogt, %dot_general3A_175, %gt3A_289 : vector<256x512xf32>
    %and3A_291 = arith.andi %le3A_287, %gt3A_290 : vector<256x512xi1>
    %convert_element_type3A_292 = arith.extui %and3A_291 : vector<256x512xi1> to vector<256x512xi32>
    %convert_element_type3A_293 = arith.sitofp %convert_element_type3A_292 : vector<256x512xi32> to vector<256x512xf32>
    %mul3A_294 = arith.mulf %convert_element_type3A_293, %add3A_183 : vector<256x512xf32>
    %reduce_sum3A_295 = arith.constant dense<0.000000e+00> : vector<256xf32>
    %reduce_sum3A_296 = vector.multi_reduction <add>, %mul3A_294, %reduce_sum3A_295 [1] : vector<256x512xf32> to vector<256xf32>
    %broadcast_in_dim3A_297 = vector.shape_cast %reduce_sum3A_296 : vector<256xf32> to vector<256x1xf32>
    %mul3A_298 = arith.mulf %convert_element_type3A_293, %concatenate3A : vector<256x512xf32>
    %reduce_sum3A_299 = arith.constant dense<0.000000e+00> : vector<256xf32>
    %reduce_sum3A_300 = vector.multi_reduction <add>, %mul3A_298, %reduce_sum3A_299 [1] : vector<256x512xf32> to vector<256xf32>
    %broadcast_in_dim3A_301 = vector.shape_cast %reduce_sum3A_300 : vector<256xf32> to vector<256x1xf32>
    %le3A_302 = arith.constant 7.000000e+00 : f32
    %le3A_303 = vector.broadcast %le3A_302 : f32 to vector<256x512xf32>
    %le3A_304 = arith.cmpf ole, %sub3A_176, %le3A_303 : vector<256x512xf32>
    %gt3A_305 = arith.constant 7.000000e+00 : f32
    %gt3A_306 = vector.broadcast %gt3A_305 : f32 to vector<256x512xf32>
    %gt3A_307 = arith.cmpf ogt, %dot_general3A_175, %gt3A_306 : vector<256x512xf32>
    %and3A_308 = arith.andi %le3A_304, %gt3A_307 : vector<256x512xi1>
    %convert_element_type3A_309 = arith.extui %and3A_308 : vector<256x512xi1> to vector<256x512xi32>
    %convert_element_type3A_310 = arith.sitofp %convert_element_type3A_309 : vector<256x512xi32> to vector<256x512xf32>
    %mul3A_311 = arith.mulf %convert_element_type3A_310, %add3A_183 : vector<256x512xf32>
    %reduce_sum3A_312 = arith.constant dense<0.000000e+00> : vector<256xf32>
    %reduce_sum3A_313 = vector.multi_reduction <add>, %mul3A_311, %reduce_sum3A_312 [1] : vector<256x512xf32> to vector<256xf32>
    %broadcast_in_dim3A_314 = vector.shape_cast %reduce_sum3A_313 : vector<256xf32> to vector<256x1xf32>
    %mul3A_315 = arith.mulf %convert_element_type3A_310, %concatenate3A : vector<256x512xf32>
    %reduce_sum3A_316 = arith.constant dense<0.000000e+00> : vector<256xf32>
    %reduce_sum3A_317 = vector.multi_reduction <add>, %mul3A_315, %reduce_sum3A_316 [1] : vector<256x512xf32> to vector<256xf32>
    %broadcast_in_dim3A_318 = vector.shape_cast %reduce_sum3A_317 : vector<256xf32> to vector<256x1xf32>
    %le3A_319 = arith.constant 8.000000e+00 : f32
    %le3A_320 = vector.broadcast %le3A_319 : f32 to vector<256x512xf32>
    %le3A_321 = arith.cmpf ole, %sub3A_176, %le3A_320 : vector<256x512xf32>
    %gt3A_322 = arith.constant 8.000000e+00 : f32
    %gt3A_323 = vector.broadcast %gt3A_322 : f32 to vector<256x512xf32>
    %gt3A_324 = arith.cmpf ogt, %dot_general3A_175, %gt3A_323 : vector<256x512xf32>
    %and3A_325 = arith.andi %le3A_321, %gt3A_324 : vector<256x512xi1>
    %convert_element_type3A_326 = arith.extui %and3A_325 : vector<256x512xi1> to vector<256x512xi32>
    %convert_element_type3A_327 = arith.sitofp %convert_element_type3A_326 : vector<256x512xi32> to vector<256x512xf32>
    %mul3A_328 = arith.mulf %convert_element_type3A_327, %add3A_183 : vector<256x512xf32>
    %reduce_sum3A_329 = arith.constant dense<0.000000e+00> : vector<256xf32>
    %reduce_sum3A_330 = vector.multi_reduction <add>, %mul3A_328, %reduce_sum3A_329 [1] : vector<256x512xf32> to vector<256xf32>
    %broadcast_in_dim3A_331 = vector.shape_cast %reduce_sum3A_330 : vector<256xf32> to vector<256x1xf32>
    %mul3A_332 = arith.mulf %convert_element_type3A_327, %concatenate3A : vector<256x512xf32>
    %reduce_sum3A_333 = arith.constant dense<0.000000e+00> : vector<256xf32>
    %reduce_sum3A_334 = vector.multi_reduction <add>, %mul3A_332, %reduce_sum3A_333 [1] : vector<256x512xf32> to vector<256xf32>
    %broadcast_in_dim3A_335 = vector.shape_cast %reduce_sum3A_334 : vector<256xf32> to vector<256x1xf32>
    %le3A_336 = arith.constant 9.000000e+00 : f32
    %le3A_337 = vector.broadcast %le3A_336 : f32 to vector<256x512xf32>
    %le3A_338 = arith.cmpf ole, %sub3A_176, %le3A_337 : vector<256x512xf32>
    %gt3A_339 = arith.constant 9.000000e+00 : f32
    %gt3A_340 = vector.broadcast %gt3A_339 : f32 to vector<256x512xf32>
    %gt3A_341 = arith.cmpf ogt, %dot_general3A_175, %gt3A_340 : vector<256x512xf32>
    %and3A_342 = arith.andi %le3A_338, %gt3A_341 : vector<256x512xi1>
    %convert_element_type3A_343 = arith.extui %and3A_342 : vector<256x512xi1> to vector<256x512xi32>
    %convert_element_type3A_344 = arith.sitofp %convert_element_type3A_343 : vector<256x512xi32> to vector<256x512xf32>
    %mul3A_345 = arith.mulf %convert_element_type3A_344, %add3A_183 : vector<256x512xf32>
    %reduce_sum3A_346 = arith.constant dense<0.000000e+00> : vector<256xf32>
    %reduce_sum3A_347 = vector.multi_reduction <add>, %mul3A_345, %reduce_sum3A_346 [1] : vector<256x512xf32> to vector<256xf32>
    %broadcast_in_dim3A_348 = vector.shape_cast %reduce_sum3A_347 : vector<256xf32> to vector<256x1xf32>
    %mul3A_349 = arith.mulf %convert_element_type3A_344, %concatenate3A : vector<256x512xf32>
    %reduce_sum3A_350 = arith.constant dense<0.000000e+00> : vector<256xf32>
    %reduce_sum3A_351 = vector.multi_reduction <add>, %mul3A_349, %reduce_sum3A_350 [1] : vector<256x512xf32> to vector<256xf32>
    %broadcast_in_dim3A_352 = vector.shape_cast %reduce_sum3A_351 : vector<256xf32> to vector<256x1xf32>
    %le3A_353 = arith.constant 1.000000e+01 : f32
    %le3A_354 = vector.broadcast %le3A_353 : f32 to vector<256x512xf32>
    %le3A_355 = arith.cmpf ole, %sub3A_176, %le3A_354 : vector<256x512xf32>
    %gt3A_356 = arith.constant 1.000000e+01 : f32
    %gt3A_357 = vector.broadcast %gt3A_356 : f32 to vector<256x512xf32>
    %gt3A_358 = arith.cmpf ogt, %dot_general3A_175, %gt3A_357 : vector<256x512xf32>
    %and3A_359 = arith.andi %le3A_355, %gt3A_358 : vector<256x512xi1>
    %convert_element_type3A_360 = arith.extui %and3A_359 : vector<256x512xi1> to vector<256x512xi32>
    %convert_element_type3A_361 = arith.sitofp %convert_element_type3A_360 : vector<256x512xi32> to vector<256x512xf32>
    %mul3A_362 = arith.mulf %convert_element_type3A_361, %add3A_183 : vector<256x512xf32>
    %reduce_sum3A_363 = arith.constant dense<0.000000e+00> : vector<256xf32>
    %reduce_sum3A_364 = vector.multi_reduction <add>, %mul3A_362, %reduce_sum3A_363 [1] : vector<256x512xf32> to vector<256xf32>
    %broadcast_in_dim3A_365 = vector.shape_cast %reduce_sum3A_364 : vector<256xf32> to vector<256x1xf32>
    %mul3A_366 = arith.mulf %convert_element_type3A_361, %concatenate3A : vector<256x512xf32>
    %reduce_sum3A_367 = arith.constant dense<0.000000e+00> : vector<256xf32>
    %reduce_sum3A_368 = vector.multi_reduction <add>, %mul3A_366, %reduce_sum3A_367 [1] : vector<256x512xf32> to vector<256xf32>
    %broadcast_in_dim3A_369 = vector.shape_cast %reduce_sum3A_368 : vector<256xf32> to vector<256x1xf32>
    %le3A_370 = arith.constant 1.100000e+01 : f32
    %le3A_371 = vector.broadcast %le3A_370 : f32 to vector<256x512xf32>
    %le3A_372 = arith.cmpf ole, %sub3A_176, %le3A_371 : vector<256x512xf32>
    %gt3A_373 = arith.constant 1.100000e+01 : f32
    %gt3A_374 = vector.broadcast %gt3A_373 : f32 to vector<256x512xf32>
    %gt3A_375 = arith.cmpf ogt, %dot_general3A_175, %gt3A_374 : vector<256x512xf32>
    %and3A_376 = arith.andi %le3A_372, %gt3A_375 : vector<256x512xi1>
    %convert_element_type3A_377 = arith.extui %and3A_376 : vector<256x512xi1> to vector<256x512xi32>
    %convert_element_type3A_378 = arith.sitofp %convert_element_type3A_377 : vector<256x512xi32> to vector<256x512xf32>
    %mul3A_379 = arith.mulf %convert_element_type3A_378, %add3A_183 : vector<256x512xf32>
    %reduce_sum3A_380 = arith.constant dense<0.000000e+00> : vector<256xf32>
    %reduce_sum3A_381 = vector.multi_reduction <add>, %mul3A_379, %reduce_sum3A_380 [1] : vector<256x512xf32> to vector<256xf32>
    %broadcast_in_dim3A_382 = vector.shape_cast %reduce_sum3A_381 : vector<256xf32> to vector<256x1xf32>
    %mul3A_383 = arith.mulf %convert_element_type3A_378, %concatenate3A : vector<256x512xf32>
    %reduce_sum3A_384 = arith.constant dense<0.000000e+00> : vector<256xf32>
    %reduce_sum3A_385 = vector.multi_reduction <add>, %mul3A_383, %reduce_sum3A_384 [1] : vector<256x512xf32> to vector<256xf32>
    %broadcast_in_dim3A_386 = vector.shape_cast %reduce_sum3A_385 : vector<256xf32> to vector<256x1xf32>
    %le3A_387 = arith.constant 1.200000e+01 : f32
    %le3A_388 = vector.broadcast %le3A_387 : f32 to vector<256x512xf32>
    %le3A_389 = arith.cmpf ole, %sub3A_176, %le3A_388 : vector<256x512xf32>
    %gt3A_390 = arith.constant 1.200000e+01 : f32
    %gt3A_391 = vector.broadcast %gt3A_390 : f32 to vector<256x512xf32>
    %gt3A_392 = arith.cmpf ogt, %dot_general3A_175, %gt3A_391 : vector<256x512xf32>
    %and3A_393 = arith.andi %le3A_389, %gt3A_392 : vector<256x512xi1>
    %convert_element_type3A_394 = arith.extui %and3A_393 : vector<256x512xi1> to vector<256x512xi32>
    %convert_element_type3A_395 = arith.sitofp %convert_element_type3A_394 : vector<256x512xi32> to vector<256x512xf32>
    %mul3A_396 = arith.mulf %convert_element_type3A_395, %add3A_183 : vector<256x512xf32>
    %reduce_sum3A_397 = arith.constant dense<0.000000e+00> : vector<256xf32>
    %reduce_sum3A_398 = vector.multi_reduction <add>, %mul3A_396, %reduce_sum3A_397 [1] : vector<256x512xf32> to vector<256xf32>
    %broadcast_in_dim3A_399 = vector.shape_cast %reduce_sum3A_398 : vector<256xf32> to vector<256x1xf32>
    %mul3A_400 = arith.mulf %convert_element_type3A_395, %concatenate3A : vector<256x512xf32>
    %reduce_sum3A_401 = arith.constant dense<0.000000e+00> : vector<256xf32>
    %reduce_sum3A_402 = vector.multi_reduction <add>, %mul3A_400, %reduce_sum3A_401 [1] : vector<256x512xf32> to vector<256xf32>
    %broadcast_in_dim3A_403 = vector.shape_cast %reduce_sum3A_402 : vector<256xf32> to vector<256x1xf32>
    %le3A_404 = arith.constant 1.300000e+01 : f32
    %le3A_405 = vector.broadcast %le3A_404 : f32 to vector<256x512xf32>
    %le3A_406 = arith.cmpf ole, %sub3A_176, %le3A_405 : vector<256x512xf32>
    %gt3A_407 = arith.constant 1.300000e+01 : f32
    %gt3A_408 = vector.broadcast %gt3A_407 : f32 to vector<256x512xf32>
    %gt3A_409 = arith.cmpf ogt, %dot_general3A_175, %gt3A_408 : vector<256x512xf32>
    %and3A_410 = arith.andi %le3A_406, %gt3A_409 : vector<256x512xi1>
    %convert_element_type3A_411 = arith.extui %and3A_410 : vector<256x512xi1> to vector<256x512xi32>
    %convert_element_type3A_412 = arith.sitofp %convert_element_type3A_411 : vector<256x512xi32> to vector<256x512xf32>
    %mul3A_413 = arith.mulf %convert_element_type3A_412, %add3A_183 : vector<256x512xf32>
    %reduce_sum3A_414 = arith.constant dense<0.000000e+00> : vector<256xf32>
    %reduce_sum3A_415 = vector.multi_reduction <add>, %mul3A_413, %reduce_sum3A_414 [1] : vector<256x512xf32> to vector<256xf32>
    %broadcast_in_dim3A_416 = vector.shape_cast %reduce_sum3A_415 : vector<256xf32> to vector<256x1xf32>
    %mul3A_417 = arith.mulf %convert_element_type3A_412, %concatenate3A : vector<256x512xf32>
    %reduce_sum3A_418 = arith.constant dense<0.000000e+00> : vector<256xf32>
    %reduce_sum3A_419 = vector.multi_reduction <add>, %mul3A_417, %reduce_sum3A_418 [1] : vector<256x512xf32> to vector<256xf32>
    %broadcast_in_dim3A_420 = vector.shape_cast %reduce_sum3A_419 : vector<256xf32> to vector<256x1xf32>
    %le3A_421 = arith.constant 1.400000e+01 : f32
    %le3A_422 = vector.broadcast %le3A_421 : f32 to vector<256x512xf32>
    %le3A_423 = arith.cmpf ole, %sub3A_176, %le3A_422 : vector<256x512xf32>
    %gt3A_424 = arith.constant 1.400000e+01 : f32
    %gt3A_425 = vector.broadcast %gt3A_424 : f32 to vector<256x512xf32>
    %gt3A_426 = arith.cmpf ogt, %dot_general3A_175, %gt3A_425 : vector<256x512xf32>
    %and3A_427 = arith.andi %le3A_423, %gt3A_426 : vector<256x512xi1>
    %convert_element_type3A_428 = arith.extui %and3A_427 : vector<256x512xi1> to vector<256x512xi32>
    %convert_element_type3A_429 = arith.sitofp %convert_element_type3A_428 : vector<256x512xi32> to vector<256x512xf32>
    %mul3A_430 = arith.mulf %convert_element_type3A_429, %add3A_183 : vector<256x512xf32>
    %reduce_sum3A_431 = arith.constant dense<0.000000e+00> : vector<256xf32>
    %reduce_sum3A_432 = vector.multi_reduction <add>, %mul3A_430, %reduce_sum3A_431 [1] : vector<256x512xf32> to vector<256xf32>
    %broadcast_in_dim3A_433 = vector.shape_cast %reduce_sum3A_432 : vector<256xf32> to vector<256x1xf32>
    %mul3A_434 = arith.mulf %convert_element_type3A_429, %concatenate3A : vector<256x512xf32>
    %reduce_sum3A_435 = arith.constant dense<0.000000e+00> : vector<256xf32>
    %reduce_sum3A_436 = vector.multi_reduction <add>, %mul3A_434, %reduce_sum3A_435 [1] : vector<256x512xf32> to vector<256xf32>
    %broadcast_in_dim3A_437 = vector.shape_cast %reduce_sum3A_436 : vector<256xf32> to vector<256x1xf32>
    %le3A_438 = arith.constant 1.500000e+01 : f32
    %le3A_439 = vector.broadcast %le3A_438 : f32 to vector<256x512xf32>
    %le3A_440 = arith.cmpf ole, %sub3A_176, %le3A_439 : vector<256x512xf32>
    %gt3A_441 = arith.constant 1.500000e+01 : f32
    %gt3A_442 = vector.broadcast %gt3A_441 : f32 to vector<256x512xf32>
    %gt3A_443 = arith.cmpf ogt, %dot_general3A_175, %gt3A_442 : vector<256x512xf32>
    %and3A_444 = arith.andi %le3A_440, %gt3A_443 : vector<256x512xi1>
    %convert_element_type3A_445 = arith.extui %and3A_444 : vector<256x512xi1> to vector<256x512xi32>
    %convert_element_type3A_446 = arith.sitofp %convert_element_type3A_445 : vector<256x512xi32> to vector<256x512xf32>
    %mul3A_447 = arith.mulf %convert_element_type3A_446, %add3A_183 : vector<256x512xf32>
    %reduce_sum3A_448 = arith.constant dense<0.000000e+00> : vector<256xf32>
    %reduce_sum3A_449 = vector.multi_reduction <add>, %mul3A_447, %reduce_sum3A_448 [1] : vector<256x512xf32> to vector<256xf32>
    %broadcast_in_dim3A_450 = vector.shape_cast %reduce_sum3A_449 : vector<256xf32> to vector<256x1xf32>
    %mul3A_451 = arith.mulf %convert_element_type3A_446, %concatenate3A : vector<256x512xf32>
    %reduce_sum3A_452 = arith.constant dense<0.000000e+00> : vector<256xf32>
    %reduce_sum3A_453 = vector.multi_reduction <add>, %mul3A_451, %reduce_sum3A_452 [1] : vector<256x512xf32> to vector<256xf32>
    %broadcast_in_dim3A_454 = vector.shape_cast %reduce_sum3A_453 : vector<256xf32> to vector<256x1xf32>
    %le3A_455 = arith.constant 1.600000e+01 : f32
    %le3A_456 = vector.broadcast %le3A_455 : f32 to vector<256x512xf32>
    %le3A_457 = arith.cmpf ole, %sub3A_176, %le3A_456 : vector<256x512xf32>
    %gt3A_458 = arith.constant 1.600000e+01 : f32
    %gt3A_459 = vector.broadcast %gt3A_458 : f32 to vector<256x512xf32>
    %gt3A_460 = arith.cmpf ogt, %dot_general3A_175, %gt3A_459 : vector<256x512xf32>
    %and3A_461 = arith.andi %le3A_457, %gt3A_460 : vector<256x512xi1>
    %convert_element_type3A_462 = arith.extui %and3A_461 : vector<256x512xi1> to vector<256x512xi32>
    %convert_element_type3A_463 = arith.sitofp %convert_element_type3A_462 : vector<256x512xi32> to vector<256x512xf32>
    %mul3A_464 = arith.mulf %convert_element_type3A_463, %add3A_183 : vector<256x512xf32>
    %reduce_sum3A_465 = arith.constant dense<0.000000e+00> : vector<256xf32>
    %reduce_sum3A_466 = vector.multi_reduction <add>, %mul3A_464, %reduce_sum3A_465 [1] : vector<256x512xf32> to vector<256xf32>
    %broadcast_in_dim3A_467 = vector.shape_cast %reduce_sum3A_466 : vector<256xf32> to vector<256x1xf32>
    %mul3A_468 = arith.mulf %convert_element_type3A_463, %concatenate3A : vector<256x512xf32>
    %reduce_sum3A_469 = arith.constant dense<0.000000e+00> : vector<256xf32>
    %reduce_sum3A_470 = vector.multi_reduction <add>, %mul3A_468, %reduce_sum3A_469 [1] : vector<256x512xf32> to vector<256xf32>
    %broadcast_in_dim3A_471 = vector.shape_cast %reduce_sum3A_470 : vector<256xf32> to vector<256x1xf32>
    %le3A_472 = arith.constant 1.700000e+01 : f32
    %le3A_473 = vector.broadcast %le3A_472 : f32 to vector<256x512xf32>
    %le3A_474 = arith.cmpf ole, %sub3A_176, %le3A_473 : vector<256x512xf32>
    %gt3A_475 = arith.constant 1.700000e+01 : f32
    %gt3A_476 = vector.broadcast %gt3A_475 : f32 to vector<256x512xf32>
    %gt3A_477 = arith.cmpf ogt, %dot_general3A_175, %gt3A_476 : vector<256x512xf32>
    %and3A_478 = arith.andi %le3A_474, %gt3A_477 : vector<256x512xi1>
    %convert_element_type3A_479 = arith.extui %and3A_478 : vector<256x512xi1> to vector<256x512xi32>
    %convert_element_type3A_480 = arith.sitofp %convert_element_type3A_479 : vector<256x512xi32> to vector<256x512xf32>
    %mul3A_481 = arith.mulf %convert_element_type3A_480, %add3A_183 : vector<256x512xf32>
    %reduce_sum3A_482 = arith.constant dense<0.000000e+00> : vector<256xf32>
    %reduce_sum3A_483 = vector.multi_reduction <add>, %mul3A_481, %reduce_sum3A_482 [1] : vector<256x512xf32> to vector<256xf32>
    %broadcast_in_dim3A_484 = vector.shape_cast %reduce_sum3A_483 : vector<256xf32> to vector<256x1xf32>
    %mul3A_485 = arith.mulf %convert_element_type3A_480, %concatenate3A : vector<256x512xf32>
    %reduce_sum3A_486 = arith.constant dense<0.000000e+00> : vector<256xf32>
    %reduce_sum3A_487 = vector.multi_reduction <add>, %mul3A_485, %reduce_sum3A_486 [1] : vector<256x512xf32> to vector<256xf32>
    %broadcast_in_dim3A_488 = vector.shape_cast %reduce_sum3A_487 : vector<256xf32> to vector<256x1xf32>
    %le3A_489 = arith.constant 1.800000e+01 : f32
    %le3A_490 = vector.broadcast %le3A_489 : f32 to vector<256x512xf32>
    %le3A_491 = arith.cmpf ole, %sub3A_176, %le3A_490 : vector<256x512xf32>
    %gt3A_492 = arith.constant 1.800000e+01 : f32
    %gt3A_493 = vector.broadcast %gt3A_492 : f32 to vector<256x512xf32>
    %gt3A_494 = arith.cmpf ogt, %dot_general3A_175, %gt3A_493 : vector<256x512xf32>
    %and3A_495 = arith.andi %le3A_491, %gt3A_494 : vector<256x512xi1>
    %convert_element_type3A_496 = arith.extui %and3A_495 : vector<256x512xi1> to vector<256x512xi32>
    %convert_element_type3A_497 = arith.sitofp %convert_element_type3A_496 : vector<256x512xi32> to vector<256x512xf32>
    %mul3A_498 = arith.mulf %convert_element_type3A_497, %add3A_183 : vector<256x512xf32>
    %reduce_sum3A_499 = arith.constant dense<0.000000e+00> : vector<256xf32>
    %reduce_sum3A_500 = vector.multi_reduction <add>, %mul3A_498, %reduce_sum3A_499 [1] : vector<256x512xf32> to vector<256xf32>
    %broadcast_in_dim3A_501 = vector.shape_cast %reduce_sum3A_500 : vector<256xf32> to vector<256x1xf32>
    %mul3A_502 = arith.mulf %convert_element_type3A_497, %concatenate3A : vector<256x512xf32>
    %reduce_sum3A_503 = arith.constant dense<0.000000e+00> : vector<256xf32>
    %reduce_sum3A_504 = vector.multi_reduction <add>, %mul3A_502, %reduce_sum3A_503 [1] : vector<256x512xf32> to vector<256xf32>
    %broadcast_in_dim3A_505 = vector.shape_cast %reduce_sum3A_504 : vector<256xf32> to vector<256x1xf32>
    %le3A_506 = arith.constant 1.900000e+01 : f32
    %le3A_507 = vector.broadcast %le3A_506 : f32 to vector<256x512xf32>
    %le3A_508 = arith.cmpf ole, %sub3A_176, %le3A_507 : vector<256x512xf32>
    %gt3A_509 = arith.constant 1.900000e+01 : f32
    %gt3A_510 = vector.broadcast %gt3A_509 : f32 to vector<256x512xf32>
    %gt3A_511 = arith.cmpf ogt, %dot_general3A_175, %gt3A_510 : vector<256x512xf32>
    %and3A_512 = arith.andi %le3A_508, %gt3A_511 : vector<256x512xi1>
    %convert_element_type3A_513 = arith.extui %and3A_512 : vector<256x512xi1> to vector<256x512xi32>
    %convert_element_type3A_514 = arith.sitofp %convert_element_type3A_513 : vector<256x512xi32> to vector<256x512xf32>
    %mul3A_515 = arith.mulf %convert_element_type3A_514, %add3A_183 : vector<256x512xf32>
    %reduce_sum3A_516 = arith.constant dense<0.000000e+00> : vector<256xf32>
    %reduce_sum3A_517 = vector.multi_reduction <add>, %mul3A_515, %reduce_sum3A_516 [1] : vector<256x512xf32> to vector<256xf32>
    %broadcast_in_dim3A_518 = vector.shape_cast %reduce_sum3A_517 : vector<256xf32> to vector<256x1xf32>
    %mul3A_519 = arith.mulf %convert_element_type3A_514, %concatenate3A : vector<256x512xf32>
    %reduce_sum3A_520 = arith.constant dense<0.000000e+00> : vector<256xf32>
    %reduce_sum3A_521 = vector.multi_reduction <add>, %mul3A_519, %reduce_sum3A_520 [1] : vector<256x512xf32> to vector<256xf32>
    %broadcast_in_dim3A_522 = vector.shape_cast %reduce_sum3A_521 : vector<256xf32> to vector<256x1xf32>
    %le3A_523 = arith.constant 2.000000e+01 : f32
    %le3A_524 = vector.broadcast %le3A_523 : f32 to vector<256x512xf32>
    %le3A_525 = arith.cmpf ole, %sub3A_176, %le3A_524 : vector<256x512xf32>
    %gt3A_526 = arith.constant 2.000000e+01 : f32
    %gt3A_527 = vector.broadcast %gt3A_526 : f32 to vector<256x512xf32>
    %gt3A_528 = arith.cmpf ogt, %dot_general3A_175, %gt3A_527 : vector<256x512xf32>
    %and3A_529 = arith.andi %le3A_525, %gt3A_528 : vector<256x512xi1>
    %convert_element_type3A_530 = arith.extui %and3A_529 : vector<256x512xi1> to vector<256x512xi32>
    %convert_element_type3A_531 = arith.sitofp %convert_element_type3A_530 : vector<256x512xi32> to vector<256x512xf32>
    %mul3A_532 = arith.mulf %convert_element_type3A_531, %add3A_183 : vector<256x512xf32>
    %reduce_sum3A_533 = arith.constant dense<0.000000e+00> : vector<256xf32>
    %reduce_sum3A_534 = vector.multi_reduction <add>, %mul3A_532, %reduce_sum3A_533 [1] : vector<256x512xf32> to vector<256xf32>
    %broadcast_in_dim3A_535 = vector.shape_cast %reduce_sum3A_534 : vector<256xf32> to vector<256x1xf32>
    %mul3A_536 = arith.mulf %convert_element_type3A_531, %concatenate3A : vector<256x512xf32>
    %reduce_sum3A_537 = arith.constant dense<0.000000e+00> : vector<256xf32>
    %reduce_sum3A_538 = vector.multi_reduction <add>, %mul3A_536, %reduce_sum3A_537 [1] : vector<256x512xf32> to vector<256xf32>
    %broadcast_in_dim3A_539 = vector.shape_cast %reduce_sum3A_538 : vector<256xf32> to vector<256x1xf32>
    %le3A_540 = arith.constant 2.100000e+01 : f32
    %le3A_541 = vector.broadcast %le3A_540 : f32 to vector<256x512xf32>
    %le3A_542 = arith.cmpf ole, %sub3A_176, %le3A_541 : vector<256x512xf32>
    %gt3A_543 = arith.constant 2.100000e+01 : f32
    %gt3A_544 = vector.broadcast %gt3A_543 : f32 to vector<256x512xf32>
    %gt3A_545 = arith.cmpf ogt, %dot_general3A_175, %gt3A_544 : vector<256x512xf32>
    %and3A_546 = arith.andi %le3A_542, %gt3A_545 : vector<256x512xi1>
    %convert_element_type3A_547 = arith.extui %and3A_546 : vector<256x512xi1> to vector<256x512xi32>
    %convert_element_type3A_548 = arith.sitofp %convert_element_type3A_547 : vector<256x512xi32> to vector<256x512xf32>
    %mul3A_549 = arith.mulf %convert_element_type3A_548, %add3A_183 : vector<256x512xf32>
    %reduce_sum3A_550 = arith.constant dense<0.000000e+00> : vector<256xf32>
    %reduce_sum3A_551 = vector.multi_reduction <add>, %mul3A_549, %reduce_sum3A_550 [1] : vector<256x512xf32> to vector<256xf32>
    %broadcast_in_dim3A_552 = vector.shape_cast %reduce_sum3A_551 : vector<256xf32> to vector<256x1xf32>
    %mul3A_553 = arith.mulf %convert_element_type3A_548, %concatenate3A : vector<256x512xf32>
    %reduce_sum3A_554 = arith.constant dense<0.000000e+00> : vector<256xf32>
    %reduce_sum3A_555 = vector.multi_reduction <add>, %mul3A_553, %reduce_sum3A_554 [1] : vector<256x512xf32> to vector<256xf32>
    %broadcast_in_dim3A_556 = vector.shape_cast %reduce_sum3A_555 : vector<256xf32> to vector<256x1xf32>
    %le3A_557 = arith.constant 2.200000e+01 : f32
    %le3A_558 = vector.broadcast %le3A_557 : f32 to vector<256x512xf32>
    %le3A_559 = arith.cmpf ole, %sub3A_176, %le3A_558 : vector<256x512xf32>
    %gt3A_560 = arith.constant 2.200000e+01 : f32
    %gt3A_561 = vector.broadcast %gt3A_560 : f32 to vector<256x512xf32>
    %gt3A_562 = arith.cmpf ogt, %dot_general3A_175, %gt3A_561 : vector<256x512xf32>
    %and3A_563 = arith.andi %le3A_559, %gt3A_562 : vector<256x512xi1>
    %convert_element_type3A_564 = arith.extui %and3A_563 : vector<256x512xi1> to vector<256x512xi32>
    %convert_element_type3A_565 = arith.sitofp %convert_element_type3A_564 : vector<256x512xi32> to vector<256x512xf32>
    %mul3A_566 = arith.mulf %convert_element_type3A_565, %add3A_183 : vector<256x512xf32>
    %reduce_sum3A_567 = arith.constant dense<0.000000e+00> : vector<256xf32>
    %reduce_sum3A_568 = vector.multi_reduction <add>, %mul3A_566, %reduce_sum3A_567 [1] : vector<256x512xf32> to vector<256xf32>
    %broadcast_in_dim3A_569 = vector.shape_cast %reduce_sum3A_568 : vector<256xf32> to vector<256x1xf32>
    %mul3A_570 = arith.mulf %convert_element_type3A_565, %concatenate3A : vector<256x512xf32>
    %reduce_sum3A_571 = arith.constant dense<0.000000e+00> : vector<256xf32>
    %reduce_sum3A_572 = vector.multi_reduction <add>, %mul3A_570, %reduce_sum3A_571 [1] : vector<256x512xf32> to vector<256xf32>
    %broadcast_in_dim3A_573 = vector.shape_cast %reduce_sum3A_572 : vector<256xf32> to vector<256x1xf32>
    %le3A_574 = arith.constant 2.300000e+01 : f32
    %le3A_575 = vector.broadcast %le3A_574 : f32 to vector<256x512xf32>
    %le3A_576 = arith.cmpf ole, %sub3A_176, %le3A_575 : vector<256x512xf32>
    %gt3A_577 = arith.constant 2.300000e+01 : f32
    %gt3A_578 = vector.broadcast %gt3A_577 : f32 to vector<256x512xf32>
    %gt3A_579 = arith.cmpf ogt, %dot_general3A_175, %gt3A_578 : vector<256x512xf32>
    %and3A_580 = arith.andi %le3A_576, %gt3A_579 : vector<256x512xi1>
    %convert_element_type3A_581 = arith.extui %and3A_580 : vector<256x512xi1> to vector<256x512xi32>
    %convert_element_type3A_582 = arith.sitofp %convert_element_type3A_581 : vector<256x512xi32> to vector<256x512xf32>
    %mul3A_583 = arith.mulf %convert_element_type3A_582, %add3A_183 : vector<256x512xf32>
    %reduce_sum3A_584 = arith.constant dense<0.000000e+00> : vector<256xf32>
    %reduce_sum3A_585 = vector.multi_reduction <add>, %mul3A_583, %reduce_sum3A_584 [1] : vector<256x512xf32> to vector<256xf32>
    %broadcast_in_dim3A_586 = vector.shape_cast %reduce_sum3A_585 : vector<256xf32> to vector<256x1xf32>
    %mul3A_587 = arith.mulf %convert_element_type3A_582, %concatenate3A : vector<256x512xf32>
    %reduce_sum3A_588 = arith.constant dense<0.000000e+00> : vector<256xf32>
    %reduce_sum3A_589 = vector.multi_reduction <add>, %mul3A_587, %reduce_sum3A_588 [1] : vector<256x512xf32> to vector<256xf32>
    %broadcast_in_dim3A_590 = vector.shape_cast %reduce_sum3A_589 : vector<256xf32> to vector<256x1xf32>
    %le3A_591 = arith.constant 2.400000e+01 : f32
    %le3A_592 = vector.broadcast %le3A_591 : f32 to vector<256x512xf32>
    %le3A_593 = arith.cmpf ole, %sub3A_176, %le3A_592 : vector<256x512xf32>
    %gt3A_594 = arith.constant 2.400000e+01 : f32
    %gt3A_595 = vector.broadcast %gt3A_594 : f32 to vector<256x512xf32>
    %gt3A_596 = arith.cmpf ogt, %dot_general3A_175, %gt3A_595 : vector<256x512xf32>
    %and3A_597 = arith.andi %le3A_593, %gt3A_596 : vector<256x512xi1>
    %convert_element_type3A_598 = arith.extui %and3A_597 : vector<256x512xi1> to vector<256x512xi32>
    %convert_element_type3A_599 = arith.sitofp %convert_element_type3A_598 : vector<256x512xi32> to vector<256x512xf32>
    %mul3A_600 = arith.mulf %convert_element_type3A_599, %add3A_183 : vector<256x512xf32>
    %reduce_sum3A_601 = arith.constant dense<0.000000e+00> : vector<256xf32>
    %reduce_sum3A_602 = vector.multi_reduction <add>, %mul3A_600, %reduce_sum3A_601 [1] : vector<256x512xf32> to vector<256xf32>
    %broadcast_in_dim3A_603 = vector.shape_cast %reduce_sum3A_602 : vector<256xf32> to vector<256x1xf32>
    %mul3A_604 = arith.mulf %convert_element_type3A_599, %concatenate3A : vector<256x512xf32>
    %reduce_sum3A_605 = arith.constant dense<0.000000e+00> : vector<256xf32>
    %reduce_sum3A_606 = vector.multi_reduction <add>, %mul3A_604, %reduce_sum3A_605 [1] : vector<256x512xf32> to vector<256xf32>
    %broadcast_in_dim3A_607 = vector.shape_cast %reduce_sum3A_606 : vector<256xf32> to vector<256x1xf32>
    %le3A_608 = arith.constant 2.500000e+01 : f32
    %le3A_609 = vector.broadcast %le3A_608 : f32 to vector<256x512xf32>
    %le3A_610 = arith.cmpf ole, %sub3A_176, %le3A_609 : vector<256x512xf32>
    %gt3A_611 = arith.constant 2.500000e+01 : f32
    %gt3A_612 = vector.broadcast %gt3A_611 : f32 to vector<256x512xf32>
    %gt3A_613 = arith.cmpf ogt, %dot_general3A_175, %gt3A_612 : vector<256x512xf32>
    %and3A_614 = arith.andi %le3A_610, %gt3A_613 : vector<256x512xi1>
    %convert_element_type3A_615 = arith.extui %and3A_614 : vector<256x512xi1> to vector<256x512xi32>
    %convert_element_type3A_616 = arith.sitofp %convert_element_type3A_615 : vector<256x512xi32> to vector<256x512xf32>
    %mul3A_617 = arith.mulf %convert_element_type3A_616, %add3A_183 : vector<256x512xf32>
    %reduce_sum3A_618 = arith.constant dense<0.000000e+00> : vector<256xf32>
    %reduce_sum3A_619 = vector.multi_reduction <add>, %mul3A_617, %reduce_sum3A_618 [1] : vector<256x512xf32> to vector<256xf32>
    %broadcast_in_dim3A_620 = vector.shape_cast %reduce_sum3A_619 : vector<256xf32> to vector<256x1xf32>
    %mul3A_621 = arith.mulf %convert_element_type3A_616, %concatenate3A : vector<256x512xf32>
    %reduce_sum3A_622 = arith.constant dense<0.000000e+00> : vector<256xf32>
    %reduce_sum3A_623 = vector.multi_reduction <add>, %mul3A_621, %reduce_sum3A_622 [1] : vector<256x512xf32> to vector<256xf32>
    %broadcast_in_dim3A_624 = vector.shape_cast %reduce_sum3A_623 : vector<256xf32> to vector<256x1xf32>
    %le3A_625 = arith.constant 2.600000e+01 : f32
    %le3A_626 = vector.broadcast %le3A_625 : f32 to vector<256x512xf32>
    %le3A_627 = arith.cmpf ole, %sub3A_176, %le3A_626 : vector<256x512xf32>
    %gt3A_628 = arith.constant 2.600000e+01 : f32
    %gt3A_629 = vector.broadcast %gt3A_628 : f32 to vector<256x512xf32>
    %gt3A_630 = arith.cmpf ogt, %dot_general3A_175, %gt3A_629 : vector<256x512xf32>
    %and3A_631 = arith.andi %le3A_627, %gt3A_630 : vector<256x512xi1>
    %convert_element_type3A_632 = arith.extui %and3A_631 : vector<256x512xi1> to vector<256x512xi32>
    %convert_element_type3A_633 = arith.sitofp %convert_element_type3A_632 : vector<256x512xi32> to vector<256x512xf32>
    %mul3A_634 = arith.mulf %convert_element_type3A_633, %add3A_183 : vector<256x512xf32>
    %reduce_sum3A_635 = arith.constant dense<0.000000e+00> : vector<256xf32>
    %reduce_sum3A_636 = vector.multi_reduction <add>, %mul3A_634, %reduce_sum3A_635 [1] : vector<256x512xf32> to vector<256xf32>
    %broadcast_in_dim3A_637 = vector.shape_cast %reduce_sum3A_636 : vector<256xf32> to vector<256x1xf32>
    %mul3A_638 = arith.mulf %convert_element_type3A_633, %concatenate3A : vector<256x512xf32>
    %reduce_sum3A_639 = arith.constant dense<0.000000e+00> : vector<256xf32>
    %reduce_sum3A_640 = vector.multi_reduction <add>, %mul3A_638, %reduce_sum3A_639 [1] : vector<256x512xf32> to vector<256xf32>
    %broadcast_in_dim3A_641 = vector.shape_cast %reduce_sum3A_640 : vector<256xf32> to vector<256x1xf32>
    %le3A_642 = arith.constant 2.700000e+01 : f32
    %le3A_643 = vector.broadcast %le3A_642 : f32 to vector<256x512xf32>
    %le3A_644 = arith.cmpf ole, %sub3A_176, %le3A_643 : vector<256x512xf32>
    %gt3A_645 = arith.constant 2.700000e+01 : f32
    %gt3A_646 = vector.broadcast %gt3A_645 : f32 to vector<256x512xf32>
    %gt3A_647 = arith.cmpf ogt, %dot_general3A_175, %gt3A_646 : vector<256x512xf32>
    %and3A_648 = arith.andi %le3A_644, %gt3A_647 : vector<256x512xi1>
    %convert_element_type3A_649 = arith.extui %and3A_648 : vector<256x512xi1> to vector<256x512xi32>
    %convert_element_type3A_650 = arith.sitofp %convert_element_type3A_649 : vector<256x512xi32> to vector<256x512xf32>
    %mul3A_651 = arith.mulf %convert_element_type3A_650, %add3A_183 : vector<256x512xf32>
    %reduce_sum3A_652 = arith.constant dense<0.000000e+00> : vector<256xf32>
    %reduce_sum3A_653 = vector.multi_reduction <add>, %mul3A_651, %reduce_sum3A_652 [1] : vector<256x512xf32> to vector<256xf32>
    %broadcast_in_dim3A_654 = vector.shape_cast %reduce_sum3A_653 : vector<256xf32> to vector<256x1xf32>
    %mul3A_655 = arith.mulf %convert_element_type3A_650, %concatenate3A : vector<256x512xf32>
    %reduce_sum3A_656 = arith.constant dense<0.000000e+00> : vector<256xf32>
    %reduce_sum3A_657 = vector.multi_reduction <add>, %mul3A_655, %reduce_sum3A_656 [1] : vector<256x512xf32> to vector<256xf32>
    %broadcast_in_dim3A_658 = vector.shape_cast %reduce_sum3A_657 : vector<256xf32> to vector<256x1xf32>
    %le3A_659 = arith.constant 2.800000e+01 : f32
    %le3A_660 = vector.broadcast %le3A_659 : f32 to vector<256x512xf32>
    %le3A_661 = arith.cmpf ole, %sub3A_176, %le3A_660 : vector<256x512xf32>
    %gt3A_662 = arith.constant 2.800000e+01 : f32
    %gt3A_663 = vector.broadcast %gt3A_662 : f32 to vector<256x512xf32>
    %gt3A_664 = arith.cmpf ogt, %dot_general3A_175, %gt3A_663 : vector<256x512xf32>
    %and3A_665 = arith.andi %le3A_661, %gt3A_664 : vector<256x512xi1>
    %convert_element_type3A_666 = arith.extui %and3A_665 : vector<256x512xi1> to vector<256x512xi32>
    %convert_element_type3A_667 = arith.sitofp %convert_element_type3A_666 : vector<256x512xi32> to vector<256x512xf32>
    %mul3A_668 = arith.mulf %convert_element_type3A_667, %add3A_183 : vector<256x512xf32>
    %reduce_sum3A_669 = arith.constant dense<0.000000e+00> : vector<256xf32>
    %reduce_sum3A_670 = vector.multi_reduction <add>, %mul3A_668, %reduce_sum3A_669 [1] : vector<256x512xf32> to vector<256xf32>
    %broadcast_in_dim3A_671 = vector.shape_cast %reduce_sum3A_670 : vector<256xf32> to vector<256x1xf32>
    %mul3A_672 = arith.mulf %convert_element_type3A_667, %concatenate3A : vector<256x512xf32>
    %reduce_sum3A_673 = arith.constant dense<0.000000e+00> : vector<256xf32>
    %reduce_sum3A_674 = vector.multi_reduction <add>, %mul3A_672, %reduce_sum3A_673 [1] : vector<256x512xf32> to vector<256xf32>
    %broadcast_in_dim3A_675 = vector.shape_cast %reduce_sum3A_674 : vector<256xf32> to vector<256x1xf32>
    %le3A_676 = arith.constant 2.900000e+01 : f32
    %le3A_677 = vector.broadcast %le3A_676 : f32 to vector<256x512xf32>
    %le3A_678 = arith.cmpf ole, %sub3A_176, %le3A_677 : vector<256x512xf32>
    %gt3A_679 = arith.constant 2.900000e+01 : f32
    %gt3A_680 = vector.broadcast %gt3A_679 : f32 to vector<256x512xf32>
    %gt3A_681 = arith.cmpf ogt, %dot_general3A_175, %gt3A_680 : vector<256x512xf32>
    %and3A_682 = arith.andi %le3A_678, %gt3A_681 : vector<256x512xi1>
    %convert_element_type3A_683 = arith.extui %and3A_682 : vector<256x512xi1> to vector<256x512xi32>
    %convert_element_type3A_684 = arith.sitofp %convert_element_type3A_683 : vector<256x512xi32> to vector<256x512xf32>
    %mul3A_685 = arith.mulf %convert_element_type3A_684, %add3A_183 : vector<256x512xf32>
    %reduce_sum3A_686 = arith.constant dense<0.000000e+00> : vector<256xf32>
    %reduce_sum3A_687 = vector.multi_reduction <add>, %mul3A_685, %reduce_sum3A_686 [1] : vector<256x512xf32> to vector<256xf32>
    %broadcast_in_dim3A_688 = vector.shape_cast %reduce_sum3A_687 : vector<256xf32> to vector<256x1xf32>
    %mul3A_689 = arith.mulf %convert_element_type3A_684, %concatenate3A : vector<256x512xf32>
    %reduce_sum3A_690 = arith.constant dense<0.000000e+00> : vector<256xf32>
    %reduce_sum3A_691 = vector.multi_reduction <add>, %mul3A_689, %reduce_sum3A_690 [1] : vector<256x512xf32> to vector<256xf32>
    %broadcast_in_dim3A_692 = vector.shape_cast %reduce_sum3A_691 : vector<256xf32> to vector<256x1xf32>
    %le3A_693 = arith.constant 3.000000e+01 : f32
    %le3A_694 = vector.broadcast %le3A_693 : f32 to vector<256x512xf32>
    %le3A_695 = arith.cmpf ole, %sub3A_176, %le3A_694 : vector<256x512xf32>
    %gt3A_696 = arith.constant 3.000000e+01 : f32
    %gt3A_697 = vector.broadcast %gt3A_696 : f32 to vector<256x512xf32>
    %gt3A_698 = arith.cmpf ogt, %dot_general3A_175, %gt3A_697 : vector<256x512xf32>
    %and3A_699 = arith.andi %le3A_695, %gt3A_698 : vector<256x512xi1>
    %convert_element_type3A_700 = arith.extui %and3A_699 : vector<256x512xi1> to vector<256x512xi32>
    %convert_element_type3A_701 = arith.sitofp %convert_element_type3A_700 : vector<256x512xi32> to vector<256x512xf32>
    %mul3A_702 = arith.mulf %convert_element_type3A_701, %add3A_183 : vector<256x512xf32>
    %reduce_sum3A_703 = arith.constant dense<0.000000e+00> : vector<256xf32>
    %reduce_sum3A_704 = vector.multi_reduction <add>, %mul3A_702, %reduce_sum3A_703 [1] : vector<256x512xf32> to vector<256xf32>
    %broadcast_in_dim3A_705 = vector.shape_cast %reduce_sum3A_704 : vector<256xf32> to vector<256x1xf32>
    %mul3A_706 = arith.mulf %convert_element_type3A_701, %concatenate3A : vector<256x512xf32>
    %reduce_sum3A_707 = arith.constant dense<0.000000e+00> : vector<256xf32>
    %reduce_sum3A_708 = vector.multi_reduction <add>, %mul3A_706, %reduce_sum3A_707 [1] : vector<256x512xf32> to vector<256xf32>
    %broadcast_in_dim3A_709 = vector.shape_cast %reduce_sum3A_708 : vector<256xf32> to vector<256x1xf32>
    %le3A_710 = arith.constant 3.100000e+01 : f32
    %le3A_711 = vector.broadcast %le3A_710 : f32 to vector<256x512xf32>
    %le3A_712 = arith.cmpf ole, %sub3A_176, %le3A_711 : vector<256x512xf32>
    %gt3A_713 = arith.constant 3.100000e+01 : f32
    %gt3A_714 = vector.broadcast %gt3A_713 : f32 to vector<256x512xf32>
    %gt3A_715 = arith.cmpf ogt, %dot_general3A_175, %gt3A_714 : vector<256x512xf32>
    %and3A_716 = arith.andi %le3A_712, %gt3A_715 : vector<256x512xi1>
    %convert_element_type3A_717 = arith.extui %and3A_716 : vector<256x512xi1> to vector<256x512xi32>
    %convert_element_type3A_718 = arith.sitofp %convert_element_type3A_717 : vector<256x512xi32> to vector<256x512xf32>
    %mul3A_719 = arith.mulf %convert_element_type3A_718, %add3A_183 : vector<256x512xf32>
    %reduce_sum3A_720 = arith.constant dense<0.000000e+00> : vector<256xf32>
    %reduce_sum3A_721 = vector.multi_reduction <add>, %mul3A_719, %reduce_sum3A_720 [1] : vector<256x512xf32> to vector<256xf32>
    %broadcast_in_dim3A_722 = vector.shape_cast %reduce_sum3A_721 : vector<256xf32> to vector<256x1xf32>
    %mul3A_723 = arith.mulf %convert_element_type3A_718, %concatenate3A : vector<256x512xf32>
    %reduce_sum3A_724 = arith.constant dense<0.000000e+00> : vector<256xf32>
    %reduce_sum3A_725 = vector.multi_reduction <add>, %mul3A_723, %reduce_sum3A_724 [1] : vector<256x512xf32> to vector<256xf32>
    %broadcast_in_dim3A_726 = vector.shape_cast %reduce_sum3A_725 : vector<256xf32> to vector<256x1xf32>
    %concatenate3A_727 = tpu.concatenate %broadcast_in_dim3A_195, %broadcast_in_dim3A_212, %broadcast_in_dim3A_229, %broadcast_in_dim3A_246, %broadcast_in_dim3A_263, %broadcast_in_dim3A_280, %broadcast_in_dim3A_297, %broadcast_in_dim3A_314, %broadcast_in_dim3A_331, %broadcast_in_dim3A_348, %broadcast_in_dim3A_365, %broadcast_in_dim3A_382, %broadcast_in_dim3A_399, %broadcast_in_dim3A_416, %broadcast_in_dim3A_433, %broadcast_in_dim3A_450, %broadcast_in_dim3A_467, %broadcast_in_dim3A_484, %broadcast_in_dim3A_501, %broadcast_in_dim3A_518, %broadcast_in_dim3A_535, %broadcast_in_dim3A_552, %broadcast_in_dim3A_569, %broadcast_in_dim3A_586, %broadcast_in_dim3A_603, %broadcast_in_dim3A_620, %broadcast_in_dim3A_637, %broadcast_in_dim3A_654, %broadcast_in_dim3A_671, %broadcast_in_dim3A_688, %broadcast_in_dim3A_705, %broadcast_in_dim3A_722 in 1 : vector<256x1xf32>, vector<256x1xf32>, vector<256x1xf32>, vector<256x1xf32>, vector<256x1xf32>, vector<256x1xf32>, vector<256x1xf32>, vector<256x1xf32>, vector<256x1xf32>, vector<256x1xf32>, vector<256x1xf32>, vector<256x1xf32>, vector<256x1xf32>, vector<256x1xf32>, vector<256x1xf32>, vector<256x1xf32>, vector<256x1xf32>, vector<256x1xf32>, vector<256x1xf32>, vector<256x1xf32>, vector<256x1xf32>, vector<256x1xf32>, vector<256x1xf32>, vector<256x1xf32>, vector<256x1xf32>, vector<256x1xf32>, vector<256x1xf32>, vector<256x1xf32>, vector<256x1xf32>, vector<256x1xf32>, vector<256x1xf32>, vector<256x1xf32> -> vector<256x32xf32>
    %concatenate3A_728 = tpu.concatenate %broadcast_in_dim3A_199, %broadcast_in_dim3A_216, %broadcast_in_dim3A_233, %broadcast_in_dim3A_250, %broadcast_in_dim3A_267, %broadcast_in_dim3A_284, %broadcast_in_dim3A_301, %broadcast_in_dim3A_318, %broadcast_in_dim3A_335, %broadcast_in_dim3A_352, %broadcast_in_dim3A_369, %broadcast_in_dim3A_386, %broadcast_in_dim3A_403, %broadcast_in_dim3A_420, %broadcast_in_dim3A_437, %broadcast_in_dim3A_454, %broadcast_in_dim3A_471, %broadcast_in_dim3A_488, %broadcast_in_dim3A_505, %broadcast_in_dim3A_522, %broadcast_in_dim3A_539, %broadcast_in_dim3A_556, %broadcast_in_dim3A_573, %broadcast_in_dim3A_590, %broadcast_in_dim3A_607, %broadcast_in_dim3A_624, %broadcast_in_dim3A_641, %broadcast_in_dim3A_658, %broadcast_in_dim3A_675, %broadcast_in_dim3A_692, %broadcast_in_dim3A_709, %broadcast_in_dim3A_726 in 1 : vector<256x1xf32>, vector<256x1xf32>, vector<256x1xf32>, vector<256x1xf32>, vector<256x1xf32>, vector<256x1xf32>, vector<256x1xf32>, vector<256x1xf32>, vector<256x1xf32>, vector<256x1xf32>, vector<256x1xf32>, vector<256x1xf32>, vector<256x1xf32>, vector<256x1xf32>, vector<256x1xf32>, vector<256x1xf32>, vector<256x1xf32>, vector<256x1xf32>, vector<256x1xf32>, vector<256x1xf32>, vector<256x1xf32>, vector<256x1xf32>, vector<256x1xf32>, vector<256x1xf32>, vector<256x1xf32>, vector<256x1xf32>, vector<256x1xf32>, vector<256x1xf32>, vector<256x1xf32>, vector<256x1xf32>, vector<256x1xf32>, vector<256x1xf32> -> vector<256x32xf32>
    %convert_element_type3A_729 = arith.fptosi %concatenate3A_727 : vector<256x32xf32> to vector<256x32xi32>
    %shift_right_arithmetic3A = arith.constant 14 : i32
    %shift_right_arithmetic3A_730 = vector.broadcast %shift_right_arithmetic3A : i32 to vector<256x32xi32>
    %shift_right_arithmetic3A_731 = arith.shrsi %convert_element_type3A_729, %shift_right_arithmetic3A_730 : vector<256x32xi32>
    %and3A_732 = arith.constant 16383 : i32
    %and3A_733 = vector.broadcast %and3A_732 : i32 to vector<256x32xi32>
    %and3A_734 = arith.andi %convert_element_type3A_729, %and3A_733 : vector<256x32xi32>
    %convert_element_type3A_735 = arith.fptosi %concatenate3A_728 : vector<256x32xf32> to vector<256x32xi32>
    %iota3A_736 = tpu.iota {dimensions = array<i32: 1>} : vector<256x32xi32>
    %sub3A_737 = arith.subi %iota3A_736, %and3A_734 : vector<256x32xi32>
    %broadcast_in_dim3A_738 = arith.constant 0 : i32
    %broadcast_in_dim3A_739 = vector.broadcast %broadcast_in_dim3A_738 : i32 to vector<256x32xi32>
    %broadcast_in_dim3A_740 = arith.constant 0 : i32
    %broadcast_in_dim3A_741 = vector.broadcast %broadcast_in_dim3A_740 : i32 to vector<256x32xi32>
    %shift_right_arithmetic3A_742 = arith.constant 0 : i32
    %shift_right_arithmetic3A_743 = vector.broadcast %shift_right_arithmetic3A_742 : i32 to vector<256x32xi32>
    %shift_right_arithmetic3A_744 = arith.shrsi %convert_element_type3A_735, %shift_right_arithmetic3A_743 : vector<256x32xi32>
    %and3A_745 = arith.constant 1 : i32
    %and3A_746 = vector.broadcast %and3A_745 : i32 to vector<256x32xi32>
    %and3A_747 = arith.andi %shift_right_arithmetic3A_744, %and3A_746 : vector<256x32xi32>
    %add3A_748 = arith.addi %broadcast_in_dim3A_739, %and3A_747 : vector<256x32xi32>
    %shift_right_arithmetic3A_749 = arith.constant 1 : i32
    %shift_right_arithmetic3A_750 = vector.broadcast %shift_right_arithmetic3A_749 : i32 to vector<256x32xi32>
    %shift_right_arithmetic3A_751 = arith.shrsi %convert_element_type3A_735, %shift_right_arithmetic3A_750 : vector<256x32xi32>
    %and3A_752 = arith.constant 1 : i32
    %and3A_753 = vector.broadcast %and3A_752 : i32 to vector<256x32xi32>
    %and3A_754 = arith.andi %shift_right_arithmetic3A_751, %and3A_753 : vector<256x32xi32>
    %gt3A_755 = arith.constant 0 : i32
    %gt3A_756 = vector.broadcast %gt3A_755 : i32 to vector<256x32xi32>
    %gt3A_757 = arith.cmpi sgt, %and3A_754, %gt3A_756 : vector<256x32xi32>
    %eq3A_758 = arith.cmpi eq, %add3A_748, %sub3A_737 : vector<256x32xi32>
    %and3A_759 = arith.andi %gt3A_757, %eq3A_758 : vector<256x32xi1>
    %jit3A_760 = arith.constant 1 : i32
    %jit3A_761 = arith.constant 0 : i32
    %broadcast_in_dim3A_762 = vector.broadcast %jit3A_760 : i32 to vector<256x32xi32>
    %broadcast_in_dim3A_763 = vector.broadcast %jit3A_761 : i32 to vector<256x32xi32>
    %select_n3A_764 = arith.select %and3A_759, %broadcast_in_dim3A_762, %broadcast_in_dim3A_763 : vector<256x32xi1>, vector<256x32xi32>
    %add3A_765 = arith.addi %broadcast_in_dim3A_741, %select_n3A_764 : vector<256x32xi32>
    %add3A_766 = arith.addi %add3A_748, %and3A_754 : vector<256x32xi32>
    %shift_right_arithmetic3A_767 = arith.constant 2 : i32
    %shift_right_arithmetic3A_768 = vector.broadcast %shift_right_arithmetic3A_767 : i32 to vector<256x32xi32>
    %shift_right_arithmetic3A_769 = arith.shrsi %convert_element_type3A_735, %shift_right_arithmetic3A_768 : vector<256x32xi32>
    %and3A_770 = arith.constant 1 : i32
    %and3A_771 = vector.broadcast %and3A_770 : i32 to vector<256x32xi32>
    %and3A_772 = arith.andi %shift_right_arithmetic3A_769, %and3A_771 : vector<256x32xi32>
    %gt3A_773 = arith.constant 0 : i32
    %gt3A_774 = vector.broadcast %gt3A_773 : i32 to vector<256x32xi32>
    %gt3A_775 = arith.cmpi sgt, %and3A_772, %gt3A_774 : vector<256x32xi32>
    %eq3A_776 = arith.cmpi eq, %add3A_766, %sub3A_737 : vector<256x32xi32>
    %and3A_777 = arith.andi %gt3A_775, %eq3A_776 : vector<256x32xi1>
    %jit3A_778 = arith.constant 2 : i32
    %jit3A_779 = arith.constant 0 : i32
    %broadcast_in_dim3A_780 = vector.broadcast %jit3A_778 : i32 to vector<256x32xi32>
    %broadcast_in_dim3A_781 = vector.broadcast %jit3A_779 : i32 to vector<256x32xi32>
    %select_n3A_782 = arith.select %and3A_777, %broadcast_in_dim3A_780, %broadcast_in_dim3A_781 : vector<256x32xi1>, vector<256x32xi32>
    %add3A_783 = arith.addi %add3A_765, %select_n3A_782 : vector<256x32xi32>
    %add3A_784 = arith.addi %add3A_766, %and3A_772 : vector<256x32xi32>
    %shift_right_arithmetic3A_785 = arith.constant 3 : i32
    %shift_right_arithmetic3A_786 = vector.broadcast %shift_right_arithmetic3A_785 : i32 to vector<256x32xi32>
    %shift_right_arithmetic3A_787 = arith.shrsi %convert_element_type3A_735, %shift_right_arithmetic3A_786 : vector<256x32xi32>
    %and3A_788 = arith.constant 1 : i32
    %and3A_789 = vector.broadcast %and3A_788 : i32 to vector<256x32xi32>
    %and3A_790 = arith.andi %shift_right_arithmetic3A_787, %and3A_789 : vector<256x32xi32>
    %gt3A_791 = arith.constant 0 : i32
    %gt3A_792 = vector.broadcast %gt3A_791 : i32 to vector<256x32xi32>
    %gt3A_793 = arith.cmpi sgt, %and3A_790, %gt3A_792 : vector<256x32xi32>
    %eq3A_794 = arith.cmpi eq, %add3A_784, %sub3A_737 : vector<256x32xi32>
    %and3A_795 = arith.andi %gt3A_793, %eq3A_794 : vector<256x32xi1>
    %jit3A_796 = arith.constant 3 : i32
    %jit3A_797 = arith.constant 0 : i32
    %broadcast_in_dim3A_798 = vector.broadcast %jit3A_796 : i32 to vector<256x32xi32>
    %broadcast_in_dim3A_799 = vector.broadcast %jit3A_797 : i32 to vector<256x32xi32>
    %select_n3A_800 = arith.select %and3A_795, %broadcast_in_dim3A_798, %broadcast_in_dim3A_799 : vector<256x32xi1>, vector<256x32xi32>
    %add3A_801 = arith.addi %add3A_783, %select_n3A_800 : vector<256x32xi32>
    %add3A_802 = arith.addi %add3A_784, %and3A_790 : vector<256x32xi32>
    %shift_right_arithmetic3A_803 = arith.constant 4 : i32
    %shift_right_arithmetic3A_804 = vector.broadcast %shift_right_arithmetic3A_803 : i32 to vector<256x32xi32>
    %shift_right_arithmetic3A_805 = arith.shrsi %convert_element_type3A_735, %shift_right_arithmetic3A_804 : vector<256x32xi32>
    %and3A_806 = arith.constant 1 : i32
    %and3A_807 = vector.broadcast %and3A_806 : i32 to vector<256x32xi32>
    %and3A_808 = arith.andi %shift_right_arithmetic3A_805, %and3A_807 : vector<256x32xi32>
    %gt3A_809 = arith.constant 0 : i32
    %gt3A_810 = vector.broadcast %gt3A_809 : i32 to vector<256x32xi32>
    %gt3A_811 = arith.cmpi sgt, %and3A_808, %gt3A_810 : vector<256x32xi32>
    %eq3A_812 = arith.cmpi eq, %add3A_802, %sub3A_737 : vector<256x32xi32>
    %and3A_813 = arith.andi %gt3A_811, %eq3A_812 : vector<256x32xi1>
    %jit3A_814 = arith.constant 4 : i32
    %jit3A_815 = arith.constant 0 : i32
    %broadcast_in_dim3A_816 = vector.broadcast %jit3A_814 : i32 to vector<256x32xi32>
    %broadcast_in_dim3A_817 = vector.broadcast %jit3A_815 : i32 to vector<256x32xi32>
    %select_n3A_818 = arith.select %and3A_813, %broadcast_in_dim3A_816, %broadcast_in_dim3A_817 : vector<256x32xi1>, vector<256x32xi32>
    %add3A_819 = arith.addi %add3A_801, %select_n3A_818 : vector<256x32xi32>
    %add3A_820 = arith.addi %add3A_802, %and3A_808 : vector<256x32xi32>
    %shift_right_arithmetic3A_821 = arith.constant 5 : i32
    %shift_right_arithmetic3A_822 = vector.broadcast %shift_right_arithmetic3A_821 : i32 to vector<256x32xi32>
    %shift_right_arithmetic3A_823 = arith.shrsi %convert_element_type3A_735, %shift_right_arithmetic3A_822 : vector<256x32xi32>
    %and3A_824 = arith.constant 1 : i32
    %and3A_825 = vector.broadcast %and3A_824 : i32 to vector<256x32xi32>
    %and3A_826 = arith.andi %shift_right_arithmetic3A_823, %and3A_825 : vector<256x32xi32>
    %gt3A_827 = arith.constant 0 : i32
    %gt3A_828 = vector.broadcast %gt3A_827 : i32 to vector<256x32xi32>
    %gt3A_829 = arith.cmpi sgt, %and3A_826, %gt3A_828 : vector<256x32xi32>
    %eq3A_830 = arith.cmpi eq, %add3A_820, %sub3A_737 : vector<256x32xi32>
    %and3A_831 = arith.andi %gt3A_829, %eq3A_830 : vector<256x32xi1>
    %jit3A_832 = arith.constant 5 : i32
    %jit3A_833 = arith.constant 0 : i32
    %broadcast_in_dim3A_834 = vector.broadcast %jit3A_832 : i32 to vector<256x32xi32>
    %broadcast_in_dim3A_835 = vector.broadcast %jit3A_833 : i32 to vector<256x32xi32>
    %select_n3A_836 = arith.select %and3A_831, %broadcast_in_dim3A_834, %broadcast_in_dim3A_835 : vector<256x32xi1>, vector<256x32xi32>
    %add3A_837 = arith.addi %add3A_819, %select_n3A_836 : vector<256x32xi32>
    %add3A_838 = arith.addi %add3A_820, %and3A_826 : vector<256x32xi32>
    %shift_right_arithmetic3A_839 = arith.constant 6 : i32
    %shift_right_arithmetic3A_840 = vector.broadcast %shift_right_arithmetic3A_839 : i32 to vector<256x32xi32>
    %shift_right_arithmetic3A_841 = arith.shrsi %convert_element_type3A_735, %shift_right_arithmetic3A_840 : vector<256x32xi32>
    %and3A_842 = arith.constant 1 : i32
    %and3A_843 = vector.broadcast %and3A_842 : i32 to vector<256x32xi32>
    %and3A_844 = arith.andi %shift_right_arithmetic3A_841, %and3A_843 : vector<256x32xi32>
    %gt3A_845 = arith.constant 0 : i32
    %gt3A_846 = vector.broadcast %gt3A_845 : i32 to vector<256x32xi32>
    %gt3A_847 = arith.cmpi sgt, %and3A_844, %gt3A_846 : vector<256x32xi32>
    %eq3A_848 = arith.cmpi eq, %add3A_838, %sub3A_737 : vector<256x32xi32>
    %and3A_849 = arith.andi %gt3A_847, %eq3A_848 : vector<256x32xi1>
    %jit3A_850 = arith.constant 6 : i32
    %jit3A_851 = arith.constant 0 : i32
    %broadcast_in_dim3A_852 = vector.broadcast %jit3A_850 : i32 to vector<256x32xi32>
    %broadcast_in_dim3A_853 = vector.broadcast %jit3A_851 : i32 to vector<256x32xi32>
    %select_n3A_854 = arith.select %and3A_849, %broadcast_in_dim3A_852, %broadcast_in_dim3A_853 : vector<256x32xi1>, vector<256x32xi32>
    %add3A_855 = arith.addi %add3A_837, %select_n3A_854 : vector<256x32xi32>
    %add3A_856 = arith.addi %add3A_838, %and3A_844 : vector<256x32xi32>
    %shift_right_arithmetic3A_857 = arith.constant 7 : i32
    %shift_right_arithmetic3A_858 = vector.broadcast %shift_right_arithmetic3A_857 : i32 to vector<256x32xi32>
    %shift_right_arithmetic3A_859 = arith.shrsi %convert_element_type3A_735, %shift_right_arithmetic3A_858 : vector<256x32xi32>
    %and3A_860 = arith.constant 1 : i32
    %and3A_861 = vector.broadcast %and3A_860 : i32 to vector<256x32xi32>
    %and3A_862 = arith.andi %shift_right_arithmetic3A_859, %and3A_861 : vector<256x32xi32>
    %gt3A_863 = arith.constant 0 : i32
    %gt3A_864 = vector.broadcast %gt3A_863 : i32 to vector<256x32xi32>
    %gt3A_865 = arith.cmpi sgt, %and3A_862, %gt3A_864 : vector<256x32xi32>
    %eq3A_866 = arith.cmpi eq, %add3A_856, %sub3A_737 : vector<256x32xi32>
    %and3A_867 = arith.andi %gt3A_865, %eq3A_866 : vector<256x32xi1>
    %jit3A_868 = arith.constant 7 : i32
    %jit3A_869 = arith.constant 0 : i32
    %broadcast_in_dim3A_870 = vector.broadcast %jit3A_868 : i32 to vector<256x32xi32>
    %broadcast_in_dim3A_871 = vector.broadcast %jit3A_869 : i32 to vector<256x32xi32>
    %select_n3A_872 = arith.select %and3A_867, %broadcast_in_dim3A_870, %broadcast_in_dim3A_871 : vector<256x32xi1>, vector<256x32xi32>
    %add3A_873 = arith.addi %add3A_855, %select_n3A_872 : vector<256x32xi32>
    %add3A_874 = arith.addi %add3A_856, %and3A_862 : vector<256x32xi32>
    %shift_right_arithmetic3A_875 = arith.constant 8 : i32
    %shift_right_arithmetic3A_876 = vector.broadcast %shift_right_arithmetic3A_875 : i32 to vector<256x32xi32>
    %shift_right_arithmetic3A_877 = arith.shrsi %convert_element_type3A_735, %shift_right_arithmetic3A_876 : vector<256x32xi32>
    %and3A_878 = arith.constant 1 : i32
    %and3A_879 = vector.broadcast %and3A_878 : i32 to vector<256x32xi32>
    %and3A_880 = arith.andi %shift_right_arithmetic3A_877, %and3A_879 : vector<256x32xi32>
    %gt3A_881 = arith.constant 0 : i32
    %gt3A_882 = vector.broadcast %gt3A_881 : i32 to vector<256x32xi32>
    %gt3A_883 = arith.cmpi sgt, %and3A_880, %gt3A_882 : vector<256x32xi32>
    %eq3A_884 = arith.cmpi eq, %add3A_874, %sub3A_737 : vector<256x32xi32>
    %and3A_885 = arith.andi %gt3A_883, %eq3A_884 : vector<256x32xi1>
    %jit3A_886 = arith.constant 8 : i32
    %jit3A_887 = arith.constant 0 : i32
    %broadcast_in_dim3A_888 = vector.broadcast %jit3A_886 : i32 to vector<256x32xi32>
    %broadcast_in_dim3A_889 = vector.broadcast %jit3A_887 : i32 to vector<256x32xi32>
    %select_n3A_890 = arith.select %and3A_885, %broadcast_in_dim3A_888, %broadcast_in_dim3A_889 : vector<256x32xi1>, vector<256x32xi32>
    %add3A_891 = arith.addi %add3A_873, %select_n3A_890 : vector<256x32xi32>
    %add3A_892 = arith.addi %add3A_874, %and3A_880 : vector<256x32xi32>
    %shift_right_arithmetic3A_893 = arith.constant 9 : i32
    %shift_right_arithmetic3A_894 = vector.broadcast %shift_right_arithmetic3A_893 : i32 to vector<256x32xi32>
    %shift_right_arithmetic3A_895 = arith.shrsi %convert_element_type3A_735, %shift_right_arithmetic3A_894 : vector<256x32xi32>
    %and3A_896 = arith.constant 1 : i32
    %and3A_897 = vector.broadcast %and3A_896 : i32 to vector<256x32xi32>
    %and3A_898 = arith.andi %shift_right_arithmetic3A_895, %and3A_897 : vector<256x32xi32>
    %gt3A_899 = arith.constant 0 : i32
    %gt3A_900 = vector.broadcast %gt3A_899 : i32 to vector<256x32xi32>
    %gt3A_901 = arith.cmpi sgt, %and3A_898, %gt3A_900 : vector<256x32xi32>
    %eq3A_902 = arith.cmpi eq, %add3A_892, %sub3A_737 : vector<256x32xi32>
    %and3A_903 = arith.andi %gt3A_901, %eq3A_902 : vector<256x32xi1>
    %jit3A_904 = arith.constant 9 : i32
    %jit3A_905 = arith.constant 0 : i32
    %broadcast_in_dim3A_906 = vector.broadcast %jit3A_904 : i32 to vector<256x32xi32>
    %broadcast_in_dim3A_907 = vector.broadcast %jit3A_905 : i32 to vector<256x32xi32>
    %select_n3A_908 = arith.select %and3A_903, %broadcast_in_dim3A_906, %broadcast_in_dim3A_907 : vector<256x32xi1>, vector<256x32xi32>
    %add3A_909 = arith.addi %add3A_891, %select_n3A_908 : vector<256x32xi32>
    %add3A_910 = arith.addi %add3A_892, %and3A_898 : vector<256x32xi32>
    %shift_right_arithmetic3A_911 = arith.constant 10 : i32
    %shift_right_arithmetic3A_912 = vector.broadcast %shift_right_arithmetic3A_911 : i32 to vector<256x32xi32>
    %shift_right_arithmetic3A_913 = arith.shrsi %convert_element_type3A_735, %shift_right_arithmetic3A_912 : vector<256x32xi32>
    %and3A_914 = arith.constant 1 : i32
    %and3A_915 = vector.broadcast %and3A_914 : i32 to vector<256x32xi32>
    %and3A_916 = arith.andi %shift_right_arithmetic3A_913, %and3A_915 : vector<256x32xi32>
    %gt3A_917 = arith.constant 0 : i32
    %gt3A_918 = vector.broadcast %gt3A_917 : i32 to vector<256x32xi32>
    %gt3A_919 = arith.cmpi sgt, %and3A_916, %gt3A_918 : vector<256x32xi32>
    %eq3A_920 = arith.cmpi eq, %add3A_910, %sub3A_737 : vector<256x32xi32>
    %and3A_921 = arith.andi %gt3A_919, %eq3A_920 : vector<256x32xi1>
    %jit3A_922 = arith.constant 10 : i32
    %jit3A_923 = arith.constant 0 : i32
    %broadcast_in_dim3A_924 = vector.broadcast %jit3A_922 : i32 to vector<256x32xi32>
    %broadcast_in_dim3A_925 = vector.broadcast %jit3A_923 : i32 to vector<256x32xi32>
    %select_n3A_926 = arith.select %and3A_921, %broadcast_in_dim3A_924, %broadcast_in_dim3A_925 : vector<256x32xi1>, vector<256x32xi32>
    %add3A_927 = arith.addi %add3A_909, %select_n3A_926 : vector<256x32xi32>
    %add3A_928 = arith.addi %add3A_910, %and3A_916 : vector<256x32xi32>
    %shift_right_arithmetic3A_929 = arith.constant 11 : i32
    %shift_right_arithmetic3A_930 = vector.broadcast %shift_right_arithmetic3A_929 : i32 to vector<256x32xi32>
    %shift_right_arithmetic3A_931 = arith.shrsi %convert_element_type3A_735, %shift_right_arithmetic3A_930 : vector<256x32xi32>
    %and3A_932 = arith.constant 1 : i32
    %and3A_933 = vector.broadcast %and3A_932 : i32 to vector<256x32xi32>
    %and3A_934 = arith.andi %shift_right_arithmetic3A_931, %and3A_933 : vector<256x32xi32>
    %gt3A_935 = arith.constant 0 : i32
    %gt3A_936 = vector.broadcast %gt3A_935 : i32 to vector<256x32xi32>
    %gt3A_937 = arith.cmpi sgt, %and3A_934, %gt3A_936 : vector<256x32xi32>
    %eq3A_938 = arith.cmpi eq, %add3A_928, %sub3A_737 : vector<256x32xi32>
    %and3A_939 = arith.andi %gt3A_937, %eq3A_938 : vector<256x32xi1>
    %jit3A_940 = arith.constant 11 : i32
    %jit3A_941 = arith.constant 0 : i32
    %broadcast_in_dim3A_942 = vector.broadcast %jit3A_940 : i32 to vector<256x32xi32>
    %broadcast_in_dim3A_943 = vector.broadcast %jit3A_941 : i32 to vector<256x32xi32>
    %select_n3A_944 = arith.select %and3A_939, %broadcast_in_dim3A_942, %broadcast_in_dim3A_943 : vector<256x32xi1>, vector<256x32xi32>
    %add3A_945 = arith.addi %add3A_927, %select_n3A_944 : vector<256x32xi32>
    %add3A_946 = arith.addi %add3A_928, %and3A_934 : vector<256x32xi32>
    %shift_right_arithmetic3A_947 = arith.constant 12 : i32
    %shift_right_arithmetic3A_948 = vector.broadcast %shift_right_arithmetic3A_947 : i32 to vector<256x32xi32>
    %shift_right_arithmetic3A_949 = arith.shrsi %convert_element_type3A_735, %shift_right_arithmetic3A_948 : vector<256x32xi32>
    %and3A_950 = arith.constant 1 : i32
    %and3A_951 = vector.broadcast %and3A_950 : i32 to vector<256x32xi32>
    %and3A_952 = arith.andi %shift_right_arithmetic3A_949, %and3A_951 : vector<256x32xi32>
    %gt3A_953 = arith.constant 0 : i32
    %gt3A_954 = vector.broadcast %gt3A_953 : i32 to vector<256x32xi32>
    %gt3A_955 = arith.cmpi sgt, %and3A_952, %gt3A_954 : vector<256x32xi32>
    %eq3A_956 = arith.cmpi eq, %add3A_946, %sub3A_737 : vector<256x32xi32>
    %and3A_957 = arith.andi %gt3A_955, %eq3A_956 : vector<256x32xi1>
    %jit3A_958 = arith.constant 12 : i32
    %jit3A_959 = arith.constant 0 : i32
    %broadcast_in_dim3A_960 = vector.broadcast %jit3A_958 : i32 to vector<256x32xi32>
    %broadcast_in_dim3A_961 = vector.broadcast %jit3A_959 : i32 to vector<256x32xi32>
    %select_n3A_962 = arith.select %and3A_957, %broadcast_in_dim3A_960, %broadcast_in_dim3A_961 : vector<256x32xi1>, vector<256x32xi32>
    %add3A_963 = arith.addi %add3A_945, %select_n3A_962 : vector<256x32xi32>
    %add3A_964 = arith.addi %add3A_946, %and3A_952 : vector<256x32xi32>
    %shift_right_arithmetic3A_965 = arith.constant 13 : i32
    %shift_right_arithmetic3A_966 = vector.broadcast %shift_right_arithmetic3A_965 : i32 to vector<256x32xi32>
    %shift_right_arithmetic3A_967 = arith.shrsi %convert_element_type3A_735, %shift_right_arithmetic3A_966 : vector<256x32xi32>
    %and3A_968 = arith.constant 1 : i32
    %and3A_969 = vector.broadcast %and3A_968 : i32 to vector<256x32xi32>
    %and3A_970 = arith.andi %shift_right_arithmetic3A_967, %and3A_969 : vector<256x32xi32>
    %gt3A_971 = arith.constant 0 : i32
    %gt3A_972 = vector.broadcast %gt3A_971 : i32 to vector<256x32xi32>
    %gt3A_973 = arith.cmpi sgt, %and3A_970, %gt3A_972 : vector<256x32xi32>
    %eq3A_974 = arith.cmpi eq, %add3A_964, %sub3A_737 : vector<256x32xi32>
    %and3A_975 = arith.andi %gt3A_973, %eq3A_974 : vector<256x32xi1>
    %jit3A_976 = arith.constant 13 : i32
    %jit3A_977 = arith.constant 0 : i32
    %broadcast_in_dim3A_978 = vector.broadcast %jit3A_976 : i32 to vector<256x32xi32>
    %broadcast_in_dim3A_979 = vector.broadcast %jit3A_977 : i32 to vector<256x32xi32>
    %select_n3A_980 = arith.select %and3A_975, %broadcast_in_dim3A_978, %broadcast_in_dim3A_979 : vector<256x32xi1>, vector<256x32xi32>
    %add3A_981 = arith.addi %add3A_963, %select_n3A_980 : vector<256x32xi32>
    %add3A_982 = arith.addi %add3A_964, %and3A_970 : vector<256x32xi32>
    %shift_right_arithmetic3A_983 = arith.constant 14 : i32
    %shift_right_arithmetic3A_984 = vector.broadcast %shift_right_arithmetic3A_983 : i32 to vector<256x32xi32>
    %shift_right_arithmetic3A_985 = arith.shrsi %convert_element_type3A_735, %shift_right_arithmetic3A_984 : vector<256x32xi32>
    %and3A_986 = arith.constant 1 : i32
    %and3A_987 = vector.broadcast %and3A_986 : i32 to vector<256x32xi32>
    %and3A_988 = arith.andi %shift_right_arithmetic3A_985, %and3A_987 : vector<256x32xi32>
    %gt3A_989 = arith.constant 0 : i32
    %gt3A_990 = vector.broadcast %gt3A_989 : i32 to vector<256x32xi32>
    %gt3A_991 = arith.cmpi sgt, %and3A_988, %gt3A_990 : vector<256x32xi32>
    %eq3A_992 = arith.cmpi eq, %add3A_982, %sub3A_737 : vector<256x32xi32>
    %and3A_993 = arith.andi %gt3A_991, %eq3A_992 : vector<256x32xi1>
    %jit3A_994 = arith.constant 14 : i32
    %jit3A_995 = arith.constant 0 : i32
    %broadcast_in_dim3A_996 = vector.broadcast %jit3A_994 : i32 to vector<256x32xi32>
    %broadcast_in_dim3A_997 = vector.broadcast %jit3A_995 : i32 to vector<256x32xi32>
    %select_n3A_998 = arith.select %and3A_993, %broadcast_in_dim3A_996, %broadcast_in_dim3A_997 : vector<256x32xi1>, vector<256x32xi32>
    %add3A_999 = arith.addi %add3A_981, %select_n3A_998 : vector<256x32xi32>
    %add3A_1000 = arith.addi %add3A_982, %and3A_988 : vector<256x32xi32>
    %shift_right_arithmetic3A_1001 = arith.constant 15 : i32
    %shift_right_arithmetic3A_1002 = vector.broadcast %shift_right_arithmetic3A_1001 : i32 to vector<256x32xi32>
    %shift_right_arithmetic3A_1003 = arith.shrsi %convert_element_type3A_735, %shift_right_arithmetic3A_1002 : vector<256x32xi32>
    %and3A_1004 = arith.constant 1 : i32
    %and3A_1005 = vector.broadcast %and3A_1004 : i32 to vector<256x32xi32>
    %and3A_1006 = arith.andi %shift_right_arithmetic3A_1003, %and3A_1005 : vector<256x32xi32>
    %gt3A_1007 = arith.constant 0 : i32
    %gt3A_1008 = vector.broadcast %gt3A_1007 : i32 to vector<256x32xi32>
    %gt3A_1009 = arith.cmpi sgt, %and3A_1006, %gt3A_1008 : vector<256x32xi32>
    %eq3A_1010 = arith.cmpi eq, %add3A_1000, %sub3A_737 : vector<256x32xi32>
    %and3A_1011 = arith.andi %gt3A_1009, %eq3A_1010 : vector<256x32xi1>
    %jit3A_1012 = arith.constant 15 : i32
    %jit3A_1013 = arith.constant 0 : i32
    %broadcast_in_dim3A_1014 = vector.broadcast %jit3A_1012 : i32 to vector<256x32xi32>
    %broadcast_in_dim3A_1015 = vector.broadcast %jit3A_1013 : i32 to vector<256x32xi32>
    %select_n3A_1016 = arith.select %and3A_1011, %broadcast_in_dim3A_1014, %broadcast_in_dim3A_1015 : vector<256x32xi1>, vector<256x32xi32>
    %add3A_1017 = arith.addi %add3A_999, %select_n3A_1016 : vector<256x32xi32>
    %mul3A_1018 = arith.constant 16 : i32
    %mul3A_1019 = vector.broadcast %mul3A_1018 : i32 to vector<256x32xi32>
    %mul3A_1020 = arith.muli %shift_right_arithmetic3A_731, %mul3A_1019 : vector<256x32xi32>
    %add3A_1021 = arith.addi %mul3A_1020, %add3A_1017 : vector<256x32xi32>
    %convert_element_type3A_1022 = arith.fptosi %slice3A_177 : vector<256x1xf32> to vector<256x1xi32>
    %lt3A_1023 = vector.broadcast %convert_element_type3A_1022 : vector<256x1xi32> to vector<256x32xi32>
    %lt3A_1024 = arith.cmpi slt, %iota3A_736, %lt3A_1023 : vector<256x32xi32>
    %add3A_1025 = arith.constant 1 : i32
    %add3A_1026 = vector.broadcast %add3A_1025 : i32 to vector<256x32xi32>
    %add3A_1027 = arith.addi %add3A_1021, %add3A_1026 : vector<256x32xi32>
    %jit3A_1028 = arith.constant 0 : i32
    %broadcast_in_dim3A_1029 = vector.broadcast %jit3A_1028 : i32 to vector<256x32xi32>
    %select_n3A_1030 = arith.select %lt3A_1024, %add3A_1027, %broadcast_in_dim3A_1029 : vector<256x32xi1>, vector<256x32xi32>
    %transpose3A = tpu.transpose %select_n3A_1030, [1, 0] : vector<256x32xi32> -> vector<32x256xi32>
    %swap3A = arith.constant 0 : index
    %swap3A_1031 = arith.constant 0 : index
    %swap3A_1032 = arith.constant 0 : index
    %swap3A_1033 = vector.load %arg4[%swap3A, %swap3A_1031, %swap3A_1032] : memref<1x32x256xi32, #tpu.memory_space<vmem>>, vector<1x32x256xi32>
    %swap3A_1034 = vector.shape_cast %swap3A_1033 : vector<1x32x256xi32> to vector<32x256xi32>
    %swap3A_1035 = vector.shape_cast %transpose3A : vector<32x256xi32> to vector<1x32x256xi32>
    tpu.vector_store %arg4[%swap3A, %swap3A_1031, %swap3A_1032], %swap3A_1035 {strides = array<i32>} : memref<1x32x256xi32, #tpu.memory_space<vmem>>, vector<1x32x256xi32>,
    return
  }
  func.func @transform_0(%arg0: i32, %arg1: i32) -> (i32, i32, i32) {
    %c0_i32 = arith.constant 0 : i32
    %c0_i32_0 = arith.constant 0 : i32
    return %arg0, %arg1, %c0_i32 : i32, i32, i32
  }
  func.func @transform_1(%arg0: i32, %arg1: i32) -> (i32, i32, i32) {
    %c0_i32 = arith.constant 0 : i32
    %c0_i32_0 = arith.constant 0 : i32
    %c0_i32_1 = arith.constant 0 : i32
    return %arg0, %c0_i32, %c0_i32_0 : i32, i32, i32
  }
  func.func @transform_2(%arg0: i32, %arg1: i32) -> (i32, i32, i32) {
    %c0_i32 = arith.constant 0 : i32
    %c0_i32_0 = arith.constant 0 : i32
    return %arg0, %c0_i32, %arg1 : i32, i32, i32
  }
}

</mosaic_0001>

<sc_bundles>
// kernel: kernel.4.cloned.1.call-start
scs
__scs_entry_jumppad:
0x0: {  	(pc) =	sbr.rel $0x88, $3  }
0x1: {  	(tag) =	ssettag $0x0;
	lr =	simm.s32 $0x1  }
0x2: {  	[smem:$0x3F9E] =	sst lr;
	_ =	strace $0xD0000000  }
0x3: {  	_ = 	snop  }
0x4: {  	_ = 	snop  }
0x5: {  	_ = 	snop  }
0x6: {  	_ = 	snop  }
0x7: {  	_ = 	snop  }
__scs_overlays_trampoline_lowered:
0x8: {  	[smem:$0x3FAD] =	sst s0  }
0x9: {  	[smem:$0x3FAE] =	sst s1  }
0xa: {  	[smem:$0x3FAF] =	sst s2  }
0xb: {  	[smem:$0x3FB0] =	sst s3  }
0xc: {  	[smem:$0x3FB1] =	sst s4  }
0xd: {  	[smem:$0x3FB2] =	sst s5  }
0xe: {  	[smem:$0x3FB3] =	sst s6  }
0xf: {  	[smem:$0x3FB4] =	sst s7  }
0x10: {  	[smem:$0x3FB5] =	sst s8  }
0x11: {  	[smem:$0x3FB6] =	sst s9;
	s0 =	simm.s32 @!p0 $0x0  }
0x12: {  	s1 =	sld [smem:$0x3F9C];
	s0 =	simm.s32 @p0 $0x1  }
0x13: {  	[smem:$0x3FB7] =	sst s0;
	s0 =	simm.s32 @!p1 $0x0  }
0x14: {  	s2 =	sld [smem:$0x3F9B];
	s0 =	simm.s32 @p1 $0x1  }
0x15: {  	[smem:$0x3FB8] =	sst s0;
	s0 =	simm.s32 @!p2 $0x0  }
0x16: {  	s3 =	sld [smem:$0x3FDB];
	s0 =	simm.s32 @p2 $0x1  }
0x17: {  	s4 =	simm.s32 $0x1BF5;
	[smem:$0x3FBA] =	sst s0  }
0x18: {  	s0 =	sld [smem:$0x3F9D];
	_ =	swait.ge [sflag:s4], $0x0  }
0x19: {  	s7 =	sld [smem:$0x3F9E]  }
0x1a: {  	s8 =	sadd.s32 $0xFFFFE003, lr  }
0x1b: {  	s9 =	sadd.s32 $0xFFFFFEF7, lr;
	s5 =	simm.s32 $0xFFFFFFFF;
	p2 =	slt.u32 s8, $0xFFFFF086  }
0x1c: {  	p1 =	slt.u32 s9, $0xF7A;
	s5 =	simm.s32 @!p2 $0x0  }
0x1d: {  	s5 =	simm.s32 @p1 $0x1;
	p0 =	seq.s32 s7, s2  }
0x1e: {  	s7 =	smul.u32 @!p0 $0xF7A, s2;
	p2 =	seq.s32 @!p0 s5, $0x0  }
0x1f: {  	s9 =	smul.u32 $0xF7A, s1;
	s8 =	simm.s32 @!p0 $0x1BF5;
	p2 =	por !p2, p0  }
0x20: {  	[sflag:s8] =	ssyncset.s32 @!p0 $0xFFFFF086;
	s6 =	sadd.s32 @!p0 s3, s7;
	s7 =	simm.s32 @!p0 $0x108  }
0x21: {  	s3 =	sadd.s32 s3, s9;
	s6 =	sadd.s32 @!p0 $0x88, s6;
	s7 =	simm.s32 @p2 $0x1082  }
0x22: {  	[simem:s7], [sflag:s8] =	dma.local @!p0 [hbm:s6], $0xF7A  }
0x23: {  	s9 =	sor.u32 $0xD0000000, s2;
	s6 =	simm.s32 $0x108;
	_ =	swait.ge @!p0 [sflag:s8], $0x0  }
0x24: {  	s3 =	sadd.s32 $0x88, s3;
	s6 =	simm.s32 @!p1 $0x1082;
	[sflag:s4] =	ssyncset.s32 $0xFFFFF086  }
0x25: {  	[simem:s6], [sflag:s4] =	dma.local [hbm:s3], $0xF7A  }
0x26: {  	[smem:$0x3F9E] =	sst s1;
	(tag) =	ssettag s2;
	_ =	strace s9  }
0x27: {  	s1 =	sld [smem:$0x3FAE]  }
0x28: {  	s2 =	sld [smem:$0x3FAF]  }
0x29: {  	s4 =	sld [smem:$0x3FB1]  }
0x2a: {  	p0 =	seq.s32 s5, $0x0;
	s5 =	sld [smem:$0x3FB2]  }
0x2b: {  	s6 =	sld [smem:$0x3FB3]  }
0x2c: {  	s7 =	sld [smem:$0x3FB4]  }
0x2d: {  	s3 =	simm.s32 $0x108;
	s8 =	sld [smem:$0x3FB5]  }
0x2e: {  	s3 =	simm.s32 @!p0 $0x1082;
	s9 =	sld [smem:$0x3FB6]  }
0x2f: {  	lr =	sadd.s32 s0, s3;
	s0 =	sld [smem:$0x3FAD]  }
0x30: {  	s3 =	sld [smem:$0x3FB0]  }
0x31: {  	[smem:$0x3FB9] =	sst s10  }
0x32: {  	s10 =	sld [smem:$0x3FB7];
	_ =	sdelay $0x3  }
0x33: {  	p0 =	seq.s32 s10, $0x1;
	s10 =	sld [smem:$0x3FB9];
	_ =	sdelay $0x3  }
0x34: {  	[smem:$0x3FB9] =	sst s10  }
0x35: {  	s10 =	sld [smem:$0x3FB8];
	_ =	sdelay $0x3  }
0x36: {  	p1 =	seq.s32 s10, $0x1;
	s10 =	sld [smem:$0x3FB9];
	_ =	sdelay $0x3  }
0x37: {  	[smem:$0x3FB9] =	sst s10  }
0x38: {  	s10 =	sld [smem:$0x3FBA]  }
0x39: {  	_ = 	snop;
	(pc) =	sbr.ind lr, $3  }
0x3a: {  	_ = 	snop  }
0x3b: {  	_ = 	snop  }
0x3c: {  	p2 =	seq.s32 s10, $0x1;
	s10 =	sld [smem:$0x3FB9]  }
0x3d: {  	_ =	shalt  }
0x3e: {  	_ =	shalt  }
0x3f: {  	_ =	shalt  }
0x40: {  	_ =	shalt  }
0x41: {  	_ =	shalt  }
0x42: {  	_ =	shalt  }
0x43: {  	_ =	shalt  }
0x44: {  	_ =	shalt  }
0x45: {  	_ =	shalt  }
0x46: {  	_ =	shalt  }
0x47: {  	_ =	shalt  }
0x48: {  	_ =	shalt  }
0x49: {  	_ =	shalt  }
0x4a: {  	_ =	shalt  }
0x4b: {  	_ =	shalt  }
0x4c: {  	_ =	shalt  }
0x4d: {  	_ =	shalt  }
0x4e: {  	_ =	shalt  }
0x4f: {  	_ =	shalt  }
0x50: {  	_ =	shalt  }
0x51: {  	_ =	shalt  }
0x52: {  	_ =	shalt  }
0x53: {  	_ =	shalt  }
0x54: {  	_ =	shalt  }
0x55: {  	_ =	shalt  }
0x56: {  	_ =	shalt  }
0x57: {  	_ =	shalt  }
0x58: {  	_ =	shalt  }
0x59: {  	_ =	shalt  }
0x5a: {  	_ =	shalt  }
0x5b: {  	_ =	shalt  }
0x5c: {  	_ =	shalt  }
0x5d: {  	_ =	shalt  }
0x5e: {  	_ =	shalt  }
0x5f: {  	_ =	shalt  }
0x60: {  	_ =	shalt  }
0x61: {  	_ =	shalt  }
0x62: {  	_ =	shalt  }
0x63: {  	_ =	shalt  }
0x64: {  	_ =	shalt  }
0x65: {  	_ =	shalt  }
0x66: {  	_ =	shalt  }
0x67: {  	_ =	shalt  }
0x68: {  	_ =	shalt  }
0x69: {  	_ =	shalt  }
0x6a: {  	_ =	shalt  }
0x6b: {  	_ =	shalt  }
0x6c: {  	_ =	shalt  }
0x6d: {  	_ =	shalt  }
0x6e: {  	_ =	shalt  }
0x6f: {  	_ =	shalt  }
0x70: {  	_ =	shalt  }
0x71: {  	_ =	shalt  }
0x72: {  	_ =	shalt  }
0x73: {  	_ =	shalt  }
0x74: {  	_ =	shalt  }
0x75: {  	_ =	shalt  }
0x76: {  	_ =	shalt  }
0x77: {  	_ =	shalt  }
0x78: {  	_ =	shalt  }
0x79: {  	_ =	shalt  }
0x7a: {  	_ =	shalt  }
0x7b: {  	_ =	shalt  }
0x7c: {  	_ =	shalt  }
0x7d: {  	_ =	shalt  }
0x7e: {  	_ =	shalt  }
0x7f: {  	_ =	shalt  }
0x80: {  	_ =	shalt  }
0x81: {  	_ =	shalt  }
0x82: {  	_ =	shalt  }
0x83: {  	_ =	shalt  }
0x84: {  	_ =	shalt  }
0x85: {  	_ =	shalt  }
0x86: {  	_ =	shalt  }
0x87: {  	_ =	shalt  }
.Lfunc_end0:
.L_simem_size_0:
called_computation_lowered:
.L_overlay_start_0:
0x88: {  	s2 =	sld [smem:$0x3FD9]  }
0x89: {  	s3 =	sld [smem:$0x3FFE];
	_ =	sdelay $0x1  }
0x8a: {  	s1 =	srdreg.scid  }
0x8b: {  	s0 =	sand.u32 $0x1, s1  }
0x8c: {  	s17 =	sshll.u32 s0, $0xA;
	s2 =	sadd.s32 s3, s2  }
0x8d: {  	s2 =	sadd.s32 s2, s17  }
0x8e: {  	[smem:$0x3FC5] =	sst s2  }
0x8f: {  	_ = 	snop  }
0x90: {  	s2 =	sld [smem:$0x3FD0];
	(tm) =	ssettm $0x1  }
0x91: {  	s18 =	sld [smem:$0x3FFB];
	_ =	sdelay $0x3  }
0x92: {  	_ =	strace s18  }
0x93: {  	s3 =	sld [smem:$0x3FFC];
	_ =	sdelay $0x3  }
0x94: {  	_ =	strace s3  }
0x95: {  	s3 =	sld [smem:$0x3FFD];
	_ =	sdelay $0x3  }
0x96: {  	_ =	strace s3  }
0x97: {  	_ =	strace $0x8FFFFFFF  }
0x98: {  	s19 =	sld [smem:$0x3FDB];
	_ =	sdelay $0x1  }
0x99: {  	s4 =	simm.s32 $_scs_section_size  }
0x9a: {  	s5 =	simm.s32 $_size__tile_overlayer_lowered;
	s6 =	simm.s32 $_tile_overlayer_lowered  }
0x9b: {  	s22 =	simm.s32 $0x1BFF;
	s21 =	sshll.u32 s6, $0x1;
	s3 =	sadd.s32 s4, s19  }
0x9c: {  	s7 =	simm.s32 $0x0;
	s20 =	sshll.u32 s5, $0x1;
	s5 =	sadd.s32 s21, s3  }
0x9d: {  	[timem:s7], [sflag:s22] =	dma.local [hbm:s5], s20  }
0x9e: {  	_ =	swait.ge [sflag:s22], s20  }
0x9f: {  	s4 =	ssub.s32 $0x0, s20;
	[sflag:s22] =	ssyncset.done $0x0  }
0xa0: {  	[sflag:s22] =	ssyncadd.s32 s4;
	_ =	sdelay $0x1  }
0xa1: {  	s23 =	simm.s32 $0x1B8B  }
0xa2: {  	_ =	swait.ge [sflag:s23], $0x1  }
0xa3: {  	[sflag:s23] =	ssyncset.done $0x0  }
0xa4: {  	s25 =	simm.s32 $0x1B8E;
	s24 =	sld [smem:$0x3FFE];
	[sflag:s23] =	ssyncadd.s32 $0xFFFFFFFF  }
0xa5: {  	s26 =	simm.s32 $execute0_lowered;
	[smem:$0x3FD2] =	sst s25  }
0xa6: {  	s5 =	sshll.u32 s26, $0x1;
	_ =	strace $0x80000046;
	[dreg:$0x1] =	wrdreg $0xFFFFFFFF  }
0xa7: {  	s28 =	simm.s32 $_size_execute0_lowered;
	s3 =	sadd.s32 s3, s5;
	[dreg:$0x0] =	wrdreg $0x0  }
0xa8: {  	s5 =	sshll.u32 s28, $0x1;
	[dreg:$0x2] =	wrdreg s3  }
0xa9: {  	[dreg:$0x3] =	wrdreg s5  }
0xaa: {  	[dreg:$0x4] =	wrdreg $0xC0  }
0xab: {  	_ =	task [dreg:s7], $0x5FFFF  }
0xac: {  	[dreg:$0x1] =	wrdreg $0xFFFFFFFF  }
0xad: {  	[dreg:$0x0] =	wrdreg $0x60  }
0xae: {  	[dreg:$0x2] =	wrdreg s24  }
0xaf: {  	[dreg:$0x3] =	wrdreg s2  }
0xb0: {  	[dreg:$0x4] =	wrdreg $0x1E5800  }
0xb1: {  	[dreg:$0x5] =	wrdreg $0x9  }
0xb2: {  	_ =	task.clear_ibuf [dreg:s7], $0x6FFFF;
	_ =	strace $0x90000046  }
0xb3: {  	s29 =	simm.s32 $0x9;
	_ =	strace $0x80000048  }
0xb4: {  	_ =	swait.ge [sflag:s29], $0x1  }
0xb5: {  	[sflag:s29] =	ssyncadd.s32 $0xFFFFFFFF  }
0xb6: {  	_ =	strace $0x90000048  }
0xb7: {  	_ =	sfence  }
0xb8: {  	s30 =	sld [smem:$0x0];
	_ =	sdelay $0x2  }
0xb9: {  	s31 =	sshll.u32 s1, $0xD;
	s1 =	sshrl.u32 s1, $0x2  }
0xba: {  	s3 =	sand.u32 $0x4000, s31;
	s1 =	sadd.s32 s1, s30  }
0xbb: {  	s0 =	sor.u32 s3, s0;
	s1 =	sshll.u32 s1, $0x11  }
0xbc: {  	s0 =	sor.u32 s1, s0  }
0xbd: {  	s0 =	sadd.s32 $0x8F2B, s0  }
0xbe: {  	[sflag:s0] =	ssyncadd.remote.s32 $0x1  }
0xbf: {  	_ =	sfence.sel $0xFFFF  }
0xc0: {  	[dreg:$0x0] =	wrdreg $0xFFFFFFFF;
	(pc) =	sbr.abs _section_cstart, $3  }
0xc1: {  	[dreg:$0x1] =	wrdreg $0xFFFFFFFF  }
0xc2: {  	_ =	task.clear_ibuf [dreg:s7], $0x2FFFF;
	_ =	strace $0x9FFFFFFF  }
0xc3: {  	(tm) =	ssettm $0x7FFFFFFF  }
tec
execute0_lowered:
.L_overlay_start_1:
0x0: {  	(tag) =	ssettag $0x1  }
0x1: {  	s0 =	rddreg [dreg:$0x0]  }
0x2: {  	s1 =	rddreg [dreg:$0x1];
	s11 =	simm.s32 $0x0  }
0x3: {  	s7 =	stileid.u32;
	s6 =	srdreg.scid;
	s28 =	simm.s32 $0xE400  }
0x4: {  	s30 =	simm.s32 $0x10480;
	[smem:$0x7FF] =	sst s11;
	s2 =	sshrl.u32 s7, $0x2  }
0x5: {  	s4 =	sadd.s32 $0x1400, s0;
	s6 =	sand.u32 $0x1, s6;
	s7 =	sshll.u32 s7, $0x1  }
0x6: {  	_ =	strace $0x80000047;
	s3 =	sshll.u32 s2, $0xD;
	s5 =	smul.u32 $0xC00, s2  }
0x7: {  	s8 =	ssub.s32 $0x2, s6;
	s7 =	sand.u32 $0x6, s7;
	s16 =	smul.u32 $0x1800, s2  }
0x8: {  	s12 =	smul.u32 $0x830000, s2;
	s25 =	sshll.u32 s2, $0x11;
	s13 =	sshll.u32 s2, $0x7  }
0x9: {  	s3 =	sadd.s32 s3, s0;
	s9 =	sshrl.u32 s8, $0x1;
	s6 =	sor.u32 s6, s7  }
0xa: {  	[dreg:$0xe] =	wrdreg s13;
	s5 =	sadd.s32 s5, s0;
	s0 =	sadd.s32 $0x800, s0  }
0xb: {  	s8 =	ssub.s32 s8, s9;
	s17 =	sshll.u32 s6, $0x8;
	s10 =	sshll.u32 s6, $0xB  }
0xc: {  	s15 =	sadd.s32 $0x30000, s12;
	[dreg:$0x5] =	wrdreg s12;
	s3 =	sadd.s32 s17, s3  }
0xd: {  	s7 =	sor.u32 s16, s17;
	s5 =	sadd.s32 $0x81400, s5;
	[dreg:$0x12] =	wrdreg s15  }
0xe: {  	s21 =	sor.u32 s12, s10;
	s31 =	smax.u32 s8, $0x1;
	[dreg:$0x6] =	wrdreg s5  }
0xf: {  	s16 =	sor.u32 $0x7, s13;
	s3 =	sadd.s32 $0x84400, s3;
	[dreg:$0x14] =	wrdreg s31  }
0x10: {  	s18 =	sshrl.u32 s7, $0x3;
	s19 =	sadd.s32 $0x800, s7;
	[dreg:$0x13] =	wrdreg s16  }
0x11: {  	s23 =	sshrl.u32 s21, $0x3;
	[dreg:$0x4] =	wrdreg s3;
	s3 =	sadd.s32 s0, s18  }
0x12: {  	s20 =	sadd.s32 $0x1000, s7;
	s24 =	sadd.s32 s1, s23;
	[dreg:$0x7] =	wrdreg s3  }
0x13: {  	s3 =	sshrl.u32 s19, $0x3;
	s5 =	sadd.s32 $0x2000, s24;
	[dreg:$0xa] =	wrdreg s24  }
0x14: {  	s22 =	sshrl.u32 s20, $0x3;
	s3 =	sadd.s32 s0, s3;
	[dreg:$0xb] =	wrdreg s5  }
0x15: {  	s7 =	simm.s32 $0x12500;
	s0 =	sadd.s32 s0, s22;
	[dreg:$0x8] =	wrdreg s3  }
0x16: {  	s20 =	sadd.s32 s1, s17;
	[dreg:$0x9] =	wrdreg s0;
	s3 =	sadd.s32 $0x4000, s24  }
0x17: {  	s17 =	simm.s32 $0x800;
	s0 =	sadd.s32 s4, s25;
	[dreg:$0xc] =	wrdreg s3  }
0x18: {  	s18 =	simm.s32 $0x4000;
	s26 =	sadd.s32 $0x400, s0;
	[dreg:$0xd] =	wrdreg s0  }
0x19: {  	s19 =	simm.s32 $0x9;
	s29 =	sadd.s32 $0x800, s0;
	[dreg:$0xf] =	wrdreg s26  }
0x1a: {  	s0 =	sadd.s32 $0xC00, s0;
	s3 =	simm.s32 $0x0;
	[dreg:$0x10] =	wrdreg s29  }
0x1b: {  	v0 =	vimm.f32 $0.0e+00;
	[dreg:$0x11] =	wrdreg s0;
	s26 =	simm.s32 $0x6000;
	s0 =	simm.s32 $0xC380  }
.LBB2_1:
0x1c: {  	[dreg:$0x15] =	wrdreg s3  }
0x1d: {  	s1 =	rddreg [dreg:$0x4]  }
0x1e: {  	[tilespmem:s11], [sflag:$0x9] =	stream.strided.gather [hbm4b:s1+s17], $0x2000, s18, s17, $0x38;
	[tilespmem:$0x1E780] =	vst v63  }
0x1f: {  	_ =	swait.ge [sflag:s19], $0x2000  }
0x20: {  	[sflag:s19] =	ssyncset.done $0x0  }
0x21: {  	s14 =	rddreg [dreg:$0x6];
	[sflag:s19] =	ssyncadd.s32 $0xFFFFE000  }
0x22: {  	[tilespmem:s26], [sflag:$0x9] =	stream.linear.gather [hbm4b:s14+s11], $0x6000, $0x38;
	[tilespmem:$0x1E780] =	vst v63  }
0x23: {  	_ =	swait.ge [sflag:s19], $0x6000  }
0x24: {  	[sflag:s19] =	ssyncset.done $0x0  }
0x25: {  	[sflag:s19] =	ssyncadd.s32 $0xFFFFA000  }
0x26: {  	s2 =	simm.s32 $0xC080;
	s15 =	rddreg [dreg:$0x7];
	[tilespmem:$0xC000] =	vst v0  }
0x27: {  	[tilespmem:s2], [sflag:$0x9] =	stream.linear.gather [hbm4b:s15+s11], $0x100, $0x38;
	[tilespmem:$0x1E780] =	vst v63  }
0x28: {  	_ =	swait.ge [sflag:s19], $0x100  }
0x29: {  	[sflag:s19] =	ssyncset.done $0x0  }
0x2a: {  	s17 =	simm.s32 $0xC180;
	s16 =	rddreg [dreg:$0x8];
	[sflag:s19] =	ssyncadd.s32 $0xFFFFFF00  }
0x2b: {  	[tilespmem:s17], [sflag:$0x9] =	stream.linear.gather [hbm4b:s16+s11], $0x100, $0x38;
	[tilespmem:$0x1E780] =	vst v63  }
0x2c: {  	s21 =	simm.s32 $0xC280;
	s22 =	simm.s32 $0x0;
	_ =	swait.ge [sflag:s19], $0x100  }
0x2d: {  	s23 =	sand.u32 $0x400, s11;
	s24 =	simm.s32 $0x0;
	[sflag:s19] =	ssyncset.done $0x0  }
0x2e: {  	s1 =	sand.u32 $0x1800, s22;
	s18 =	rddreg [dreg:$0x9];
	[sflag:s19] =	ssyncadd.s32 $0xFFFFFF00  }
0x2f: {  	[tilespmem:s21], [sflag:$0x9] =	stream.linear.gather [hbm4b:s18+s11], $0x100, $0x38;
	[tilespmem:$0x1E780] =	vst v63  }
0x30: {  	s5 =	sor.u32 s23, s1;
	s2 =	sand.u32 $0x380, s24;
	_ =	swait.ge [sflag:s19], $0x100  }
0x31: {  	s25 =	sand.u32 $0x40, s11;
	s5 =	sor.u32 s2, s5;
	[sflag:s19] =	ssyncset.done $0x0  }
0x32: {  	s5 =	sor.u32 s25, s5;
	[sflag:s19] =	ssyncadd.s32 $0xFFFFFF00  }
0x33: {  	v1 =	vld [tilespmem:s5+$0x30]  }
0x34: {  	v3 =	vld [tilespmem:s5+$0x0]  }
0x35: {  	v4 =	vld [tilespmem:s5+$0x10]  }
0x36: {  	s29 =	simm.s32 $0x40;
	s8 =	simm.s32 $0x200;
	v5 =	vld [tilespmem:s5+$0x20]  }
0x37: {  	s10 =	simm.s32 $0x20;
	s3 =	sand.u32 $0x1800, s29;
	s9 =	sand.u32 $0x400, s8  }
0x38: {  	s10 =	sand.u32 $0x380, s10;
	s3 =	sor.u32 s9, s3;
	s9 =	simm.s32 $0x40;
	vm0 =	vgt.s32 v1, $0x0;
	v2 =	vadd.s32 $0xFFFFFFFF, v1  }
0x39: {  	s31 =	sand.u32 $0x40, s9;
	s3 =	sor.u32 s10, s3;
	vm1 =	vgt.s32 v3, $0x0;
	v1 =	vadd.s32 $0xFFFFFFFF, v3;
	v3 =	vsel vm0, $0x3F800000, v0  }
0x3a: {  	s3 =	sor.u32 s31, s3;
	vm2 =	vgt.s32 v4, $0x0;
	v4 =	vadd.s32 $0xFFFFFFFF, v4;
	v6 =	vnsel vm1, $0x2000, v1;
	[tilespmem:s5+$0x4030] =	vst v3  }
0x3b: {  	v7 =	vadd.s32 $0xFFFFFFFF, v5;
	v1 =	vld [tilespmem:s3+$0x30];
	[tilespmem:s5+$0x2000] =	vst v6;
	v6 =	vsel vm1, $0x3F800000, v0;
	vm1 =	vgt.s32 v5, $0x0  }
0x3c: {  	s10 =	simm.s32 $0x4;
	v3 =	vld [tilespmem:s3+$0x0];
	v5 =	vsel vm2, $0x3F800000, v0;
	[tilespmem:s5+$0x4000] =	vst v6;
	v6 =	vnsel vm2, $0x2000, v4;
	v4 =	vnsel vm1, $0x2000, v7  }
.LBB2_2:
0x3d: {  	s10 =	sadd.s32 $0x4, s10;
	v7 =	vld [tilespmem:s3+$0x10];
	[tilespmem:s5+$0x2010] =	vst v6;
	v6 =	vsel vm1, $0x3F800000, v0;
	v8 =	vnsel vm0, $0x2000, v2;
	s8 =	sadd.s32 $0x200, s8  }
0x3e: {  	s9 =	sadd.s32 $0x40, s9;
	s11 =	sshll.u32 s10, $0x4;
	p0 =	slt.u32 s10, $0x1FC;
	v9 =	vld [tilespmem:s3+$0x20];
	[tilespmem:s5+$0x4010] =	vst v5  }
0x3f: {  	s14 =	sand.u32 $0x400, s8;
	s19 =	sshll.u32 s10, $0x3;
	s11 =	sand.u32 $0x1800, s11;
	[tilespmem:s5+$0x2020] =	vst v4  }
.Ltmp0:
0x40: {  	s11 =	sor.u32 s14, s11;
	s14 =	sand.u32 $0x380, s19;
	vm0 =	vgt.s32 v1, $0x0;
	v2 =	vadd.s32 $0xFFFFFFFF, v1;
	[tilespmem:s5+$0x4020] =	vst v6;
	(pc) =	sbr.rel @p0 .LBB2_2-.Ltmp0, $4  }
0x41: {  	s19 =	sand.u32 $0x40, s9;
	s11 =	sor.u32 s14, s11;
	vm1 =	vgt.s32 v3, $0x0;
	v1 =	vadd.s32 $0xFFFFFFFF, v3;
	v3 =	vsel vm0, $0x3F800000, v0;
	[tilespmem:s5+$0x2030] =	vst v8;
	s5 =	smov.u32 s3  }
0x42: {  	s3 =	sor.u32 s19, s11;
	v4 =	vnsel vm1, $0x2000, v1;
	vm2 =	vgt.s32 v7, $0x0;
	v5 =	vadd.s32 $0xFFFFFFFF, v7;
	[tilespmem:s5+$0x4030] =	vst v3  }
0x43: {  	v1 =	vld [tilespmem:s3+$0x30];
	[tilespmem:s5+$0x2000] =	vst v4;
	v4 =	vsel vm1, $0x3F800000, v0;
	vm1 =	vgt.s32 v9, $0x0;
	v7 =	vadd.s32 $0xFFFFFFFF, v9  }
0x44: {  	v6 =	vnsel vm2, $0x2000, v5;
	v5 =	vsel vm2, $0x3F800000, v0;
	v3 =	vld [tilespmem:s3+$0x0];
	[tilespmem:s5+$0x4000] =	vst v4;
	v4 =	vnsel vm1, $0x2000, v7  }
0x45: {  	[tilespmem:s5+$0x2010] =	vst v6  }
0x46: {  	[tilespmem:s5+$0x4010] =	vst v5  }
0x47: {  	v6 =	vld [tilespmem:s3+$0x10];
	v5 =	vsel vm1, $0x3F800000, v0;
	[tilespmem:s5+$0x2020] =	vst v4  }
0x48: {  	v2 =	vnsel vm0, $0x2000, v2;
	[tilespmem:s5+$0x4020] =	vst v5;
	vm13 =	vgt.s32 v1, $0x0  }
0x49: {  	v4 =	vld [tilespmem:s3+$0x20];
	[tilespmem:s5+$0x2030] =	vst v2;
	v1 =	vadd.s32 $0xFFFFFFFF, v1;
	v5 =	vsel vm13, $0x3F800000, v0  }
0x4a: {  	vm14 =	vgt.s32 v3, $0x0;
	v3 =	vadd.s32 $0xFFFFFFFF, v3;
	v1 =	vnsel vm13, $0x2000, v1;
	[tilespmem:s3+$0x4030] =	vst v5  }
0x4b: {  	v2 =	vnsel vm14, $0x2000, v3;
	[tilespmem:s3+$0x2030] =	vst v1  }
0x4c: {  	s14 =	simm.s32 $0x0;
	vm2 =	vgt.s32 v6, $0x0;
	v3 =	vadd.s32 $0xFFFFFFFF, v6;
	[tilespmem:s3+$0x2000] =	vst v2;
	v2 =	vsel vm14, $0x3F800000, v0  }
0x4d: {  	s5 =	sand.u32 $0x1, s14;
	[tilespmem:s3+$0x4000] =	vst v2;
	v2 =	vnsel vm2, $0x2000, v3  }
0x4e: {  	s8 =	simm.s32 $0x0;
	s9 =	sshll.u32 s5, $0xA;
	vm15 =	vgt.s32 v4, $0x0;
	v3 =	vadd.s32 $0xFFFFFFFF, v4;
	v4 =	vsel vm2, $0x3F800000, v0;
	[tilespmem:s3+$0x2010] =	vst v2  }
0x4f: {  	s10 =	sand.u32 $0x40, s8;
	s1 =	sor.u32 s9, s1;
	v2 =	vnsel vm15, $0x2000, v3;
	[tilespmem:s3+$0x4010] =	vst v4  }
0x50: {  	s15 =	sor.u32 $0x30, s10;
	s1 =	sor.u32 s2, s1;
	v3 =	vsel vm15, $0x3F800000, v0;
	[tilespmem:s3+$0x2020] =	vst v2  }
0x51: {  	s12 =	sor.u32 s15, s1;
	[tilespmem:s3+$0x4020] =	vst v3  }
0x52: {  	s18 =	simm.s32 $0x0;
	s13 =	sor.u32 $0x10, s10;
	s11 =	sor.u32 s10, s1;
	v1 =	vld [tilespmem:s12+$0x2000]  }
0x53: {  	s16 =	sor.u32 $0x20, s10;
	s17 =	sshll.u32 s5, $0x7;
	s14 =	sor.u32 s13, s1;
	v2 =	vld [tilespmem:s11+$0x2000]  }
0x54: {  	s19 =	simm.s32 $0x40;
	s17 =	sadd.s32 $0xC080, s17;
	s2 =	sor.u32 s16, s1;
	v3 =	vld [tilespmem:s14+$0x2000]  }
0x55: {  	s8 =	sand.u32 $0x1, s18;
	s5 =	simm.s32 $0x40;
	s21 =	sor.u32 s15, s17;
	v5 =	vld [tilespmem:s2+$0x2000]  }
0x56: {  	s22 =	sshll.u32 s8, $0xA;
	s1 =	sand.u32 $0x1800, s19;
	s19 =	simm.s32 $0x20;
	v9 =	vld [tilespmem:s21+$0x0]  }
0x57: {  	s10 =	sor.u32 s10, s17;
	s1 =	sor.u32 s22, s1;
	s23 =	sand.u32 $0x380, s19;
	v10 =	vld [tilespmem:s12+$0x4000];
	v4 =	vmul.u32 $0x3, v1  }
0x58: {  	s13 =	sor.u32 s13, s17;
	s29 =	sor.u32 s23, s1;
	s3 =	sand.u32 $0x40, s5;
	v11 =	vld [tilespmem:s10+$0x0];
	v6 =	vmul.u32 $0x3, v2  }
0x59: {  	s9 =	sor.u32 $0x30, s3;
	s1 =	sor.u32 s3, s29;
	v12 =	vld [tilespmem:s13+$0x0]  }
0x5a: {  	s19 =	sor.u32 $0x10, s3;
	s31 =	sor.u32 s9, s29;
	v15 =	vld [tilespmem:s1+$0x2000]  }
0x5b: {  	s25 =	sor.u32 s19, s29;
	v13 =	vld [tilespmem:s31+$0x2000]  }
0x5c: {  	v16 =	vld [tilespmem:s25+$0x2000]  }
0x5d: {  	s21 =	sor.u32 $0x20, s3;
	v7 =	vmul.u32 $0x3, v3;
	v8 =	vld.idx.msk [tilespmem:v4+s26+$0x0], $0xffff  }
0x5e: {  	s29 =	sor.u32 s21, s29;
	v4 =	vld.idx.msk [tilespmem:v6+s26+$0x0], $0xffff;
	v6 =	vmul.u32 $0x3, v5  }
0x5f: {  	v17 =	vld [tilespmem:s29+$0x2000]  }
0x60: {  	v2 =	vld [tilespmem:s11+$0x4000]  }
0x61: {  	v3 =	vld [tilespmem:s14+$0x4000]  }
0x62: {  	v1 =	vld [tilespmem:s2+$0x4000];
	v8 =	vsub.f32 v8, v9  }
0x63: {  	v14 =	vmul.u32 $0x3, v13;
	v5 =	vld.idx.msk [tilespmem:v7+s26+$0x0], $0xffff  }
0x64: {  	s24 =	sor.u32 s16, s17;
	v7 =	vld.idx.msk [tilespmem:v6+s26+$0x0], $0xffff;
	v6 =	vmul.f32 v10, v8  }
0x65: {  	v13 =	vmul.u32 $0x3, v15;
	v10 =	vld [tilespmem:s24+$0x0]  }
0x66: {  	s10 =	simm.s32 $0x4;
	v9 =	vmul.u32 $0x3, v16;
	v8 =	vld [tilespmem:s1+$0x4000];
	[tilespmem:s12+$0x14580] =	vst v6;
	v6 =	vmul.u32 $0x3, v17  }
.LBB2_4:
0x67: {  	s10 =	sadd.s32 $0x4, s10;
	s8 =	sshll.u32 s8, $0x7;
	v15 =	vld [tilespmem:s25+$0x4000]  }
0x68: {  	s5 =	sadd.s32 $0x40, s5;
	s12 =	sshrl.u32 s10, $0x3;
	s13 =	sadd.s32 $0xC080, s8;
	v16 =	vld [tilespmem:s29+$0x4000];
	v4 =	vsub.f32 v4, v11  }
0x69: {  	s8 =	sand.u32 $0x1, s12;
	s12 =	sshll.u32 s10, $0x4;
	v11 =	vld.idx.msk [tilespmem:v14+s26+$0x0], $0xffff;
	s9 =	sor.u32 s9, s13;
	v5 =	vsub.f32 v5, v12  }
0x6a: {  	s17 =	sshll.u32 s10, $0x3;
	s12 =	sand.u32 $0x1800, s12;
	s16 =	sshll.u32 s8, $0xA;
	v12 =	vld [tilespmem:s9+$0x0];
	v14 =	vmul.f32 v2, v4;
	v7 =	vsub.f32 v7, v10  }
0x6b: {  	s18 =	sand.u32 $0x40, s5;
	s9 =	sor.u32 s16, s12;
	s12 =	sand.u32 $0x380, s17;
	v4 =	vld.idx.msk [tilespmem:v13+s26+$0x0], $0xffff;
	v10 =	vmul.f32 v3, v5;
	v2 =	vmov v8  }
0x6c: {  	s16 =	sor.u32 $0x10, s18;
	s12 =	sor.u32 s12, s9;
	s9 =	sor.u32 $0x30, s18;
	v8 =	vld [tilespmem:s31+$0x4000];
	[tilespmem:s11+$0x14580] =	vst v14;
	v7 =	vmul.f32 v1, v7;
	v3 =	vmov v15  }
0x6d: {  	s22 =	sor.u32 $0x20, s18;
	s17 =	sor.u32 s18, s12;
	s23 =	sor.u32 s9, s12;
	v5 =	vld.idx.msk [tilespmem:v9+s26+$0x0], $0xffff;
	[tilespmem:s14+$0x14580] =	vst v10;
	v1 =	vmov v16  }
0x6e: {  	s6 =	sor.u32 s3, s13;
	s24 =	sor.u32 s16, s12;
	s12 =	sor.u32 s22, s12;
	v9 =	vld [tilespmem:s23+$0x2000];
	[tilespmem:s2+$0x14580] =	vst v7  }
0x6f: {  	p0 =	slt.u32 s10, $0x1FC;
	s15 =	sor.u32 s19, s13;
	s13 =	sor.u32 s21, s13;
	v10 =	vld [tilespmem:s17+$0x2000];
	v7 =	vsub.f32 v11, v12  }
0x70: {  	s3 =	smov.u32 s18;
	s19 =	smov.u32 s16;
	s11 =	smov.u32 s1;
	v15 =	vld [tilespmem:s24+$0x2000]  }
0x71: {  	s21 =	smov.u32 s22;
	s14 =	smov.u32 s25;
	s1 =	smov.u32 s17;
	v16 =	vld [tilespmem:s12+$0x2000];
	v8 =	vmul.f32 v8, v7  }
.Ltmp1:
0x72: {  	s25 =	smov.u32 s24;
	s2 =	smov.u32 s29;
	v7 =	vld.idx.msk [tilespmem:v6+s26+$0x0], $0xffff;
	(pc) =	sbr.rel @p0 .LBB2_4-.Ltmp1, $4  }
0x73: {  	s29 =	smov.u32 s12;
	v14 =	vmul.u32 $0x3, v9;
	v11 =	vld [tilespmem:s6+$0x0];
	[tilespmem:s31+$0x14580] =	vst v8;
	s31 =	smov.u32 s23  }
0x74: {  	v13 =	vmul.u32 $0x3, v10;
	v12 =	vld [tilespmem:s15+$0x0]  }
0x75: {  	v9 =	vmul.u32 $0x3, v15;
	v10 =	vld [tilespmem:s13+$0x0]  }
0x76: {  	v8 =	vld [tilespmem:s1+$0x4000];
	v6 =	vmul.u32 $0x3, v16  }
0x77: {  	_ =	sdelay $0x3  }
0x78: {  	v14 =	vld.idx.msk [tilespmem:v14+s26+$0x0], $0xffff  }
0x79: {  	v13 =	vld.idx.msk [tilespmem:v13+s26+$0x0], $0xffff  }
0x7a: {  	s5 =	sshll.u32 s8, $0x7;
	v16 =	vld [tilespmem:s31+$0x4000]  }
0x7b: {  	v9 =	vld.idx.msk [tilespmem:v9+s26+$0x0], $0xffff;
	s5 =	sadd.s32 $0xC080, s5  }
0x7c: {  	v6 =	vld.idx.msk [tilespmem:v6+s26+$0x0], $0xffff;
	s6 =	sor.u32 s9, s5  }
0x7d: {  	s3 =	sor.u32 s3, s5;
	v15 =	vld [tilespmem:s6+$0x0]  }
0x7e: {  	s9 =	sor.u32 s19, s5;
	v17 =	vld [tilespmem:s3+$0x0]  }
0x7f: {  	v4 =	vsub.f32 v4, v11;
	s10 =	sor.u32 s21, s5;
	v11 =	vld [tilespmem:s9+$0x0]  }
0x80: {  	v5 =	vsub.f32 v5, v12;
	v12 =	vld [tilespmem:s10+$0x0]  }
0x81: {  	v2 =	vmul.f32 v2, v4;
	v4 =	vsub.f32 v7, v10;
	v7 =	vld [tilespmem:s25+$0x4000]  }
0x82: {  	v3 =	vmul.f32 v3, v5;
	v5 =	vld [tilespmem:s29+$0x4000];
	v10 =	vsub.f32 v14, v15  }
0x83: {  	[tilespmem:s11+$0x14580] =	vst v2;
	v1 =	vmul.f32 v1, v4;
	v2 =	vsub.f32 v13, v17  }
0x84: {  	[tilespmem:s14+$0x14580] =	vst v3;
	v4 =	vsub.f32 v9, v11;
	v3 =	vmul.f32 v16, v10  }
0x85: {  	[tilespmem:s2+$0x14580] =	vst v1;
	v1 =	vmul.f32 v8, v2;
	v2 =	vsub.f32 v6, v12  }
0x86: {  	[tilespmem:s31+$0x14580] =	vst v3;
	v3 =	vmul.f32 v7, v4  }
0x87: {  	s17 =	simm.s32 $0x800;
	[tilespmem:s1+$0x14580] =	vst v1;
	v1 =	vmul.f32 v5, v2  }
0x88: {  	s18 =	simm.s32 $0x4000;
	s12 =	simm.s32 $0x0;
	s15 =	simm.s32 $0x0;
	[tilespmem:s25+$0x14580] =	vst v3  }
0x89: {  	s19 =	simm.s32 $0x9;
	s11 =	simm.s32 $0x0;
	s14 =	simm.s32 $0x14580;
	[tilespmem:s29+$0x14580] =	vst v1  }
0x8a: {  	s13 =	sand.u32 $0x400, s11;
	s2 =	sand.u32 $0x1800, s12;
	s1 =	rddreg [dreg:$0xa]  }
0x8b: {  	[hbm4b:s1+s17] =	stream.strided.scatter [tilespmem:s14], [sflag:$0x9], $0x2000, s18, s17, $0x38;
	[tilespmem:$0x1E780] =	vst v63  }
0x8c: {  	s16 =	sand.u32 $0x380, s15;
	s2 =	sor.u32 s13, s2;
	_ =	swait.ge [sflag:s19], $0x2000  }
0x8d: {  	s21 =	sand.u32 $0x40, s11;
	s2 =	sor.u32 s16, s2;
	[sflag:s19] =	ssyncset.done $0x0  }
0x8e: {  	s2 =	sor.u32 s21, s2;
	[sflag:s19] =	ssyncadd.s32 $0xFFFFE000  }
0x8f: {  	v2 =	vld [tilespmem:s2+$0x2000]  }
0x90: {  	v1 =	vld [tilespmem:s2+$0x2030];
	_ =	sdelay $0x1  }
0x91: {  	s22 =	simm.s32 $0x40;
	s3 =	simm.s32 $0x200  }
0x92: {  	s24 =	sand.u32 $0x1800, s22;
	s25 =	sand.u32 $0x400, s3;
	s29 =	simm.s32 $0x20;
	v4 =	vld [tilespmem:s2+$0x2010]  }
0x93: {  	s5 =	simm.s32 $0x40;
	s8 =	sand.u32 $0x380, s29;
	s1 =	sor.u32 s25, s24;
	v6 =	vld [tilespmem:s2+$0x2020];
	v2 =	vmul.u32 $0x3, v2  }
0x94: {  	s23 =	sand.u32 $0xC0, s11;
	s31 =	sand.u32 $0x40, s5;
	s1 =	sor.u32 s8, s1;
	v3 =	vld [tilespmem:s2+$0x4000];
	v1 =	vmul.u32 $0x3, v1  }
0x95: {  	s1 =	sor.u32 s31, s1;
	v9 =	vld [tilespmem:s23+$0xC1B0];
	v7 =	vadd.s32 $0x1, v2  }
0x96: {  	v11 =	vld [tilespmem:s1+$0x2030];
	v5 =	vadd.s32 $0x1, v1  }
0x97: {  	v12 =	vld [tilespmem:s1+$0x2000]  }
0x98: {  	v13 =	vld [tilespmem:s1+$0x2010];
	v8 =	vmul.u32 $0x3, v4  }
0x99: {  	v14 =	vld [tilespmem:s1+$0x2020];
	v6 =	vmul.u32 $0x3, v6  }
0x9a: {  	v4 =	vld.idx.msk [tilespmem:v7+s26+$0x0], $0xffff;
	v7 =	vadd.s32 $0x1, v8  }
0x9b: {  	v10 =	vadd.s32 $0x1, v6;
	v5 =	vld.idx.msk [tilespmem:v5+s26+$0x0], $0xffff  }
0x9c: {  	v2 =	vld [tilespmem:s2+$0x4010]  }
0x9d: {  	v8 =	vld [tilespmem:s2+$0x4030]  }
0x9e: {  	v1 =	vld [tilespmem:s2+$0x4020]  }
0x9f: {  	v6 =	vld.idx.msk [tilespmem:v7+s26+$0x0], $0xffff  }
0xa0: {  	v7 =	vsub.f32 v5, v9;
	v5 =	vld.idx.msk [tilespmem:v10+s26+$0x0], $0xffff;
	v9 =	vmul.u32 $0x3, v11  }
0xa1: {  	v15 =	vmul.u32 $0x3, v13;
	v10 =	vld [tilespmem:s23+$0xC180]  }
0xa2: {  	v11 =	vld [tilespmem:s23+$0xC190];
	v7 =	vmul.f32 v8, v7;
	v8 =	vmul.u32 $0x3, v12;
	v13 =	vadd.s32 $0x1, v9  }
0xa3: {  	v14 =	vmul.u32 $0x3, v14;
	v9 =	vld [tilespmem:s23+$0xC1A0]  }
0xa4: {  	s8 =	simm.s32 $0x4;
	[tilespmem:s2+$0x145B0] =	vst v7;
	v12 =	vadd.s32 $0x1, v8;
	v7 =	vld [tilespmem:s1+$0x4000];
	v8 =	vadd.s32 $0x1, v15  }
.LBB2_6:
0xa5: {  	s8 =	sadd.s32 $0x4, s8;
	v15 =	vld [tilespmem:s1+$0x4010];
	v14 =	vadd.s32 $0x1, v14  }
0xa6: {  	s9 =	sand.u32 $0xC0, s5;
	s3 =	sadd.s32 $0x200, s3;
	s6 =	sshll.u32 s8, $0x4;
	v16 =	vld [tilespmem:s1+$0x4020];
	v4 =	vsub.f32 v4, v10  }
0xa7: {  	s10 =	sand.u32 $0x400, s3;
	s11 =	sshll.u32 s8, $0x3;
	s6 =	sand.u32 $0x1800, s6;
	v10 =	vld.idx.msk [tilespmem:v13+s26+$0x0], $0xffff;
	v6 =	vsub.f32 v6, v11  }
0xa8: {  	s5 =	sadd.s32 $0x40, s5;
	s6 =	sor.u32 s10, s6;
	s10 =	sand.u32 $0x380, s11;
	v11 =	vld [tilespmem:s9+$0xC1B0];
	v13 =	vmul.f32 v3, v4;
	v5 =	vsub.f32 v5, v9  }
0xa9: {  	p0 =	slt.u32 s8, $0x1FC;
	s11 =	sand.u32 $0x40, s5;
	s6 =	sor.u32 s10, s6;
	v4 =	vld.idx.msk [tilespmem:v12+s26+$0x0], $0xffff;
	v6 =	vmul.f32 v2, v6;
	v3 =	vmov v7  }
0xaa: {  	s6 =	sor.u32 s11, s6;
	v7 =	vld [tilespmem:s1+$0x4030];
	[tilespmem:s2+$0x14580] =	vst v13;
	v5 =	vmul.f32 v1, v5;
	v2 =	vmov v15  }
0xab: {  	v9 =	vld [tilespmem:s6+$0x2030];
	[tilespmem:s2+$0x14590] =	vst v6;
	v1 =	vmov v16  }
0xac: {  	v12 =	vld [tilespmem:s6+$0x2000];
	[tilespmem:s2+$0x145A0] =	vst v5;
	s2 =	smov.u32 s1;
	s1 =	smov.u32 s6  }
0xad: {  	v13 =	vld [tilespmem:s1+$0x2010];
	v5 =	vsub.f32 v10, v11  }
0xae: {  	v15 =	vld [tilespmem:s1+$0x2020]  }
0xaf: {  	v6 =	vld.idx.msk [tilespmem:v8+s26+$0x0], $0xffff;
	v7 =	vmul.f32 v7, v5  }
.Ltmp2:
0xb0: {  	v8 =	vmul.u32 $0x3, v9;
	v5 =	vld.idx.msk [tilespmem:v14+s26+$0x0], $0xffff;
	(pc) =	sbr.rel @p0 .LBB2_6-.Ltmp2, $4  }
0xb1: {  	v9 =	vmul.u32 $0x3, v12;
	v10 =	vld [tilespmem:s9+$0xC180];
	[tilespmem:s2+$0x145B0] =	vst v7  }
0xb2: {  	v16 =	vmul.u32 $0x3, v13;
	v13 =	vadd.s32 $0x1, v8;
	v11 =	vld [tilespmem:s9+$0xC190]  }
0xb3: {  	v12 =	vadd.s32 $0x1, v9;
	v14 =	vmul.u32 $0x3, v15;
	v9 =	vld [tilespmem:s9+$0xC1A0]  }
0xb4: {  	v7 =	vld [tilespmem:s1+$0x4000];
	v8 =	vadd.s32 $0x1, v16  }
0xb5: {  	_ =	sdelay $0x3  }
0xb6: {  	v13 =	vld.idx.msk [tilespmem:v13+s26+$0x0], $0xffff  }
0xb7: {  	v12 =	vld.idx.msk [tilespmem:v12+s26+$0x0], $0xffff  }
0xb8: {  	v16 =	vld [tilespmem:s1+$0x4030]  }
0xb9: {  	v14 =	vadd.s32 $0x1, v14;
	s3 =	sand.u32 $0xC0, s5;
	v8 =	vld.idx.msk [tilespmem:v8+s26+$0x0], $0xffff  }
0xba: {  	v15 =	vld [tilespmem:s3+$0xC1B0]  }
0xbb: {  	v17 =	vld [tilespmem:s3+$0xC180]  }
0xbc: {  	v4 =	vsub.f32 v4, v10;
	v10 =	vld [tilespmem:s3+$0xC190]  }
0xbd: {  	v6 =	vsub.f32 v6, v11;
	v11 =	vld [tilespmem:s3+$0xC1A0]  }
0xbe: {  	v14 =	vld.idx.msk [tilespmem:v14+s26+$0x0], $0xffff  }
0xbf: {  	v3 =	vmul.f32 v3, v4;
	v4 =	vsub.f32 v5, v9;
	v5 =	vld [tilespmem:s1+$0x4010]  }
0xc0: {  	v2 =	vmul.f32 v2, v6;
	v6 =	vld [tilespmem:s1+$0x4020];
	v9 =	vsub.f32 v13, v15  }
0xc1: {  	[tilespmem:s2+$0x14580] =	vst v3;
	v1 =	vmul.f32 v1, v4;
	v3 =	vsub.f32 v12, v17  }
0xc2: {  	[tilespmem:s2+$0x14590] =	vst v2;
	v4 =	vsub.f32 v8, v10;
	v2 =	vmul.f32 v16, v9  }
0xc3: {  	[tilespmem:s2+$0x145A0] =	vst v1;
	v1 =	vmul.f32 v7, v3;
	v3 =	vsub.f32 v14, v11  }
0xc4: {  	[tilespmem:s1+$0x145B0] =	vst v2;
	v2 =	vmul.f32 v5, v4  }
0xc5: {  	[tilespmem:s1+$0x14580] =	vst v1;
	v1 =	vmul.f32 v6, v3  }
0xc6: {  	[tilespmem:s1+$0x14590] =	vst v2  }
0xc7: {  	s13 =	simm.s32 $0x0;
	s15 =	simm.s32 $0x0;
	s21 =	simm.s32 $0x0;
	[tilespmem:s1+$0x145A0] =	vst v1  }
0xc8: {  	s16 =	sand.u32 $0x400, s13;
	s2 =	sand.u32 $0x1800, s15;
	s1 =	rddreg [dreg:$0xb]  }
0xc9: {  	[hbm4b:s1+s17] =	stream.strided.scatter [tilespmem:s14], [sflag:$0x9], $0x2000, s18, s17, $0x38;
	[tilespmem:$0x1E780] =	vst v63  }
0xca: {  	s22 =	sand.u32 $0x380, s21;
	s2 =	sor.u32 s16, s2;
	_ =	swait.ge [sflag:s19], $0x2000  }
0xcb: {  	s23 =	sand.u32 $0x40, s13;
	s2 =	sor.u32 s22, s2;
	[sflag:s19] =	ssyncset.done $0x0  }
0xcc: {  	s2 =	sor.u32 s23, s2;
	[sflag:s19] =	ssyncadd.s32 $0xFFFFE000  }
0xcd: {  	v1 =	vld [tilespmem:s2+$0x2030]  }
0xce: {  	v2 =	vld [tilespmem:s2+$0x2000];
	_ =	sdelay $0x3  }
0xcf: {  	v1 =	vmul.u32 $0x3, v1  }
0xd0: {  	v4 =	vld [tilespmem:s2+$0x2010];
	v2 =	vmul.u32 $0x3, v2  }
0xd1: {  	v5 =	vadd.s32 $0x2, v1  }
0xd2: {  	v7 =	vadd.s32 $0x2, v2  }
0xd3: {  	s24 =	simm.s32 $0x40;
	s8 =	simm.s32 $0x20;
	s3 =	simm.s32 $0x200;
	v6 =	vld [tilespmem:s2+$0x2020]  }
0xd4: {  	s6 =	sand.u32 $0xC0, s13;
	s25 =	sand.u32 $0x1800, s24;
	s31 =	sand.u32 $0x400, s3;
	v3 =	vld [tilespmem:s2+$0x4000]  }
0xd5: {  	s5 =	simm.s32 $0x40;
	s8 =	sand.u32 $0x380, s8;
	s1 =	sor.u32 s31, s25;
	v9 =	vld [tilespmem:s6+$0xC2B0];
	v8 =	vmul.u32 $0x3, v4  }
0xd6: {  	s9 =	sand.u32 $0x40, s5;
	s1 =	sor.u32 s8, s1;
	v5 =	vld.idx.msk [tilespmem:v5+s26+$0x0], $0xffff  }
0xd7: {  	s1 =	sor.u32 s9, s1;
	v4 =	vld.idx.msk [tilespmem:v7+s26+$0x0], $0xffff;
	v7 =	vadd.s32 $0x2, v8  }
0xd8: {  	v11 =	vld [tilespmem:s1+$0x2030]  }
0xd9: {  	v6 =	vmul.u32 $0x3, v6;
	v8 =	vld [tilespmem:s2+$0x4030]  }
0xda: {  	v12 =	vld [tilespmem:s1+$0x2000]  }
0xdb: {  	v13 =	vld [tilespmem:s1+$0x2010];
	v10 =	vadd.s32 $0x2, v6  }
0xdc: {  	v6 =	vld.idx.msk [tilespmem:v7+s26+$0x0], $0xffff;
	v7 =	vsub.f32 v5, v9  }
0xdd: {  	v14 =	vld [tilespmem:s1+$0x2020]  }
0xde: {  	v2 =	vld [tilespmem:s2+$0x4010];
	v7 =	vmul.f32 v8, v7  }
0xdf: {  	v1 =	vld [tilespmem:s2+$0x4020]  }
0xe0: {  	v5 =	vld.idx.msk [tilespmem:v10+s26+$0x0], $0xffff;
	v9 =	vmul.u32 $0x3, v11;
	[tilespmem:s2+$0x145B0] =	vst v7  }
0xe1: {  	s29 =	simm.s32 $0x5;
	v10 =	vld [tilespmem:s6+$0xC280];
	s12 =	rddreg [dreg:$0x5]  }
0xe2: {  	s21 =	simm.s32 $0x16580;
	s24 =	simm.s32 $0x1C580;
	v15 =	vmul.u32 $0x3, v13;
	v11 =	vld [tilespmem:s6+$0xC290];
	v8 =	vmul.u32 $0x3, v12;
	v13 =	vadd.s32 $0x2, v9;
	s13 =	rddreg [dreg:$0xe]  }
0xe3: {  	s22 =	simm.s32 $0x18580;
	s23 =	simm.s32 $0x1A580;
	v14 =	vmul.u32 $0x3, v14;
	v9 =	vld [tilespmem:s6+$0xC2A0];
	s15 =	rddreg [dreg:$0x12]  }
0xe4: {  	s25 =	simm.s32 $0x1;
	s8 =	simm.s32 $0x4;
	v12 =	vadd.s32 $0x2, v8;
	v7 =	vld [tilespmem:s1+$0x4000];
	v8 =	vadd.s32 $0x2, v15;
	s16 =	rddreg [dreg:$0x13]  }
.LBB2_8:
0xe5: {  	s8 =	sadd.s32 $0x4, s8;
	v15 =	vld [tilespmem:s1+$0x4010];
	v14 =	vadd.s32 $0x2, v14  }
0xe6: {  	s9 =	sand.u32 $0xC0, s5;
	s3 =	sadd.s32 $0x200, s3;
	s6 =	sshll.u32 s8, $0x4;
	v16 =	vld [tilespmem:s1+$0x4020];
	v4 =	vsub.f32 v4, v10  }
0xe7: {  	s10 =	sand.u32 $0x400, s3;
	s11 =	sshll.u32 s8, $0x3;
	s6 =	sand.u32 $0x1800, s6;
	v10 =	vld.idx.msk [tilespmem:v13+s26+$0x0], $0xffff;
	v6 =	vsub.f32 v6, v11  }
0xe8: {  	s5 =	sadd.s32 $0x40, s5;
	s6 =	sor.u32 s10, s6;
	s10 =	sand.u32 $0x380, s11;
	v11 =	vld [tilespmem:s9+$0xC2B0];
	v13 =	vmul.f32 v3, v4;
	v5 =	vsub.f32 v5, v9  }
0xe9: {  	p0 =	slt.u32 s8, $0x1FC;
	s11 =	sand.u32 $0x40, s5;
	s6 =	sor.u32 s10, s6;
	v4 =	vld.idx.msk [tilespmem:v12+s26+$0x0], $0xffff;
	v6 =	vmul.f32 v2, v6;
	v3 =	vmov v7  }
0xea: {  	s6 =	sor.u32 s11, s6;
	v7 =	vld [tilespmem:s1+$0x4030];
	[tilespmem:s2+$0x14580] =	vst v13;
	v5 =	vmul.f32 v1, v5;
	v2 =	vmov v15  }
0xeb: {  	v9 =	vld [tilespmem:s6+$0x2030];
	[tilespmem:s2+$0x14590] =	vst v6;
	v1 =	vmov v16  }
0xec: {  	v12 =	vld [tilespmem:s6+$0x2000];
	[tilespmem:s2+$0x145A0] =	vst v5;
	s2 =	smov.u32 s1;
	s1 =	smov.u32 s6  }
0xed: {  	v13 =	vld [tilespmem:s1+$0x2010];
	v5 =	vsub.f32 v10, v11  }
0xee: {  	v15 =	vld [tilespmem:s1+$0x2020]  }
0xef: {  	v6 =	vld.idx.msk [tilespmem:v8+s26+$0x0], $0xffff;
	v7 =	vmul.f32 v7, v5  }
.Ltmp3:
0xf0: {  	v8 =	vmul.u32 $0x3, v9;
	v5 =	vld.idx.msk [tilespmem:v14+s26+$0x0], $0xffff;
	(pc) =	sbr.rel @p0 .LBB2_8-.Ltmp3, $4  }
0xf1: {  	v9 =	vmul.u32 $0x3, v12;
	v10 =	vld [tilespmem:s9+$0xC280];
	[tilespmem:s2+$0x145B0] =	vst v7  }
0xf2: {  	v16 =	vmul.u32 $0x3, v13;
	v13 =	vadd.s32 $0x2, v8;
	v11 =	vld [tilespmem:s9+$0xC290]  }
0xf3: {  	v12 =	vadd.s32 $0x2, v9;
	v14 =	vmul.u32 $0x3, v15;
	v9 =	vld [tilespmem:s9+$0xC2A0]  }
0xf4: {  	v7 =	vld [tilespmem:s1+$0x4000];
	v8 =	vadd.s32 $0x2, v16  }
0xf5: {  	_ =	sdelay $0x3  }
0xf6: {  	v13 =	vld.idx.msk [tilespmem:v13+s26+$0x0], $0xffff  }
0xf7: {  	v12 =	vld.idx.msk [tilespmem:v12+s26+$0x0], $0xffff  }
0xf8: {  	v16 =	vld [tilespmem:s1+$0x4030]  }
0xf9: {  	v14 =	vadd.s32 $0x2, v14;
	s3 =	sand.u32 $0xC0, s5;
	v8 =	vld.idx.msk [tilespmem:v8+s26+$0x0], $0xffff  }
0xfa: {  	v15 =	vld [tilespmem:s3+$0xC2B0]  }
0xfb: {  	v17 =	vld [tilespmem:s3+$0xC280]  }
0xfc: {  	v57 =	vld [tilespmem:s3+$0xC290]  }
0xfd: {  	v4 =	vsub.f32 v4, v10;
	v58 =	vld [tilespmem:s3+$0xC2A0]  }
0xfe: {  	v6 =	vsub.f32 v6, v11;
	v14 =	vld.idx.msk [tilespmem:v14+s26+$0x0], $0xffff  }
0xff: {  	v60 =	vld [tilespmem:s1+$0x4010];
	v3 =	vmul.f32 v3, v4;
	v59 =	vsub.f32 v5, v9  }
0x100: {  	v61 =	vld [tilespmem:s1+$0x4020];
	v2 =	vmul.f32 v2, v6;
	v62 =	vsub.f32 v13, v15  }
0x101: {  	[tilespmem:s2+$0x14580] =	vst v3;
	v1 =	vmul.f32 v1, v59;
	v3 =	vsub.f32 v12, v17  }
0x102: {  	[tilespmem:s2+$0x14590] =	vst v2;
	v63 =	vsub.f32 v8, v57;
	v2 =	vmul.f32 v16, v62  }
0x103: {  	[tilespmem:s2+$0x145A0] =	vst v1;
	v1 =	vmul.f32 v7, v3;
	v3 =	vsub.f32 v14, v58  }
0x104: {  	[tilespmem:s1+$0x145B0] =	vst v2;
	v2 =	vmul.f32 v60, v63  }
0x105: {  	[tilespmem:s1+$0x14580] =	vst v1;
	v1 =	vmul.f32 v61, v3  }
0x106: {  	[tilespmem:s1+$0x14590] =	vst v2  }
0x107: {  	[tilespmem:s1+$0x145A0] =	vst v1  }
0x108: {  	s1 =	rddreg [dreg:$0xc]  }
0x109: {  	[hbm4b:s1+s17] =	stream.strided.scatter [tilespmem:s14], [sflag:$0x9], $0x2000, s18, s17, $0x38;
	[tilespmem:$0x1E780] =	vst v63  }
0x10a: {  	_ =	swait.ge [sflag:s19], $0x2000  }
0x10b: {  	[sflag:s19] =	ssyncset.done $0x0  }
0x10c: {  	s14 =	simm.s32 $0x0;
	s6 =	rddreg [dreg:$0xd];
	[sflag:s19] =	ssyncadd.s32 $0xFFFFE000  }
0x10d: {  	[tilespmem:s0], [sflag:$0x1] =	stream.linear.gather [hbm4b:s6+s14], $0x2000, $0x38;
	[tilespmem:$0x1E780] =	vst v63  }
0x10e: {  	s8 =	rddreg [dreg:$0x2];
	[tilespmem:$0xE380] =	vst v0  }
0x10f: {  	[spmem:s8] =	stream.linear.scatter [tilespmem:s21], [sflag:$0x5], $0x2000, $0x38;
	[tilespmem:$0x1E780] =	vst v63  }
0x110: {  	s9 =	rddreg [dreg:$0xf]  }
0x111: {  	[tilespmem:s28], [sflag:$0x2] =	stream.linear.gather [hbm4b:s9+s14], $0x2000, $0x38;
	[tilespmem:$0x1E780] =	vst v63  }
0x112: {  	[tilespmem:$0x10400] =	vst v0  }
0x113: {  	[spmem:s8] =	stream.linear.scatter [tilespmem:s22], [sflag:$0x6], $0x2000, $0x38;
	[tilespmem:$0x1E780] =	vst v63  }
0x114: {  	s10 =	rddreg [dreg:$0x10]  }
0x115: {  	[tilespmem:s30], [sflag:$0x3] =	stream.linear.gather [hbm4b:s10+s14], $0x2000, $0x38;
	[tilespmem:$0x1E780] =	vst v63  }
0x116: {  	[tilespmem:$0x12480] =	vst v0  }
0x117: {  	[spmem:s8] =	stream.linear.scatter [tilespmem:s23], [sflag:$0x7], $0x2000, $0x38;
	[tilespmem:$0x1E780] =	vst v63  }
0x118: {  	s11 =	rddreg [dreg:$0x11]  }
0x119: {  	[tilespmem:s7], [sflag:$0x4] =	stream.linear.gather [hbm4b:s11+s14], $0x2000, $0x38;
	[tilespmem:$0x1E780] =	vst v63  }
0x11a: {  	s31 =	simm.s32 $0x0;
	s11 =	simm.s32 $0x0;
	[tilespmem:$0x14500] =	vst v0  }
0x11b: {  	[spmem:s8] =	stream.linear.scatter [tilespmem:s24], [sflag:$0x8], $0x2000, $0x38;
	[tilespmem:$0x1E780] =	vst v63  }
.LBB2_10:
0x11c: {  	_ =	swait.ge [sflag:s25], $0x2000  }
0x11d: {  	[sflag:s25] =	ssyncset.done $0x0  }
0x11e: {  	s1 =	simm.s32 $0x0;
	s2 =	sand.u32 $0x400, s14;
	[sflag:s25] =	ssyncadd.s32 $0xFFFFE000  }
0x11f: {  	s3 =	simm.s32 $0x0;
	s1 =	sand.u32 $0x1800, s1;
	_ =	swait.ge [sflag:s29], $0x2000  }
0x120: {  	s10 =	sand.u32 $0x380, s3;
	s1 =	sor.u32 s2, s1;
	[sflag:s29] =	ssyncset.done $0x0  }
0x121: {  	s1 =	sor.u32 s10, s1;
	[sflag:s29] =	ssyncadd.s32 $0xFFFFE000  }
0x122: {  	v4 =	vld [tilespmem:s1+$0x2070]  }
0x123: {  	v6 =	vld [tilespmem:s1+$0x2000]  }
0x124: {  	v9 =	vld [tilespmem:s1+$0x2010]  }
0x125: {  	v7 =	vld [tilespmem:s1+$0x2020]  }
0x126: {  	v5 =	vld [tilespmem:s1+$0x2030]  }
0x127: {  	v3 =	vld [tilespmem:s1+$0x2040]  }
0x128: {  	v2 =	vld [tilespmem:s1+$0x2050]  }
0x129: {  	v1 =	vld [tilespmem:s1+$0x2060]  }
0x12a: {  	v8 =	vld.idx.msk [tilespmem:v4+s0+$0x0], $0xffff  }
0x12b: {  	v6 =	vld.idx.msk [tilespmem:v6+s0+$0x0], $0xffff  }
0x12c: {  	s3 =	simm.s32 $0x0;
	s2 =	simm.s32 $0x0;
	v4 =	vld.idx.msk [tilespmem:v9+s0+$0x0], $0xffff  }
.LBB2_11:
0x12d: {  	s2 =	sadd.s32 $0x8, s2;
	v7 =	vld.idx.msk [tilespmem:v7+s0+$0x0], $0xffff  }
0x12e: {  	s3 =	sadd.s32 $0x400, s3;
	s5 =	sshll.u32 s2, $0x4;
	p0 =	slt.u32 s2, $0x1F8;
	v5 =	vld.idx.msk [tilespmem:v5+s0+$0x0], $0xffff  }
0x12f: {  	s6 =	sand.u32 $0x400, s3;
	s8 =	sshll.u32 s2, $0x3;
	s5 =	sand.u32 $0x1800, s5;
	v3 =	vld.idx.msk [tilespmem:v3+s0+$0x0], $0xffff  }
0x130: {  	s5 =	sor.u32 s6, s5;
	s6 =	sand.u32 $0x380, s8;
	v2 =	vld.idx.msk [tilespmem:v2+s0+$0x0], $0xffff;
	[tilespmem:s1+$0x165F0] =	vst v8  }
0x131: {  	s5 =	sor.u32 s6, s5;
	[tilespmem:s1+$0x16580] =	vst v6;
	v1 =	vld.idx.msk [tilespmem:v1+s0+$0x0], $0xffff  }
0x132: {  	v6 =	vld [tilespmem:s5+$0x2070];
	[tilespmem:s1+$0x16590] =	vst v4  }
0x133: {  	v4 =	vld [tilespmem:s5+$0x2000];
	[tilespmem:s1+$0x165A0] =	vst v7  }
0x134: {  	v9 =	vld [tilespmem:s5+$0x2010];
	[tilespmem:s1+$0x165B0] =	vst v5  }
0x135: {  	v7 =	vld [tilespmem:s5+$0x2020];
	[tilespmem:s1+$0x165C0] =	vst v3  }
0x136: {  	v5 =	vld [tilespmem:s5+$0x2030];
	[tilespmem:s1+$0x165D0] =	vst v2  }
0x137: {  	v3 =	vld [tilespmem:s5+$0x2040];
	[tilespmem:s1+$0x165E0] =	vst v1;
	s1 =	smov.u32 s5  }
.Ltmp4:
0x138: {  	v2 =	vld [tilespmem:s1+$0x2050];
	(pc) =	sbr.rel @p0 .LBB2_11-.Ltmp4, $4  }
0x139: {  	v1 =	vld [tilespmem:s1+$0x2060]  }
0x13a: {  	v8 =	vld.idx.msk [tilespmem:v6+s0+$0x0], $0xffff  }
0x13b: {  	v6 =	vld.idx.msk [tilespmem:v4+s0+$0x0], $0xffff  }
0x13c: {  	v4 =	vld.idx.msk [tilespmem:v9+s0+$0x0], $0xffff  }
0x13d: {  	_ =	sdelay $0x3  }
0x13e: {  	v7 =	vld.idx.msk [tilespmem:v7+s0+$0x0], $0xffff  }
0x13f: {  	v5 =	vld.idx.msk [tilespmem:v5+s0+$0x0], $0xffff  }
0x140: {  	v3 =	vld.idx.msk [tilespmem:v3+s0+$0x0], $0xffff;
	[tilespmem:s1+$0x165F0] =	vst v8  }
0x141: {  	v2 =	vld.idx.msk [tilespmem:v2+s0+$0x0], $0xffff;
	[tilespmem:s1+$0x16580] =	vst v6  }
0x142: {  	v1 =	vld.idx.msk [tilespmem:v1+s0+$0x0], $0xffff;
	[tilespmem:s1+$0x16590] =	vst v4  }
0x143: {  	[tilespmem:s1+$0x165A0] =	vst v7  }
0x144: {  	s2 =	sshll.u32 s31, $0x12;
	[tilespmem:s1+$0x165B0] =	vst v5  }
0x145: {  	s2 =	sadd.s32 s2, s15;
	[tilespmem:s1+$0x165C0] =	vst v3  }
0x146: {  	s3 =	sshrl.u32 s2, $0x3;
	s2 =	sshll.u32 s31, $0x2;
	[tilespmem:s1+$0x165D0] =	vst v2  }
0x147: {  	s3 =	sadd.s32 s3, s20;
	[tilespmem:s1+$0x165E0] =	vst v1;
	s1 =	sadd.s32 $0x4, s2  }
0x148: {  	[hbm4b:s3+s17] =	stream.strided.scatter [tilespmem:s21], [sflag:$0x5], $0x2000, s18, s17, $0x38;
	[tilespmem:$0x1E780] =	vst v63  }
0x149: {  	s5 =	smin.u32 s1, $0x7F  }
0x14a: {  	s3 =	sor.u32 s13, s5  }
0x14b: {  	s3 =	sshll.u32 s3, $0xA  }
0x14c: {  	s6 =	simm.s32 $0x2;
	s5 =	simm.s32 $0x0;
	s3 =	sadd.s32 s4, s3  }
0x14d: {  	[tilespmem:s0], [sflag:$0x1] =	stream.linear.gather [hbm4b:s3+s5], $0x2000, $0x38;
	[tilespmem:$0x1E780] =	vst v63  }
0x14e: {  	_ =	swait.ge [sflag:s6], $0x2000  }
0x14f: {  	s8 =	simm.s32 $0x0;
	[sflag:s6] =	ssyncset.done $0x0  }
0x150: {  	s9 =	simm.s32 $0x6;
	s3 =	sand.u32 $0x1800, s8;
	[sflag:s6] =	ssyncadd.s32 $0xFFFFE000  }
0x151: {  	s8 =	simm.s32 $0x0;
	s6 =	sand.u32 $0x400, s5;
	_ =	swait.ge [sflag:s9], $0x2000  }
0x152: {  	s10 =	sand.u32 $0x380, s8;
	s3 =	sor.u32 s6, s3;
	[sflag:s9] =	ssyncset.done $0x0  }
0x153: {  	s3 =	sor.u32 s10, s3;
	[sflag:s9] =	ssyncadd.s32 $0xFFFFE000  }
0x154: {  	v4 =	vld [tilespmem:s3+$0x2070]  }
0x155: {  	v6 =	vld [tilespmem:s3+$0x2000]  }
0x156: {  	v9 =	vld [tilespmem:s3+$0x2010]  }
0x157: {  	v7 =	vld [tilespmem:s3+$0x2020]  }
0x158: {  	v5 =	vld [tilespmem:s3+$0x2030]  }
0x159: {  	v3 =	vld [tilespmem:s3+$0x2040]  }
0x15a: {  	v2 =	vld [tilespmem:s3+$0x2050]  }
0x15b: {  	v1 =	vld [tilespmem:s3+$0x2060]  }
0x15c: {  	v8 =	vld.idx.msk [tilespmem:v4+s28+$0x0], $0xffff  }
0x15d: {  	v6 =	vld.idx.msk [tilespmem:v6+s28+$0x0], $0xffff  }
0x15e: {  	s8 =	simm.s32 $0x0;
	v4 =	vld.idx.msk [tilespmem:v9+s28+$0x0], $0xffff  }
.LBB2_13:
0x15f: {  	s8 =	sadd.s32 $0x8, s8;
	v7 =	vld.idx.msk [tilespmem:v7+s28+$0x0], $0xffff  }
0x160: {  	s5 =	sadd.s32 $0x400, s5;
	s6 =	sshll.u32 s8, $0x4;
	p0 =	slt.u32 s8, $0x1F8;
	v5 =	vld.idx.msk [tilespmem:v5+s28+$0x0], $0xffff  }
0x161: {  	s9 =	sand.u32 $0x400, s5;
	s10 =	sshll.u32 s8, $0x3;
	s6 =	sand.u32 $0x1800, s6;
	v3 =	vld.idx.msk [tilespmem:v3+s28+$0x0], $0xffff  }
0x162: {  	s6 =	sor.u32 s9, s6;
	s9 =	sand.u32 $0x380, s10;
	v2 =	vld.idx.msk [tilespmem:v2+s28+$0x0], $0xffff;
	[tilespmem:s3+$0x185F0] =	vst v8  }
0x163: {  	s6 =	sor.u32 s9, s6;
	[tilespmem:s3+$0x18580] =	vst v6;
	v1 =	vld.idx.msk [tilespmem:v1+s28+$0x0], $0xffff  }
0x164: {  	v6 =	vld [tilespmem:s6+$0x2070];
	[tilespmem:s3+$0x18590] =	vst v4  }
0x165: {  	v4 =	vld [tilespmem:s6+$0x2000];
	[tilespmem:s3+$0x185A0] =	vst v7  }
0x166: {  	v9 =	vld [tilespmem:s6+$0x2010];
	[tilespmem:s3+$0x185B0] =	vst v5  }
0x167: {  	v7 =	vld [tilespmem:s6+$0x2020];
	[tilespmem:s3+$0x185C0] =	vst v3  }
0x168: {  	v5 =	vld [tilespmem:s6+$0x2030];
	[tilespmem:s3+$0x185D0] =	vst v2  }
0x169: {  	v3 =	vld [tilespmem:s6+$0x2040];
	[tilespmem:s3+$0x185E0] =	vst v1;
	s3 =	smov.u32 s6  }
.Ltmp5:
0x16a: {  	v2 =	vld [tilespmem:s3+$0x2050];
	(pc) =	sbr.rel @p0 .LBB2_13-.Ltmp5, $4  }
0x16b: {  	v1 =	vld [tilespmem:s3+$0x2060]  }
0x16c: {  	v8 =	vld.idx.msk [tilespmem:v6+s28+$0x0], $0xffff  }
0x16d: {  	v6 =	vld.idx.msk [tilespmem:v4+s28+$0x0], $0xffff  }
0x16e: {  	v4 =	vld.idx.msk [tilespmem:v9+s28+$0x0], $0xffff  }
0x16f: {  	_ =	sdelay $0x3  }
0x170: {  	v7 =	vld.idx.msk [tilespmem:v7+s28+$0x0], $0xffff  }
0x171: {  	v5 =	vld.idx.msk [tilespmem:v5+s28+$0x0], $0xffff  }
0x172: {  	v3 =	vld.idx.msk [tilespmem:v3+s28+$0x0], $0xffff;
	[tilespmem:s3+$0x185F0] =	vst v8  }
0x173: {  	v2 =	vld.idx.msk [tilespmem:v2+s28+$0x0], $0xffff;
	[tilespmem:s3+$0x18580] =	vst v6  }
0x174: {  	v1 =	vld.idx.msk [tilespmem:v1+s28+$0x0], $0xffff;
	[tilespmem:s3+$0x18590] =	vst v4  }
0x175: {  	[tilespmem:s3+$0x185A0] =	vst v7  }
0x176: {  	s1 =	sshll.u32 s1, $0x10;
	[tilespmem:s3+$0x185B0] =	vst v5  }
0x177: {  	s1 =	sadd.s32 s12, s1;
	[tilespmem:s3+$0x185C0] =	vst v3  }
0x178: {  	s1 =	sshrl.u32 s1, $0x3;
	[tilespmem:s3+$0x185D0] =	vst v2  }
0x179: {  	s1 =	sadd.s32 s1, s20;
	[tilespmem:s3+$0x185E0] =	vst v1  }
0x17a: {  	[hbm4b:s1+s17] =	stream.strided.scatter [tilespmem:s22], [sflag:$0x6], $0x2000, s18, s17, $0x38;
	[tilespmem:$0x1E780] =	vst v63  }
0x17b: {  	s1 =	sadd.s32 $0x5, s2  }
0x17c: {  	s5 =	smin.u32 s1, $0x7F  }
0x17d: {  	s3 =	sor.u32 s13, s5  }
0x17e: {  	s3 =	sshll.u32 s3, $0xA  }
0x17f: {  	s6 =	simm.s32 $0x3;
	s5 =	simm.s32 $0x0;
	s3 =	sadd.s32 s4, s3  }
0x180: {  	[tilespmem:s28], [sflag:$0x2] =	stream.linear.gather [hbm4b:s3+s5], $0x2000, $0x38;
	[tilespmem:$0x1E780] =	vst v63  }
0x181: {  	_ =	swait.ge [sflag:s6], $0x2000  }
0x182: {  	s8 =	simm.s32 $0x0;
	[sflag:s6] =	ssyncset.done $0x0  }
0x183: {  	s9 =	simm.s32 $0x7;
	s3 =	sand.u32 $0x1800, s8;
	[sflag:s6] =	ssyncadd.s32 $0xFFFFE000  }
0x184: {  	s8 =	simm.s32 $0x0;
	s6 =	sand.u32 $0x400, s5;
	_ =	swait.ge [sflag:s9], $0x2000  }
0x185: {  	s10 =	sand.u32 $0x380, s8;
	s3 =	sor.u32 s6, s3;
	[sflag:s9] =	ssyncset.done $0x0  }
0x186: {  	s3 =	sor.u32 s10, s3;
	[sflag:s9] =	ssyncadd.s32 $0xFFFFE000  }
0x187: {  	v4 =	vld [tilespmem:s3+$0x2070]  }
0x188: {  	v6 =	vld [tilespmem:s3+$0x2000]  }
0x189: {  	v9 =	vld [tilespmem:s3+$0x2010]  }
0x18a: {  	v7 =	vld [tilespmem:s3+$0x2020]  }
0x18b: {  	v5 =	vld [tilespmem:s3+$0x2030]  }
0x18c: {  	v3 =	vld [tilespmem:s3+$0x2040]  }
0x18d: {  	v2 =	vld [tilespmem:s3+$0x2050]  }
0x18e: {  	v1 =	vld [tilespmem:s3+$0x2060]  }
0x18f: {  	v8 =	vld.idx.msk [tilespmem:v4+s30+$0x0], $0xffff  }
0x190: {  	v6 =	vld.idx.msk [tilespmem:v6+s30+$0x0], $0xffff  }
0x191: {  	s8 =	simm.s32 $0x0;
	v4 =	vld.idx.msk [tilespmem:v9+s30+$0x0], $0xffff  }
.LBB2_15:
0x192: {  	s8 =	sadd.s32 $0x8, s8;
	v7 =	vld.idx.msk [tilespmem:v7+s30+$0x0], $0xffff  }
0x193: {  	s5 =	sadd.s32 $0x400, s5;
	s6 =	sshll.u32 s8, $0x4;
	p0 =	slt.u32 s8, $0x1F8;
	v5 =	vld.idx.msk [tilespmem:v5+s30+$0x0], $0xffff  }
0x194: {  	s9 =	sand.u32 $0x400, s5;
	s10 =	sshll.u32 s8, $0x3;
	s6 =	sand.u32 $0x1800, s6;
	v3 =	vld.idx.msk [tilespmem:v3+s30+$0x0], $0xffff  }
0x195: {  	s6 =	sor.u32 s9, s6;
	s9 =	sand.u32 $0x380, s10;
	v2 =	vld.idx.msk [tilespmem:v2+s30+$0x0], $0xffff;
	[tilespmem:s3+$0x1A5F0] =	vst v8  }
0x196: {  	s6 =	sor.u32 s9, s6;
	[tilespmem:s3+$0x1A580] =	vst v6;
	v1 =	vld.idx.msk [tilespmem:v1+s30+$0x0], $0xffff  }
0x197: {  	v6 =	vld [tilespmem:s6+$0x2070];
	[tilespmem:s3+$0x1A590] =	vst v4  }
0x198: {  	v4 =	vld [tilespmem:s6+$0x2000];
	[tilespmem:s3+$0x1A5A0] =	vst v7  }
0x199: {  	v9 =	vld [tilespmem:s6+$0x2010];
	[tilespmem:s3+$0x1A5B0] =	vst v5  }
0x19a: {  	v7 =	vld [tilespmem:s6+$0x2020];
	[tilespmem:s3+$0x1A5C0] =	vst v3  }
0x19b: {  	v5 =	vld [tilespmem:s6+$0x2030];
	[tilespmem:s3+$0x1A5D0] =	vst v2  }
0x19c: {  	v3 =	vld [tilespmem:s6+$0x2040];
	[tilespmem:s3+$0x1A5E0] =	vst v1;
	s3 =	smov.u32 s6  }
.Ltmp6:
0x19d: {  	v2 =	vld [tilespmem:s3+$0x2050];
	(pc) =	sbr.rel @p0 .LBB2_15-.Ltmp6, $4  }
0x19e: {  	v1 =	vld [tilespmem:s3+$0x2060]  }
0x19f: {  	v8 =	vld.idx.msk [tilespmem:v6+s30+$0x0], $0xffff  }
0x1a0: {  	v6 =	vld.idx.msk [tilespmem:v4+s30+$0x0], $0xffff  }
0x1a1: {  	v4 =	vld.idx.msk [tilespmem:v9+s30+$0x0], $0xffff  }
0x1a2: {  	_ =	sdelay $0x3  }
0x1a3: {  	v7 =	vld.idx.msk [tilespmem:v7+s30+$0x0], $0xffff  }
0x1a4: {  	v5 =	vld.idx.msk [tilespmem:v5+s30+$0x0], $0xffff  }
0x1a5: {  	v3 =	vld.idx.msk [tilespmem:v3+s30+$0x0], $0xffff;
	[tilespmem:s3+$0x1A5F0] =	vst v8  }
0x1a6: {  	v2 =	vld.idx.msk [tilespmem:v2+s30+$0x0], $0xffff;
	[tilespmem:s3+$0x1A580] =	vst v6  }
0x1a7: {  	v1 =	vld.idx.msk [tilespmem:v1+s30+$0x0], $0xffff;
	[tilespmem:s3+$0x1A590] =	vst v4  }
0x1a8: {  	[tilespmem:s3+$0x1A5A0] =	vst v7  }
0x1a9: {  	s1 =	sshll.u32 s1, $0x10;
	[tilespmem:s3+$0x1A5B0] =	vst v5  }
0x1aa: {  	s1 =	sadd.s32 s12, s1;
	[tilespmem:s3+$0x1A5C0] =	vst v3  }
0x1ab: {  	s1 =	sshrl.u32 s1, $0x3;
	[tilespmem:s3+$0x1A5D0] =	vst v2  }
0x1ac: {  	s1 =	sadd.s32 s1, s20;
	[tilespmem:s3+$0x1A5E0] =	vst v1  }
0x1ad: {  	[hbm4b:s1+s17] =	stream.strided.scatter [tilespmem:s23], [sflag:$0x7], $0x2000, s18, s17, $0x38;
	[tilespmem:$0x1E780] =	vst v63  }
0x1ae: {  	s1 =	sadd.s32 $0x6, s2  }
0x1af: {  	s5 =	smin.u32 s1, $0x7F  }
0x1b0: {  	s3 =	sor.u32 s13, s5  }
0x1b1: {  	s3 =	sshll.u32 s3, $0xA  }
0x1b2: {  	s6 =	simm.s32 $0x4;
	s5 =	simm.s32 $0x0;
	s3 =	sadd.s32 s4, s3  }
0x1b3: {  	[tilespmem:s30], [sflag:$0x3] =	stream.linear.gather [hbm4b:s3+s5], $0x2000, $0x38;
	[tilespmem:$0x1E780] =	vst v63  }
0x1b4: {  	_ =	swait.ge [sflag:s6], $0x2000  }
0x1b5: {  	s8 =	simm.s32 $0x0;
	[sflag:s6] =	ssyncset.done $0x0  }
0x1b6: {  	s9 =	simm.s32 $0x8;
	s3 =	sand.u32 $0x1800, s8;
	[sflag:s6] =	ssyncadd.s32 $0xFFFFE000  }
0x1b7: {  	s8 =	simm.s32 $0x0;
	s6 =	sand.u32 $0x400, s5;
	_ =	swait.ge [sflag:s9], $0x2000  }
0x1b8: {  	s10 =	sand.u32 $0x380, s8;
	s3 =	sor.u32 s6, s3;
	[sflag:s9] =	ssyncset.done $0x0  }
0x1b9: {  	s3 =	sor.u32 s10, s3;
	[sflag:s9] =	ssyncadd.s32 $0xFFFFE000  }
0x1ba: {  	v4 =	vld [tilespmem:s3+$0x2070]  }
0x1bb: {  	v6 =	vld [tilespmem:s3+$0x2000]  }
0x1bc: {  	v9 =	vld [tilespmem:s3+$0x2010]  }
0x1bd: {  	v7 =	vld [tilespmem:s3+$0x2020]  }
0x1be: {  	v5 =	vld [tilespmem:s3+$0x2030]  }
0x1bf: {  	v3 =	vld [tilespmem:s3+$0x2040]  }
0x1c0: {  	v2 =	vld [tilespmem:s3+$0x2050]  }
0x1c1: {  	v1 =	vld [tilespmem:s3+$0x2060]  }
0x1c2: {  	v8 =	vld.idx.msk [tilespmem:v4+s7+$0x0], $0xffff  }
0x1c3: {  	v6 =	vld.idx.msk [tilespmem:v6+s7+$0x0], $0xffff  }
0x1c4: {  	s8 =	simm.s32 $0x0;
	v4 =	vld.idx.msk [tilespmem:v9+s7+$0x0], $0xffff  }
.LBB2_17:
0x1c5: {  	s8 =	sadd.s32 $0x8, s8;
	v7 =	vld.idx.msk [tilespmem:v7+s7+$0x0], $0xffff  }
0x1c6: {  	s5 =	sadd.s32 $0x400, s5;
	s6 =	sshll.u32 s8, $0x4;
	p0 =	slt.u32 s8, $0x1F8;
	v5 =	vld.idx.msk [tilespmem:v5+s7+$0x0], $0xffff  }
0x1c7: {  	s9 =	sand.u32 $0x400, s5;
	s10 =	sshll.u32 s8, $0x3;
	s6 =	sand.u32 $0x1800, s6;
	v3 =	vld.idx.msk [tilespmem:v3+s7+$0x0], $0xffff  }
0x1c8: {  	s6 =	sor.u32 s9, s6;
	s9 =	sand.u32 $0x380, s10;
	v2 =	vld.idx.msk [tilespmem:v2+s7+$0x0], $0xffff;
	[tilespmem:s3+$0x1C5F0] =	vst v8  }
0x1c9: {  	s6 =	sor.u32 s9, s6;
	[tilespmem:s3+$0x1C580] =	vst v6;
	v1 =	vld.idx.msk [tilespmem:v1+s7+$0x0], $0xffff  }
0x1ca: {  	v6 =	vld [tilespmem:s6+$0x2070];
	[tilespmem:s3+$0x1C590] =	vst v4  }
0x1cb: {  	v4 =	vld [tilespmem:s6+$0x2000];
	[tilespmem:s3+$0x1C5A0] =	vst v7  }
0x1cc: {  	v9 =	vld [tilespmem:s6+$0x2010];
	[tilespmem:s3+$0x1C5B0] =	vst v5  }
0x1cd: {  	v7 =	vld [tilespmem:s6+$0x2020];
	[tilespmem:s3+$0x1C5C0] =	vst v3  }
0x1ce: {  	v5 =	vld [tilespmem:s6+$0x2030];
	[tilespmem:s3+$0x1C5D0] =	vst v2  }
0x1cf: {  	v3 =	vld [tilespmem:s6+$0x2040];
	[tilespmem:s3+$0x1C5E0] =	vst v1;
	s3 =	smov.u32 s6  }
.Ltmp7:
0x1d0: {  	v2 =	vld [tilespmem:s3+$0x2050];
	(pc) =	sbr.rel @p0 .LBB2_17-.Ltmp7, $4  }
0x1d1: {  	v1 =	vld [tilespmem:s3+$0x2060]  }
0x1d2: {  	v8 =	vld.idx.msk [tilespmem:v6+s7+$0x0], $0xffff  }
0x1d3: {  	v6 =	vld.idx.msk [tilespmem:v4+s7+$0x0], $0xffff  }
0x1d4: {  	v4 =	vld.idx.msk [tilespmem:v9+s7+$0x0], $0xffff  }
0x1d5: {  	_ =	sdelay $0x3  }
0x1d6: {  	v7 =	vld.idx.msk [tilespmem:v7+s7+$0x0], $0xffff  }
0x1d7: {  	v5 =	vld.idx.msk [tilespmem:v5+s7+$0x0], $0xffff  }
0x1d8: {  	v3 =	vld.idx.msk [tilespmem:v3+s7+$0x0], $0xffff;
	[tilespmem:s3+$0x1C5F0] =	vst v8  }
0x1d9: {  	v2 =	vld.idx.msk [tilespmem:v2+s7+$0x0], $0xffff;
	[tilespmem:s3+$0x1C580] =	vst v6  }
0x1da: {  	v1 =	vld.idx.msk [tilespmem:v1+s7+$0x0], $0xffff;
	[tilespmem:s3+$0x1C590] =	vst v4  }
0x1db: {  	[tilespmem:s3+$0x1C5A0] =	vst v7  }
0x1dc: {  	s1 =	sshll.u32 s1, $0x10;
	[tilespmem:s3+$0x1C5B0] =	vst v5  }
0x1dd: {  	s1 =	sadd.s32 s12, s1;
	[tilespmem:s3+$0x1C5C0] =	vst v3  }
0x1de: {  	s31 =	sadd.s32 $0x1, s31;
	s1 =	sshrl.u32 s1, $0x3;
	[tilespmem:s3+$0x1C5D0] =	vst v2  }
0x1df: {  	p0 =	sne.s32 s31, $0x20;
	s1 =	sadd.s32 s1, s20;
	[tilespmem:s3+$0x1C5E0] =	vst v1  }
0x1e0: {  	[hbm4b:s1+s17] =	stream.strided.scatter [tilespmem:s24], [sflag:$0x8], $0x2000, s18, s17, $0x38;
	[tilespmem:$0x1E780] =	vst v63  }
.Ltmp8:
0x1e1: {  	s10 =	smin.u32 s2, $0x78;
	(pc) =	sbr.rel @p0 .LBB2_10-.Ltmp8, $4  }
0x1e2: {  	s1 =	sadd.s32 s10, s16  }
0x1e3: {  	s1 =	sshll.u32 s1, $0xA  }
0x1e4: {  	s1 =	sadd.s32 s4, s1  }
0x1e5: {  	[tilespmem:s7], [sflag:$0x4] =	stream.linear.gather [hbm4b:s1+s11], $0x2000, $0x38;
	[tilespmem:$0x1E780] =	vst v63  }
0x1e6: {  	_ =	swait.ge [sflag:s25], $0x2000  }
0x1e7: {  	[sflag:s25] =	ssyncset.done $0x0  }
0x1e8: {  	[sflag:s25] =	ssyncadd.s32 $0xFFFFE000  }
0x1e9: {  	_ =	swait.ge [sflag:s29], $0x2000  }
0x1ea: {  	[sflag:s29] =	ssyncset.done $0x0  }
0x1eb: {  	s1 =	simm.s32 $0x2;
	[sflag:s29] =	ssyncadd.s32 $0xFFFFE000  }
0x1ec: {  	_ =	swait.ge [sflag:s1], $0x2000  }
0x1ed: {  	[sflag:s1] =	ssyncset.done $0x0  }
0x1ee: {  	s23 =	simm.s32 $0x6;
	[sflag:s1] =	ssyncadd.s32 $0xFFFFE000  }
0x1ef: {  	_ =	swait.ge [sflag:s23], $0x2000  }
0x1f0: {  	[sflag:s23] =	ssyncset.done $0x0  }
0x1f1: {  	s24 =	simm.s32 $0x3;
	[sflag:s23] =	ssyncadd.s32 $0xFFFFE000  }
0x1f2: {  	_ =	swait.ge [sflag:s24], $0x2000  }
0x1f3: {  	[sflag:s24] =	ssyncset.done $0x0  }
0x1f4: {  	s25 =	simm.s32 $0x7;
	[sflag:s24] =	ssyncadd.s32 $0xFFFFE000  }
0x1f5: {  	_ =	swait.ge [sflag:s25], $0x2000  }
0x1f6: {  	[sflag:s25] =	ssyncset.done $0x0  }
0x1f7: {  	s29 =	simm.s32 $0x4;
	[sflag:s25] =	ssyncadd.s32 $0xFFFFE000  }
0x1f8: {  	_ =	swait.ge [sflag:s29], $0x2000  }
0x1f9: {  	[sflag:s29] =	ssyncset.done $0x0  }
0x1fa: {  	s2 =	simm.s32 $0x8;
	[sflag:s29] =	ssyncadd.s32 $0xFFFFE000  }
0x1fb: {  	_ =	swait.ge [sflag:s2], $0x2000  }
0x1fc: {  	s3 =	rddreg [dreg:$0x15]  }
0x1fd: {  	s31 =	rddreg [dreg:$0x14];
	s3 =	sadd.s32 $0x1, s3  }
0x1fe: {  	p0 =	sne.s32 s3, s31  }
.Ltmp9:
0x1ff: {  	_ = 	snop;
	(pc) =	sbr.rel @p0 .LBB2_1-.Ltmp9, $3  }
0x200: {  	_ =	sdelay $0x1  }
0x201: {  	[sflag:s2] =	ssyncset.done $0x0  }
0x202: {  	[sflag:s2] =	ssyncadd.s32 $0xFFFFE000  }
0x203: {  	_ =	sfence.sel $0x180000  }
0x204: {  	[bflag:$0x0] =	sbarrier.arrive $0xFFFF  }
0x205: {  	_ =	strace $0x90000047  }
0x206: {  	s0 =	stileid.u32;
	[bflag:$0x2] =	sbarrier.arrive $0xFFFF  }
0x207: {  	p0 =	sne.s32 s0, $0x0;
	s0 =	rddreg [dreg:$0x3]  }
0x208: {  	s0 =	sadd.s32 @!p0 $0x100000, s0  }
0x209: {  	[sflag:s0] =	ssyncadd.tile.s32 @!p0 $0x1;
	_ =	shalt  }
.Lfunc_end2:
_tile_overlayer_lowered:
.L_overlay_start_2:
0x20a: {  	(tag) =	ssettag $0x2  }
0x20b: {  	s0 =	rddreg [dreg:$0x0];
	s2 =	stileid.u32  }
0x20c: {  	s1 =	rddreg [dreg:$0x1];
	p0 =	sne.s32 s2, $0x0  }
0x20d: {  	s3 =	rddreg [dreg:$0x2];
	[bflag:$0x3] =	sbarrier.arrive $0xFFFF;
	s2 =	simm.s32 @!p0 $0x1C09  }
0x20e: {  	[timem:s3], [sflag:s2] =	dma.local @!p0 [hbm:s0], s1  }
0x20f: {  	s0 =	simm.s32 @!p0 $0x9  }
0x210: {  	_ =	swait.ge @!p0 [sflag:s0], s1  }
0x211: {  	s1 =	ssub.s32 @!p0 $0x0, s1;
	[sflag:s0] =	ssyncset.done @!p0 $0x0  }
0x212: {  	[sflag:s0] =	ssyncadd.s32 @!p0 s1  }
0x213: {  	[bflag:$0x3] =	sbarrier.arrive $0xFFFF  }
0x214: {  	_ =	shalt  }

</sc_bundles>
